<compile_context>
chip_gen: v7x
topology: tpu7x:2x2x1
jax: 0.10.2.dev20260603
libtpu: 0.0.44.dev20260713+nightly
codegen_flags: <defaults>
</compile_context>

<pallas_src>
import functools

import jax
import jax.numpy as jnp
from jax import lax
from jax.experimental import pallas as pl
from jax.experimental.pallas import tpu as pltpu
from jax.experimental.pallas import tpu_sc as plsc

_K = 16
_C = 512
_B = 8192
_NC = 2
_NS = 16
_NW = _NC * _NS
_BSC = 1536
_BTC = _B - _BSC
_RPW = _BSC // _NW
_CHUNK = 24
_NCHUNK = _RPW // _CHUNK
_EXT = _C + 16
_L = 16


def _sc_body(x_hbm, s_hbm, out_hbm, xbuf, sbuf, acc, sem):
    cid = lax.axis_index("c")
    sid = lax.axis_index("s")
    wid = sid * _NC + cid

    zeros = jnp.zeros((_L,), jnp.float32)
    iota = lax.iota(jnp.int32, _L)

    def _issue(t):
        r0 = wid * _RPW + t * _CHUNK
        pltpu.async_copy(x_hbm.at[pl.ds(r0, _CHUNK), :],
                         xbuf.at[lax.rem(t, 2)], sem)

    def _drain(t):
        r0 = wid * _RPW + t * _CHUNK
        pltpu.make_async_copy(x_hbm.at[pl.ds(r0, _CHUNK), :],
                              xbuf.at[lax.rem(t, 2)], sem).wait()

    _issue(jnp.int32(0))
    pltpu.sync_copy(s_hbm.at[pl.ds(wid * _RPW, _RPW)], sbuf)

    def _zero(i, carry):
        acc[lax.div(i, _EXT // _L), pl.ds(lax.rem(i, _EXT // _L) * _L, _L)] = zeros
        return carry

    lax.fori_loop(0, _K * (_EXT // _L), _zero, 0)

    def _chunk(t, carry):
        @pl.when(t + 1 < _NCHUNK)
        def _():
            _issue(t + 1)

        _drain(t)
        par = lax.rem(t, 2)

        @plsc.parallel_loop(0, _CHUNK, unroll=4)
        def _row(r):
            a0 = jnp.zeros((_L,), jnp.float32)
            a1 = jnp.zeros((_L,), jnp.float32)
            a2 = jnp.zeros((_L,), jnp.float32)
            a3 = jnp.zeros((_L,), jnp.float32)
            for c in range(0, _C // _L, 4):
                v0 = xbuf[par, r, pl.ds(c * _L, _L)]
                v1 = xbuf[par, r, pl.ds((c + 1) * _L, _L)]
                v2 = xbuf[par, r, pl.ds((c + 2) * _L, _L)]
                v3 = xbuf[par, r, pl.ds((c + 3) * _L, _L)]
                a0 = a0 + v0 * v0
                a1 = a1 + v1 * v1
                a2 = a2 + v2 * v2
                a3 = a3 + v3 * v3
            ssq = jnp.sum((a0 + a1) + (a2 + a3))
            sc = jnp.maximum(ssq, jnp.float32(1e-24))
            bits = lax.bitcast_convert_type(sc, jnp.int32)
            bits = jnp.int32(0x5F3759DF) - lax.shift_right_arithmetic(bits, 1)
            y = lax.bitcast_convert_type(bits, jnp.float32)
            half = sc * jnp.float32(0.5)
            for _ in range(4):
                y = y * (jnp.float32(1.5) - half * y * y)
            rinv = jnp.where(ssq >= jnp.float32(1e-24), y, jnp.float32(1e12))

            g0 = (r // _L) * _L
            sv = sbuf[pl.ds(t * _CHUNK + g0, _L)]
            sj = jnp.max(jnp.where(iota == (r - g0), sv, jnp.int32(-1)))
            for c in range(_C // _L):
                v = xbuf[par, r, pl.ds(c * _L, _L)]
                plsc.addupdate(acc.at[sj, pl.ds(c * _L, _L)], v * rinv)
            q = ssq * rinv * rinv
            ext = jnp.where(iota == 0, q,
                            jnp.where(iota == 1, jnp.float32(1.0),
                                      jnp.float32(0.0)))
            plsc.addupdate(acc.at[sj, pl.ds(_C, _L)], ext)

        return carry

    lax.fori_loop(0, _NCHUNK, _chunk, 0)
    pltpu.sync_copy(acc, out_hbm.at[wid])


def _make_sc_call(interpret=False):
    mesh = plsc.VectorSubcoreMesh(
        core_axis_name="c", subcore_axis_name="s",
        num_cores=_NC, num_subcores=_NS)
    return pl.kernel(
        _sc_body,
        out_type=jax.ShapeDtypeStruct((_NW, _K, _EXT), jnp.float32),
        mesh=mesh,
        compiler_params=pltpu.CompilerParams(needs_layout_passes=False),
        scratch_types=[
            pltpu.VMEM((2, _CHUNK, _C), jnp.float32),
            pltpu.VMEM((_RPW,), jnp.int32),
            pltpu.VMEM((_K, _EXT), jnp.float32),
            pltpu.SemaphoreType.DMA,
        ],
        interpret=interpret,
    )


_RB = 512


def _tc_half_body(x_ref, s_ref, o_ref):
    x = x_ref[...]
    ssq = jnp.sum(x * x, axis=1, keepdims=True)
    safe = jnp.maximum(ssq, jnp.float32(1e-24))
    rinv = jnp.where(ssq >= jnp.float32(1e-24), lax.rsqrt(safe),
                     jnp.float32(1e12))
    rinv_row = jnp.transpose(rinv)
    ssq_row = jnp.transpose(ssq)
    scores = s_ref[...]
    lvl = lax.broadcasted_iota(jnp.int32, (_K, 1), 0)
    onehot = (lvl == scores).astype(jnp.float32)
    xs = x * rinv
    xs_hi = xs.astype(jnp.bfloat16)
    xs_lo = (xs - xs_hi.astype(jnp.float32)).astype(jnp.bfloat16)
    oh_bf = onehot.astype(jnp.bfloat16)
    S = (jax.lax.dot(oh_bf, xs_hi, preferred_element_type=jnp.float32)
         + jax.lax.dot(oh_bf, xs_lo, preferred_element_type=jnp.float32))
    q_row = ssq_row * rinv_row * rinv_row
    Qcol = jnp.sum(onehot * q_row, axis=1, keepdims=True)
    ncol = jnp.sum(onehot, axis=1, keepdims=True)
    part = jnp.concatenate(
        [S, Qcol, ncol, jnp.zeros((_K, _EXT - _C - 2), jnp.float32)], axis=1)

    @pl.when(pl.program_id(0) == 0)
    def _():
        o_ref[...] = part

    @pl.when(pl.program_id(0) > 0)
    def _():
        o_ref[...] += part


def _make_tc_half_call(interpret=False):
    off = _BSC // _RB
    return pl.pallas_call(
        _tc_half_body,
        grid=(_BTC // _RB,),
        in_specs=[
            pl.BlockSpec((_RB, _C), lambda i: (i + off, 0)),
            pl.BlockSpec((1, _RB), lambda i: (0, i + off)),
        ],
        out_specs=pl.BlockSpec((_K, _EXT), lambda i: (0, 0)),
        out_shape=jax.ShapeDtypeStruct((_K, _EXT), jnp.float32),
        interpret=interpret,
    )


def _combine_body(p_ref, t_ref, o_ref):
    S = jnp.sum(p_ref[...], axis=0) + t_ref[...]
    Sf = S[:, :_C]
    n = S[:, _C + 1:_C + 2]
    A = Sf[0:_K - 2]
    Bv = Sf[1:_K - 1]
    Cv = Sf[2:_K]
    dbc = jnp.sum(Bv * Cv, axis=1, keepdims=True)
    dac = jnp.sum(A * Cv, axis=1, keepdims=True)
    dab = jnp.sum(A * Bv, axis=1, keepdims=True)
    n1 = n[0:_K - 2]
    n2 = n[1:_K - 1]
    n3 = n[2:_K]
    Q2 = S[1:_K - 1, _C:_C + 1]
    one = jnp.float32(1.0)
    term = (dbc / jnp.maximum(n2 * n3, one)
            - Q2 / jnp.maximum(n2, one)
            - dac / jnp.maximum(n1 * n3, one)
            + dab / jnp.maximum(n1 * n2, one))
    valid = (n1 > 0) & (n2 > 0) & (n3 > 0)
    total = jnp.sum(jnp.where(valid, term, jnp.float32(0.0)))
    o_ref[0, 0] = total / jnp.float32(_K - 2)


def _make_combine_call(interpret=False):
    return pl.pallas_call(
        _combine_body,
        out_shape=jax.ShapeDtypeStruct((1, 1), jnp.float32),
        out_specs=pl.BlockSpec(memory_space=pltpu.SMEM),
        interpret=interpret,
    )


@jax.jit
def kernel(video_features, video_scores):
    partials = _make_sc_call()(video_features, video_scores)
    tc_part = _make_tc_half_call()(video_features,
                                   video_scores.reshape(1, _B))
    out = _make_combine_call()(partials, tc_part)
    return out[0, 0]

# --- scband reference (transcript-rebuilt; emitter-appended) ---
"""Pipeline reference for scband-order-constraint-video-6923487282636 (READ-ONLY COPY).

The authoritative reference and input builder live on the scoring server;
editing this copy changes nothing except your own understanding.
"""

import jax, jax.numpy as jnp
import numpy as np

K_LEVELS = 16

def setup_inputs(seed: int = 0) -> dict:
    key = jax.random.key(seed)
    k1, k2 = jax.random.split(key)
    video_features = jax.random.normal(k1, (8192, 512), dtype=jnp.float32)
    video_scores = jax.random.randint(k2, (8192,), 0, K_LEVELS, dtype=jnp.int32)
    return {"video_features": video_features, "video_scores": video_scores}

def reference(video_features, video_scores):
    # F.normalize(p=2, dim=-1) with eps clamp
    norm = jnp.linalg.norm(video_features, axis=-1, keepdims=True)
    f = video_features / jnp.maximum(norm, 1e-12)
    K = K_LEVELS
    seg = video_scores.astype(jnp.int32)
    # With B=8192 and 16 levels, every level is present, so torch.unique(sorted_scores)
    # yields exactly levels 0..K-1 and inverse_indices == score value.
    counts = jnp.bincount(seg, length=K).astype(jnp.float32)
    S = jax.ops.segment_sum(f, seg, num_segments=K)                      # (K, C) per-level feature sums
    Q = jax.ops.segment_sum(jnp.sum(f * f, axis=-1), seg, num_segments=K)  # (K,) per-level squared-norm sums
    # For groups g1, g2, g3 the torch triple loop computes
    #   mean_{a,b,c} (f2[b]-f1[a]) . (f3[c]-f2[b])
    # Expanding the dot product and averaging gives exactly:
    #   (S2.S3)/(n2*n3) - Q2/n2 - (S1.S3)/(n1*n3) + (S1.S2)/(n1*n2)
    total = jnp.float32(0.0)
    for i in range(K - 2):
        n1, n2, n3 = counts[i], counts[i + 1], counts[i + 2]
        S1, S2, S3 = S[i], S[i + 1], S[i + 2]
        Q2 = Q[i + 1]
        valid = (n1 > 0) & (n2 > 0) & (n3 > 0)
        term = (jnp.dot(S2, S3) / jnp.maximum(n2 * n3, 1.0)
                - Q2 / jnp.maximum(n2, 1.0)
                - jnp.dot(S1, S3) / jnp.maximum(n1 * n3, 1.0)
                + jnp.dot(S1, S2) / jnp.maximum(n1 * n2, 1.0))
        total = total + jnp.where(valid, term, 0.0)
    return total / (K - 2)

if __name__ == "__main__":
    import jax
    _d = setup_inputs()
    print(jax.jit(kernel)(*tuple(_d.values())))

</pallas_src>

<mosaic_0001>
#map = affine_map<(d0, d1) -> (0, 0)>
#map1 = affine_map<(d0, d1) -> (0)>
#map2 = affine_map<(d0, d1) -> (0, 0, 0)>
module attributes {stable_mosaic.version = 14 : i64} {
  func.func @_sc_body(%arg0: i32, %arg1: i32, %arg2: memref<8192x512xf32, #tpu.memory_space<hbm>>, %arg3: memref<8192xi32, #tpu.memory_space<hbm>>, %arg4: memref<32x16x528xf32, #tpu.memory_space<hbm>>, %arg5: memref<2x24x512xf32, #tpu.memory_space<vmem>>, %arg6: memref<48xi32, #tpu.memory_space<vmem>>, %arg7: memref<16x528xf32, #tpu.memory_space<vmem>>, %arg8: memref<!tpu.dma_semaphore, #tpu.memory_space<semaphore_mem>>) attributes {dimension_semantics = [#tpu.dimension_semantics<core_parallel>, #tpu.dimension_semantics<subcore_parallel>], iteration_bounds = array<i64: 2, 16>, scalar_prefetch = 0 : i64, scratch_operands = 4 : i64, tpu.core_type = #tpu.core_type<sc_vector_subcore>, window_params = [{transform_indices = #map}, {transform_indices = #map1}, {transform_indices = #map2}]} {
    %mul3A = arith.constant 2 : i32
    %mul3A_0 = arith.muli %arg1, %mul3A : i32
    %add3A = arith.addi %mul3A_0, %arg0 : i32
    %broadcast_in_dim3A = arith.constant 0.000000e+00 : f32
    %broadcast_in_dim3A_1 = vector.broadcast %broadcast_in_dim3A : f32 to vector<16xf32>
    %iota3A = tpu.iota {dimensions = array<i32: 0>} : vector<16xi32>
    %mul3A_2 = arith.constant 48 : i32
    %mul3A_3 = arith.muli %add3A, %mul3A_2 : i32
    %mul3A_4 = arith.constant 0 : i32
    %mul3A_5 = arith.constant 24 : i32
    %mul3A_6 = arith.muli %mul3A_4, %mul3A_5 : i32
    %add3A_7 = arith.addi %mul3A_3, %mul3A_6 : i32
    %rem3A = arith.constant 0 : i32
    %rem3A_8 = arith.constant 2 : i32
    %rem3A_9 = arith.remsi %rem3A, %rem3A_8 : i32
    %dma_start3A = arith.constant 0 : i32
    %dma_start3A_10 = arith.constant 0 : i32
    %dma_start3A_11 = tpu.memref_slice %arg5[%rem3A_9, %dma_start3A, %dma_start3A_10] : memref<2x24x512xf32, #tpu.memory_space<vmem>> -> memref<1x24x512xf32, #tpu.memory_space<vmem>>
    %dma_start3A_12 = tpu.memref_squeeze %dma_start3A_11 : memref<1x24x512xf32, #tpu.memory_space<vmem>> -> memref<24x512xf32, #tpu.memory_space<vmem>>
    %dma_start3A_13 = arith.constant 0 : i32
    %dma_start3A_14 = tpu.memref_slice %arg2[%add3A_7, %dma_start3A_13] : memref<8192x512xf32, #tpu.memory_space<hbm>> -> memref<24x512xf32, #tpu.memory_space<hbm>>
    %dma_start3A_15 = arith.constant 0 : i32
    %dma_start3A_16 = arith.constant 0 : i32
    %dma_start3A_17 = tpu.memref_slice %arg5[%rem3A_9, %dma_start3A_15, %dma_start3A_16] : memref<2x24x512xf32, #tpu.memory_space<vmem>> -> memref<1x24x512xf32, #tpu.memory_space<vmem>>
    %dma_start3A_18 = tpu.memref_squeeze %dma_start3A_17 : memref<1x24x512xf32, #tpu.memory_space<vmem>> -> memref<24x512xf32, #tpu.memory_space<vmem>>
    %dma_start3A_19 = arith.constant 0 : i32
    %dma_start3A_20 = tpu.memref_slice %arg2[%add3A_7, %dma_start3A_19] : memref<8192x512xf32, #tpu.memory_space<hbm>> -> memref<24x512xf32, #tpu.memory_space<hbm>>
    tpu.enqueue_dma source(%dma_start3A_20 : memref<24x512xf32, #tpu.memory_space<hbm>>) target(%dma_start3A_18 : memref<24x512xf32, #tpu.memory_space<vmem>>) target_semaphore(%arg8 : memref<!tpu.dma_semaphore, #tpu.memory_space<semaphore_mem>>)
    %mul3A_21 = arith.constant 48 : i32
    %mul3A_22 = arith.muli %add3A, %mul3A_21 : i32
    "tpu.region"() ({
      %run_scoped3A = tpu.sem_alloc : memref<!tpu.dma_semaphore, #tpu.memory_space<semaphore_mem>>
      %dma_start3A_34 = tpu.memref_slice %arg3[%mul3A_22] : memref<8192xi32, #tpu.memory_space<hbm>> -> memref<48xi32, #tpu.memory_space<hbm>>
      %dma_start3A_35 = tpu.memref_slice %arg3[%mul3A_22] : memref<8192xi32, #tpu.memory_space<hbm>> -> memref<48xi32, #tpu.memory_space<hbm>>
      tpu.enqueue_dma source(%dma_start3A_35 : memref<48xi32, #tpu.memory_space<hbm>>) target(%arg6 : memref<48xi32, #tpu.memory_space<vmem>>) target_semaphore(%run_scoped3A : memref<!tpu.dma_semaphore, #tpu.memory_space<semaphore_mem>>)
      %dma_wait3A = tpu.memref_slice %arg3[%mul3A_22] : memref<8192xi32, #tpu.memory_space<hbm>> -> memref<48xi32, #tpu.memory_space<hbm>>
      %dma_wait3A_36 = tpu.memref_slice %arg3[%mul3A_22] : memref<8192xi32, #tpu.memory_space<hbm>> -> memref<48xi32, #tpu.memory_space<hbm>>
      tpu.wait_dma2 semaphore(%run_scoped3A : memref<!tpu.dma_semaphore, #tpu.memory_space<semaphore_mem>>) src(%dma_wait3A_36 : memref<48xi32, #tpu.memory_space<hbm>>) dst(%arg6 : memref<48xi32, #tpu.memory_space<vmem>>)
      tpu.yield
    }) : () -> ()
    %scan3A = arith.constant 0 : i32
    %scan3A_23 = arith.constant 0 : i32
    %scan3A_24 = arith.constant 528 : i32
    %scan3A_25 = arith.addi %scan3A_23, %scan3A_24 : i32
    %scan3A_26 = arith.constant 1 : i32
    scf.for %scan3A_34 = %scan3A_23 to %scan3A_25 step %scan3A_26  : i32 {
      %div3A = arith.constant 33 : i32
      %div3A_35 = arith.divsi %scan3A_34, %div3A : i32
      %rem3A_36 = arith.constant 33 : i32
      %rem3A_37 = arith.remsi %scan3A_34, %rem3A_36 : i32
      %mul3A_38 = arith.constant 16 : i32
      %mul3A_39 = arith.muli %rem3A_37, %mul3A_38 : i32
      %swap3A = arith.index_cast %div3A_35 : i32 to index
      %swap3A_40 = arith.index_cast %mul3A_39 : i32 to index
      %swap3A_41 = tpu.vector_load %arg7[%swap3A, %swap3A_40] {strides = array<i32>} : memref<16x528xf32, #tpu.memory_space<vmem>>, vector<16xf32>,
      tpu.vector_store %arg7[%swap3A, %swap3A_40], %broadcast_in_dim3A_1 {strides = array<i32>} : memref<16x528xf32, #tpu.memory_space<vmem>>, vector<16xf32>,
    }
    %scan3A_27 = arith.constant 528 : i32
    %scan3A_28 = arith.constant 0 : i32
    %scan3A_29 = arith.constant 0 : i32
    %scan3A_30 = arith.constant 2 : i32
    %scan3A_31 = arith.addi %scan3A_29, %scan3A_30 : i32
    %scan3A_32 = arith.constant 1 : i32
    scf.for %scan3A_34 = %scan3A_29 to %scan3A_31 step %scan3A_32  : i32 {
      %add3A_35 = arith.constant 1 : i32
      %add3A_36 = arith.addi %scan3A_34, %add3A_35 : i32
      %lt3A = arith.constant 2 : i32
      %lt3A_37 = arith.cmpi slt, %add3A_36, %lt3A : i32
      %convert_element_type3A = arith.extui %lt3A_37 : i1 to i32
      %cond3A = arith.constant 0 : i32
      %cond3A_38 = arith.cmpi ne, %convert_element_type3A, %cond3A : i32
      scf.if %cond3A_38 {
        %add3A_61 = arith.constant 1 : i32
        %add3A_62 = arith.addi %scan3A_34, %add3A_61 : i32
        %mul3A_63 = arith.constant 48 : i32
        %mul3A_64 = arith.muli %add3A, %mul3A_63 : i32
        %mul3A_65 = arith.constant 24 : i32
        %mul3A_66 = arith.muli %add3A_62, %mul3A_65 : i32
        %add3A_67 = arith.addi %mul3A_64, %mul3A_66 : i32
        %rem3A_68 = arith.constant 2 : i32
        %rem3A_69 = arith.remsi %add3A_62, %rem3A_68 : i32
        %dma_start3A_70 = arith.constant 0 : i32
        %dma_start3A_71 = arith.constant 0 : i32
        %dma_start3A_72 = tpu.memref_slice %arg5[%rem3A_69, %dma_start3A_70, %dma_start3A_71] : memref<2x24x512xf32, #tpu.memory_space<vmem>> -> memref<1x24x512xf32, #tpu.memory_space<vmem>>
        %dma_start3A_73 = tpu.memref_squeeze %dma_start3A_72 : memref<1x24x512xf32, #tpu.memory_space<vmem>> -> memref<24x512xf32, #tpu.memory_space<vmem>>
        %dma_start3A_74 = arith.constant 0 : i32
        %dma_start3A_75 = tpu.memref_slice %arg2[%add3A_67, %dma_start3A_74] : memref<8192x512xf32, #tpu.memory_space<hbm>> -> memref<24x512xf32, #tpu.memory_space<hbm>>
        %dma_start3A_76 = arith.constant 0 : i32
        %dma_start3A_77 = arith.constant 0 : i32
        %dma_start3A_78 = tpu.memref_slice %arg5[%rem3A_69, %dma_start3A_76, %dma_start3A_77] : memref<2x24x512xf32, #tpu.memory_space<vmem>> -> memref<1x24x512xf32, #tpu.memory_space<vmem>>
        %dma_start3A_79 = tpu.memref_squeeze %dma_start3A_78 : memref<1x24x512xf32, #tpu.memory_space<vmem>> -> memref<24x512xf32, #tpu.memory_space<vmem>>
        %dma_start3A_80 = arith.constant 0 : i32
        %dma_start3A_81 = tpu.memref_slice %arg2[%add3A_67, %dma_start3A_80] : memref<8192x512xf32, #tpu.memory_space<hbm>> -> memref<24x512xf32, #tpu.memory_space<hbm>>
        tpu.enqueue_dma source(%dma_start3A_81 : memref<24x512xf32, #tpu.memory_space<hbm>>) target(%dma_start3A_79 : memref<24x512xf32, #tpu.memory_space<vmem>>) target_semaphore(%arg8 : memref<!tpu.dma_semaphore, #tpu.memory_space<semaphore_mem>>)
      } else {
      }
      %mul3A_39 = arith.constant 48 : i32
      %mul3A_40 = arith.muli %add3A, %mul3A_39 : i32
      %mul3A_41 = arith.constant 24 : i32
      %mul3A_42 = arith.muli %scan3A_34, %mul3A_41 : i32
      %add3A_43 = arith.addi %mul3A_40, %mul3A_42 : i32
      %rem3A_44 = arith.constant 2 : i32
      %rem3A_45 = arith.remsi %scan3A_34, %rem3A_44 : i32
      %dma_wait3A = arith.constant 0 : i32
      %dma_wait3A_46 = arith.constant 0 : i32
      %dma_wait3A_47 = tpu.memref_slice %arg5[%rem3A_45, %dma_wait3A, %dma_wait3A_46] : memref<2x24x512xf32, #tpu.memory_space<vmem>> -> memref<1x24x512xf32, #tpu.memory_space<vmem>>
      %dma_wait3A_48 = tpu.memref_squeeze %dma_wait3A_47 : memref<1x24x512xf32, #tpu.memory_space<vmem>> -> memref<24x512xf32, #tpu.memory_space<vmem>>
      %dma_wait3A_49 = arith.constant 0 : i32
      %dma_wait3A_50 = tpu.memref_slice %arg2[%add3A_43, %dma_wait3A_49] : memref<8192x512xf32, #tpu.memory_space<hbm>> -> memref<24x512xf32, #tpu.memory_space<hbm>>
      %dma_wait3A_51 = arith.constant 0 : i32
      %dma_wait3A_52 = arith.constant 0 : i32
      %dma_wait3A_53 = tpu.memref_slice %arg5[%rem3A_45, %dma_wait3A_51, %dma_wait3A_52] : memref<2x24x512xf32, #tpu.memory_space<vmem>> -> memref<1x24x512xf32, #tpu.memory_space<vmem>>
      %dma_wait3A_54 = tpu.memref_squeeze %dma_wait3A_53 : memref<1x24x512xf32, #tpu.memory_space<vmem>> -> memref<24x512xf32, #tpu.memory_space<vmem>>
      %dma_wait3A_55 = arith.constant 0 : i32
      %dma_wait3A_56 = tpu.memref_slice %arg2[%add3A_43, %dma_wait3A_55] : memref<8192x512xf32, #tpu.memory_space<hbm>> -> memref<24x512xf32, #tpu.memory_space<hbm>>
      tpu.wait_dma2 semaphore(%arg8 : memref<!tpu.dma_semaphore, #tpu.memory_space<semaphore_mem>>) src(%dma_wait3A_56 : memref<24x512xf32, #tpu.memory_space<hbm>>) dst(%dma_wait3A_54 : memref<24x512xf32, #tpu.memory_space<vmem>>)
      %rem3A_57 = arith.constant 2 : i32
      %rem3A_58 = arith.remsi %scan3A_34, %rem3A_57 : i32
      %parallel_loop3A = arith.constant 0 : i32
      %parallel_loop3A_59 = arith.constant 24 : i32
      %parallel_loop3A_60 = arith.constant 1 : i32
      scf.for %parallel_loop3A_61 = %parallel_loop3A to %parallel_loop3A_59 step %parallel_loop3A_60  : i32 {
        %parallel_loop3A_62 = arith.constant 0.000000e+00 : f32
        %parallel_loop3A_63 = vector.broadcast %parallel_loop3A_62 : f32 to vector<16xf32>
        %parallel_loop3A_64 = arith.constant 0.000000e+00 : f32
        %parallel_loop3A_65 = vector.broadcast %parallel_loop3A_64 : f32 to vector<16xf32>
        %parallel_loop3A_66 = arith.constant 0.000000e+00 : f32
        %parallel_loop3A_67 = vector.broadcast %parallel_loop3A_66 : f32 to vector<16xf32>
        %parallel_loop3A_68 = arith.constant 0.000000e+00 : f32
        %parallel_loop3A_69 = vector.broadcast %parallel_loop3A_68 : f32 to vector<16xf32>
        %parallel_loop3A_70 = arith.index_cast %rem3A_58 : i32 to index
        %parallel_loop3A_71 = arith.index_cast %parallel_loop3A_61 : i32 to index
        %parallel_loop3A_72 = arith.constant 0 : index
        %parallel_loop3A_73 = tpu.vector_load %arg5[%parallel_loop3A_70, %parallel_loop3A_71, %parallel_loop3A_72] {strides = array<i32>} : memref<2x24x512xf32, #tpu.memory_space<vmem>>, vector<16xf32>,
        %parallel_loop3A_74 = arith.index_cast %rem3A_58 : i32 to index
        %parallel_loop3A_75 = arith.index_cast %parallel_loop3A_61 : i32 to index
        %parallel_loop3A_76 = arith.constant 16 : index
        %parallel_loop3A_77 = tpu.vector_load %arg5[%parallel_loop3A_74, %parallel_loop3A_75, %parallel_loop3A_76] {strides = array<i32>} : memref<2x24x512xf32, #tpu.memory_space<vmem>>, vector<16xf32>,
        %parallel_loop3A_78 = arith.index_cast %rem3A_58 : i32 to index
        %parallel_loop3A_79 = arith.index_cast %parallel_loop3A_61 : i32 to index
        %parallel_loop3A_80 = arith.constant 32 : index
        %parallel_loop3A_81 = tpu.vector_load %arg5[%parallel_loop3A_78, %parallel_loop3A_79, %parallel_loop3A_80] {strides = array<i32>} : memref<2x24x512xf32, #tpu.memory_space<vmem>>, vector<16xf32>,
        %parallel_loop3A_82 = arith.index_cast %rem3A_58 : i32 to index
        %parallel_loop3A_83 = arith.index_cast %parallel_loop3A_61 : i32 to index
        %parallel_loop3A_84 = arith.constant 48 : index
        %parallel_loop3A_85 = tpu.vector_load %arg5[%parallel_loop3A_82, %parallel_loop3A_83, %parallel_loop3A_84] {strides = array<i32>} : memref<2x24x512xf32, #tpu.memory_space<vmem>>, vector<16xf32>,
        %parallel_loop3A_86 = arith.mulf %parallel_loop3A_73, %parallel_loop3A_73 : vector<16xf32>
        %parallel_loop3A_87 = arith.addf %parallel_loop3A_63, %parallel_loop3A_86 : vector<16xf32>
        %parallel_loop3A_88 = arith.mulf %parallel_loop3A_77, %parallel_loop3A_77 : vector<16xf32>
        %parallel_loop3A_89 = arith.addf %parallel_loop3A_65, %parallel_loop3A_88 : vector<16xf32>
        %parallel_loop3A_90 = arith.mulf %parallel_loop3A_81, %parallel_loop3A_81 : vector<16xf32>
        %parallel_loop3A_91 = arith.addf %parallel_loop3A_67, %parallel_loop3A_90 : vector<16xf32>
        %parallel_loop3A_92 = arith.mulf %parallel_loop3A_85, %parallel_loop3A_85 : vector<16xf32>
        %parallel_loop3A_93 = arith.addf %parallel_loop3A_69, %parallel_loop3A_92 : vector<16xf32>
        %parallel_loop3A_94 = arith.index_cast %rem3A_58 : i32 to index
        %parallel_loop3A_95 = arith.index_cast %parallel_loop3A_61 : i32 to index
        %parallel_loop3A_96 = arith.constant 64 : index
        %parallel_loop3A_97 = tpu.vector_load %arg5[%parallel_loop3A_94, %parallel_loop3A_95, %parallel_loop3A_96] {strides = array<i32>} : memref<2x24x512xf32, #tpu.memory_space<vmem>>, vector<16xf32>,
        %parallel_loop3A_98 = arith.index_cast %rem3A_58 : i32 to index
        %parallel_loop3A_99 = arith.index_cast %parallel_loop3A_61 : i32 to index
        %parallel_loop3A_100 = arith.constant 80 : index
        %parallel_loop3A_101 = tpu.vector_load %arg5[%parallel_loop3A_98, %parallel_loop3A_99, %parallel_loop3A_100] {strides = array<i32>} : memref<2x24x512xf32, #tpu.memory_space<vmem>>, vector<16xf32>,
        %parallel_loop3A_102 = arith.index_cast %rem3A_58 : i32 to index
        %parallel_loop3A_103 = arith.index_cast %parallel_loop3A_61 : i32 to index
        %parallel_loop3A_104 = arith.constant 96 : index
        %parallel_loop3A_105 = tpu.vector_load %arg5[%parallel_loop3A_102, %parallel_loop3A_103, %parallel_loop3A_104] {strides = array<i32>} : memref<2x24x512xf32, #tpu.memory_space<vmem>>, vector<16xf32>,
        %parallel_loop3A_106 = arith.index_cast %rem3A_58 : i32 to index
        %parallel_loop3A_107 = arith.index_cast %parallel_loop3A_61 : i32 to index
        %parallel_loop3A_108 = arith.constant 112 : index
        %parallel_loop3A_109 = tpu.vector_load %arg5[%parallel_loop3A_106, %parallel_loop3A_107, %parallel_loop3A_108] {strides = array<i32>} : memref<2x24x512xf32, #tpu.memory_space<vmem>>, vector<16xf32>,
        %parallel_loop3A_110 = arith.mulf %parallel_loop3A_97, %parallel_loop3A_97 : vector<16xf32>
        %parallel_loop3A_111 = arith.addf %parallel_loop3A_87, %parallel_loop3A_110 : vector<16xf32>
        %parallel_loop3A_112 = arith.mulf %parallel_loop3A_101, %parallel_loop3A_101 : vector<16xf32>
        %parallel_loop3A_113 = arith.addf %parallel_loop3A_89, %parallel_loop3A_112 : vector<16xf32>
        %parallel_loop3A_114 = arith.mulf %parallel_loop3A_105, %parallel_loop3A_105 : vector<16xf32>
        %parallel_loop3A_115 = arith.addf %parallel_loop3A_91, %parallel_loop3A_114 : vector<16xf32>
        %parallel_loop3A_116 = arith.mulf %parallel_loop3A_109, %parallel_loop3A_109 : vector<16xf32>
        %parallel_loop3A_117 = arith.addf %parallel_loop3A_93, %parallel_loop3A_116 : vector<16xf32>
        %parallel_loop3A_118 = arith.index_cast %rem3A_58 : i32 to index
        %parallel_loop3A_119 = arith.index_cast %parallel_loop3A_61 : i32 to index
        %parallel_loop3A_120 = arith.constant 128 : index
        %parallel_loop3A_121 = tpu.vector_load %arg5[%parallel_loop3A_118, %parallel_loop3A_119, %parallel_loop3A_120] {strides = array<i32>} : memref<2x24x512xf32, #tpu.memory_space<vmem>>, vector<16xf32>,
        %parallel_loop3A_122 = arith.index_cast %rem3A_58 : i32 to index
        %parallel_loop3A_123 = arith.index_cast %parallel_loop3A_61 : i32 to index
        %parallel_loop3A_124 = arith.constant 144 : index
        %parallel_loop3A_125 = tpu.vector_load %arg5[%parallel_loop3A_122, %parallel_loop3A_123, %parallel_loop3A_124] {strides = array<i32>} : memref<2x24x512xf32, #tpu.memory_space<vmem>>, vector<16xf32>,
        %parallel_loop3A_126 = arith.index_cast %rem3A_58 : i32 to index
        %parallel_loop3A_127 = arith.index_cast %parallel_loop3A_61 : i32 to index
        %parallel_loop3A_128 = arith.constant 160 : index
        %parallel_loop3A_129 = tpu.vector_load %arg5[%parallel_loop3A_126, %parallel_loop3A_127, %parallel_loop3A_128] {strides = array<i32>} : memref<2x24x512xf32, #tpu.memory_space<vmem>>, vector<16xf32>,
        %parallel_loop3A_130 = arith.index_cast %rem3A_58 : i32 to index
        %parallel_loop3A_131 = arith.index_cast %parallel_loop3A_61 : i32 to index
        %parallel_loop3A_132 = arith.constant 176 : index
        %parallel_loop3A_133 = tpu.vector_load %arg5[%parallel_loop3A_130, %parallel_loop3A_131, %parallel_loop3A_132] {strides = array<i32>} : memref<2x24x512xf32, #tpu.memory_space<vmem>>, vector<16xf32>,
        %parallel_loop3A_134 = arith.mulf %parallel_loop3A_121, %parallel_loop3A_121 : vector<16xf32>
        %parallel_loop3A_135 = arith.addf %parallel_loop3A_111, %parallel_loop3A_134 : vector<16xf32>
        %parallel_loop3A_136 = arith.mulf %parallel_loop3A_125, %parallel_loop3A_125 : vector<16xf32>
        %parallel_loop3A_137 = arith.addf %parallel_loop3A_113, %parallel_loop3A_136 : vector<16xf32>
        %parallel_loop3A_138 = arith.mulf %parallel_loop3A_129, %parallel_loop3A_129 : vector<16xf32>
        %parallel_loop3A_139 = arith.addf %parallel_loop3A_115, %parallel_loop3A_138 : vector<16xf32>
        %parallel_loop3A_140 = arith.mulf %parallel_loop3A_133, %parallel_loop3A_133 : vector<16xf32>
        %parallel_loop3A_141 = arith.addf %parallel_loop3A_117, %parallel_loop3A_140 : vector<16xf32>
        %parallel_loop3A_142 = arith.index_cast %rem3A_58 : i32 to index
        %parallel_loop3A_143 = arith.index_cast %parallel_loop3A_61 : i32 to index
        %parallel_loop3A_144 = arith.constant 192 : index
        %parallel_loop3A_145 = tpu.vector_load %arg5[%parallel_loop3A_142, %parallel_loop3A_143, %parallel_loop3A_144] {strides = array<i32>} : memref<2x24x512xf32, #tpu.memory_space<vmem>>, vector<16xf32>,
        %parallel_loop3A_146 = arith.index_cast %rem3A_58 : i32 to index
        %parallel_loop3A_147 = arith.index_cast %parallel_loop3A_61 : i32 to index
        %parallel_loop3A_148 = arith.constant 208 : index
        %parallel_loop3A_149 = tpu.vector_load %arg5[%parallel_loop3A_146, %parallel_loop3A_147, %parallel_loop3A_148] {strides = array<i32>} : memref<2x24x512xf32, #tpu.memory_space<vmem>>, vector<16xf32>,
        %parallel_loop3A_150 = arith.index_cast %rem3A_58 : i32 to index
        %parallel_loop3A_151 = arith.index_cast %parallel_loop3A_61 : i32 to index
        %parallel_loop3A_152 = arith.constant 224 : index
        %parallel_loop3A_153 = tpu.vector_load %arg5[%parallel_loop3A_150, %parallel_loop3A_151, %parallel_loop3A_152] {strides = array<i32>} : memref<2x24x512xf32, #tpu.memory_space<vmem>>, vector<16xf32>,
        %parallel_loop3A_154 = arith.index_cast %rem3A_58 : i32 to index
        %parallel_loop3A_155 = arith.index_cast %parallel_loop3A_61 : i32 to index
        %parallel_loop3A_156 = arith.constant 240 : index
        %parallel_loop3A_157 = tpu.vector_load %arg5[%parallel_loop3A_154, %parallel_loop3A_155, %parallel_loop3A_156] {strides = array<i32>} : memref<2x24x512xf32, #tpu.memory_space<vmem>>, vector<16xf32>,
        %parallel_loop3A_158 = arith.mulf %parallel_loop3A_145, %parallel_loop3A_145 : vector<16xf32>
        %parallel_loop3A_159 = arith.addf %parallel_loop3A_135, %parallel_loop3A_158 : vector<16xf32>
        %parallel_loop3A_160 = arith.mulf %parallel_loop3A_149, %parallel_loop3A_149 : vector<16xf32>
        %parallel_loop3A_161 = arith.addf %parallel_loop3A_137, %parallel_loop3A_160 : vector<16xf32>
        %parallel_loop3A_162 = arith.mulf %parallel_loop3A_153, %parallel_loop3A_153 : vector<16xf32>
        %parallel_loop3A_163 = arith.addf %parallel_loop3A_139, %parallel_loop3A_162 : vector<16xf32>
        %parallel_loop3A_164 = arith.mulf %parallel_loop3A_157, %parallel_loop3A_157 : vector<16xf32>
        %parallel_loop3A_165 = arith.addf %parallel_loop3A_141, %parallel_loop3A_164 : vector<16xf32>
        %parallel_loop3A_166 = arith.index_cast %rem3A_58 : i32 to index
        %parallel_loop3A_167 = arith.index_cast %parallel_loop3A_61 : i32 to index
        %parallel_loop3A_168 = arith.constant 256 : index
        %parallel_loop3A_169 = tpu.vector_load %arg5[%parallel_loop3A_166, %parallel_loop3A_167, %parallel_loop3A_168] {strides = array<i32>} : memref<2x24x512xf32, #tpu.memory_space<vmem>>, vector<16xf32>,
        %parallel_loop3A_170 = arith.index_cast %rem3A_58 : i32 to index
        %parallel_loop3A_171 = arith.index_cast %parallel_loop3A_61 : i32 to index
        %parallel_loop3A_172 = arith.constant 272 : index
        %parallel_loop3A_173 = tpu.vector_load %arg5[%parallel_loop3A_170, %parallel_loop3A_171, %parallel_loop3A_172] {strides = array<i32>} : memref<2x24x512xf32, #tpu.memory_space<vmem>>, vector<16xf32>,
        %parallel_loop3A_174 = arith.index_cast %rem3A_58 : i32 to index
        %parallel_loop3A_175 = arith.index_cast %parallel_loop3A_61 : i32 to index
        %parallel_loop3A_176 = arith.constant 288 : index
        %parallel_loop3A_177 = tpu.vector_load %arg5[%parallel_loop3A_174, %parallel_loop3A_175, %parallel_loop3A_176] {strides = array<i32>} : memref<2x24x512xf32, #tpu.memory_space<vmem>>, vector<16xf32>,
        %parallel_loop3A_178 = arith.index_cast %rem3A_58 : i32 to index
        %parallel_loop3A_179 = arith.index_cast %parallel_loop3A_61 : i32 to index
        %parallel_loop3A_180 = arith.constant 304 : index
        %parallel_loop3A_181 = tpu.vector_load %arg5[%parallel_loop3A_178, %parallel_loop3A_179, %parallel_loop3A_180] {strides = array<i32>} : memref<2x24x512xf32, #tpu.memory_space<vmem>>, vector<16xf32>,
        %parallel_loop3A_182 = arith.mulf %parallel_loop3A_169, %parallel_loop3A_169 : vector<16xf32>
        %parallel_loop3A_183 = arith.addf %parallel_loop3A_159, %parallel_loop3A_182 : vector<16xf32>
        %parallel_loop3A_184 = arith.mulf %parallel_loop3A_173, %parallel_loop3A_173 : vector<16xf32>
        %parallel_loop3A_185 = arith.addf %parallel_loop3A_161, %parallel_loop3A_184 : vector<16xf32>
        %parallel_loop3A_186 = arith.mulf %parallel_loop3A_177, %parallel_loop3A_177 : vector<16xf32>
        %parallel_loop3A_187 = arith.addf %parallel_loop3A_163, %parallel_loop3A_186 : vector<16xf32>
        %parallel_loop3A_188 = arith.mulf %parallel_loop3A_181, %parallel_loop3A_181 : vector<16xf32>
        %parallel_loop3A_189 = arith.addf %parallel_loop3A_165, %parallel_loop3A_188 : vector<16xf32>
        %parallel_loop3A_190 = arith.index_cast %rem3A_58 : i32 to index
        %parallel_loop3A_191 = arith.index_cast %parallel_loop3A_61 : i32 to index
        %parallel_loop3A_192 = arith.constant 320 : index
        %parallel_loop3A_193 = tpu.vector_load %arg5[%parallel_loop3A_190, %parallel_loop3A_191, %parallel_loop3A_192] {strides = array<i32>} : memref<2x24x512xf32, #tpu.memory_space<vmem>>, vector<16xf32>,
        %parallel_loop3A_194 = arith.index_cast %rem3A_58 : i32 to index
        %parallel_loop3A_195 = arith.index_cast %parallel_loop3A_61 : i32 to index
        %parallel_loop3A_196 = arith.constant 336 : index
        %parallel_loop3A_197 = tpu.vector_load %arg5[%parallel_loop3A_194, %parallel_loop3A_195, %parallel_loop3A_196] {strides = array<i32>} : memref<2x24x512xf32, #tpu.memory_space<vmem>>, vector<16xf32>,
        %parallel_loop3A_198 = arith.index_cast %rem3A_58 : i32 to index
        %parallel_loop3A_199 = arith.index_cast %parallel_loop3A_61 : i32 to index
        %parallel_loop3A_200 = arith.constant 352 : index
        %parallel_loop3A_201 = tpu.vector_load %arg5[%parallel_loop3A_198, %parallel_loop3A_199, %parallel_loop3A_200] {strides = array<i32>} : memref<2x24x512xf32, #tpu.memory_space<vmem>>, vector<16xf32>,
        %parallel_loop3A_202 = arith.index_cast %rem3A_58 : i32 to index
        %parallel_loop3A_203 = arith.index_cast %parallel_loop3A_61 : i32 to index
        %parallel_loop3A_204 = arith.constant 368 : index
        %parallel_loop3A_205 = tpu.vector_load %arg5[%parallel_loop3A_202, %parallel_loop3A_203, %parallel_loop3A_204] {strides = array<i32>} : memref<2x24x512xf32, #tpu.memory_space<vmem>>, vector<16xf32>,
        %parallel_loop3A_206 = arith.mulf %parallel_loop3A_193, %parallel_loop3A_193 : vector<16xf32>
        %parallel_loop3A_207 = arith.addf %parallel_loop3A_183, %parallel_loop3A_206 : vector<16xf32>
        %parallel_loop3A_208 = arith.mulf %parallel_loop3A_197, %parallel_loop3A_197 : vector<16xf32>
        %parallel_loop3A_209 = arith.addf %parallel_loop3A_185, %parallel_loop3A_208 : vector<16xf32>
        %parallel_loop3A_210 = arith.mulf %parallel_loop3A_201, %parallel_loop3A_201 : vector<16xf32>
        %parallel_loop3A_211 = arith.addf %parallel_loop3A_187, %parallel_loop3A_210 : vector<16xf32>
        %parallel_loop3A_212 = arith.mulf %parallel_loop3A_205, %parallel_loop3A_205 : vector<16xf32>
        %parallel_loop3A_213 = arith.addf %parallel_loop3A_189, %parallel_loop3A_212 : vector<16xf32>
        %parallel_loop3A_214 = arith.index_cast %rem3A_58 : i32 to index
        %parallel_loop3A_215 = arith.index_cast %parallel_loop3A_61 : i32 to index
        %parallel_loop3A_216 = arith.constant 384 : index
        %parallel_loop3A_217 = tpu.vector_load %arg5[%parallel_loop3A_214, %parallel_loop3A_215, %parallel_loop3A_216] {strides = array<i32>} : memref<2x24x512xf32, #tpu.memory_space<vmem>>, vector<16xf32>,
        %parallel_loop3A_218 = arith.index_cast %rem3A_58 : i32 to index
        %parallel_loop3A_219 = arith.index_cast %parallel_loop3A_61 : i32 to index
        %parallel_loop3A_220 = arith.constant 400 : index
        %parallel_loop3A_221 = tpu.vector_load %arg5[%parallel_loop3A_218, %parallel_loop3A_219, %parallel_loop3A_220] {strides = array<i32>} : memref<2x24x512xf32, #tpu.memory_space<vmem>>, vector<16xf32>,
        %parallel_loop3A_222 = arith.index_cast %rem3A_58 : i32 to index
        %parallel_loop3A_223 = arith.index_cast %parallel_loop3A_61 : i32 to index
        %parallel_loop3A_224 = arith.constant 416 : index
        %parallel_loop3A_225 = tpu.vector_load %arg5[%parallel_loop3A_222, %parallel_loop3A_223, %parallel_loop3A_224] {strides = array<i32>} : memref<2x24x512xf32, #tpu.memory_space<vmem>>, vector<16xf32>,
        %parallel_loop3A_226 = arith.index_cast %rem3A_58 : i32 to index
        %parallel_loop3A_227 = arith.index_cast %parallel_loop3A_61 : i32 to index
        %parallel_loop3A_228 = arith.constant 432 : index
        %parallel_loop3A_229 = tpu.vector_load %arg5[%parallel_loop3A_226, %parallel_loop3A_227, %parallel_loop3A_228] {strides = array<i32>} : memref<2x24x512xf32, #tpu.memory_space<vmem>>, vector<16xf32>,
        %parallel_loop3A_230 = arith.mulf %parallel_loop3A_217, %parallel_loop3A_217 : vector<16xf32>
        %parallel_loop3A_231 = arith.addf %parallel_loop3A_207, %parallel_loop3A_230 : vector<16xf32>
        %parallel_loop3A_232 = arith.mulf %parallel_loop3A_221, %parallel_loop3A_221 : vector<16xf32>
        %parallel_loop3A_233 = arith.addf %parallel_loop3A_209, %parallel_loop3A_232 : vector<16xf32>
        %parallel_loop3A_234 = arith.mulf %parallel_loop3A_225, %parallel_loop3A_225 : vector<16xf32>
        %parallel_loop3A_235 = arith.addf %parallel_loop3A_211, %parallel_loop3A_234 : vector<16xf32>
        %parallel_loop3A_236 = arith.mulf %parallel_loop3A_229, %parallel_loop3A_229 : vector<16xf32>
        %parallel_loop3A_237 = arith.addf %parallel_loop3A_213, %parallel_loop3A_236 : vector<16xf32>
        %parallel_loop3A_238 = arith.index_cast %rem3A_58 : i32 to index
        %parallel_loop3A_239 = arith.index_cast %parallel_loop3A_61 : i32 to index
        %parallel_loop3A_240 = arith.constant 448 : index
        %parallel_loop3A_241 = tpu.vector_load %arg5[%parallel_loop3A_238, %parallel_loop3A_239, %parallel_loop3A_240] {strides = array<i32>} : memref<2x24x512xf32, #tpu.memory_space<vmem>>, vector<16xf32>,
        %parallel_loop3A_242 = arith.index_cast %rem3A_58 : i32 to index
        %parallel_loop3A_243 = arith.index_cast %parallel_loop3A_61 : i32 to index
        %parallel_loop3A_244 = arith.constant 464 : index
        %parallel_loop3A_245 = tpu.vector_load %arg5[%parallel_loop3A_242, %parallel_loop3A_243, %parallel_loop3A_244] {strides = array<i32>} : memref<2x24x512xf32, #tpu.memory_space<vmem>>, vector<16xf32>,
        %parallel_loop3A_246 = arith.index_cast %rem3A_58 : i32 to index
        %parallel_loop3A_247 = arith.index_cast %parallel_loop3A_61 : i32 to index
        %parallel_loop3A_248 = arith.constant 480 : index
        %parallel_loop3A_249 = tpu.vector_load %arg5[%parallel_loop3A_246, %parallel_loop3A_247, %parallel_loop3A_248] {strides = array<i32>} : memref<2x24x512xf32, #tpu.memory_space<vmem>>, vector<16xf32>,
        %parallel_loop3A_250 = arith.index_cast %rem3A_58 : i32 to index
        %parallel_loop3A_251 = arith.index_cast %parallel_loop3A_61 : i32 to index
        %parallel_loop3A_252 = arith.constant 496 : index
        %parallel_loop3A_253 = tpu.vector_load %arg5[%parallel_loop3A_250, %parallel_loop3A_251, %parallel_loop3A_252] {strides = array<i32>} : memref<2x24x512xf32, #tpu.memory_space<vmem>>, vector<16xf32>,
        %parallel_loop3A_254 = arith.mulf %parallel_loop3A_241, %parallel_loop3A_241 : vector<16xf32>
        %parallel_loop3A_255 = arith.addf %parallel_loop3A_231, %parallel_loop3A_254 : vector<16xf32>
        %parallel_loop3A_256 = arith.mulf %parallel_loop3A_245, %parallel_loop3A_245 : vector<16xf32>
        %parallel_loop3A_257 = arith.addf %parallel_loop3A_233, %parallel_loop3A_256 : vector<16xf32>
        %parallel_loop3A_258 = arith.mulf %parallel_loop3A_249, %parallel_loop3A_249 : vector<16xf32>
        %parallel_loop3A_259 = arith.addf %parallel_loop3A_235, %parallel_loop3A_258 : vector<16xf32>
        %parallel_loop3A_260 = arith.mulf %parallel_loop3A_253, %parallel_loop3A_253 : vector<16xf32>
        %parallel_loop3A_261 = arith.addf %parallel_loop3A_237, %parallel_loop3A_260 : vector<16xf32>
        %parallel_loop3A_262 = arith.addf %parallel_loop3A_255, %parallel_loop3A_257 : vector<16xf32>
        %parallel_loop3A_263 = arith.addf %parallel_loop3A_259, %parallel_loop3A_261 : vector<16xf32>
        %parallel_loop3A_264 = arith.addf %parallel_loop3A_262, %parallel_loop3A_263 : vector<16xf32>
        %parallel_loop3A_265 = arith.constant true
        %parallel_loop3A_266 = vector.broadcast %parallel_loop3A_265 : i1 to vector<16xi1>
        %parallel_loop3A_267 = tpu.scan <sum>, %parallel_loop3A_264 masked %parallel_loop3A_266 : vector<16xf32>, vector<16xi1> -> vector<16xf32>
        %parallel_loop3A_268 = vector.extract %parallel_loop3A_267[15] : f32 from vector<16xf32>
        %parallel_loop3A_269 = arith.constant 1.000000e-24 : f32
        %parallel_loop3A_270 = arith.maximumf %parallel_loop3A_268, %parallel_loop3A_269 : f32
        %parallel_loop3A_271 = arith.bitcast %parallel_loop3A_270 : f32 to i32
        %parallel_loop3A_272 = arith.constant 1 : i32
        %parallel_loop3A_273 = arith.shrsi %parallel_loop3A_271, %parallel_loop3A_272 : i32
        %parallel_loop3A_274 = arith.constant 1597463007 : i32
        %parallel_loop3A_275 = arith.subi %parallel_loop3A_274, %parallel_loop3A_273 : i32
        %parallel_loop3A_276 = arith.bitcast %parallel_loop3A_275 : i32 to f32
        %parallel_loop3A_277 = arith.constant 5.000000e-01 : f32
        %parallel_loop3A_278 = arith.mulf %parallel_loop3A_270, %parallel_loop3A_277 : f32
        %parallel_loop3A_279 = arith.mulf %parallel_loop3A_278, %parallel_loop3A_276 : f32
        %parallel_loop3A_280 = arith.mulf %parallel_loop3A_279, %parallel_loop3A_276 : f32
        %parallel_loop3A_281 = arith.constant 1.500000e+00 : f32
        %parallel_loop3A_282 = arith.subf %parallel_loop3A_281, %parallel_loop3A_280 : f32
        %parallel_loop3A_283 = arith.mulf %parallel_loop3A_276, %parallel_loop3A_282 : f32
        %parallel_loop3A_284 = arith.mulf %parallel_loop3A_278, %parallel_loop3A_283 : f32
        %parallel_loop3A_285 = arith.mulf %parallel_loop3A_284, %parallel_loop3A_283 : f32
        %parallel_loop3A_286 = arith.constant 1.500000e+00 : f32
        %parallel_loop3A_287 = arith.subf %parallel_loop3A_286, %parallel_loop3A_285 : f32
        %parallel_loop3A_288 = arith.mulf %parallel_loop3A_283, %parallel_loop3A_287 : f32
        %parallel_loop3A_289 = arith.mulf %parallel_loop3A_278, %parallel_loop3A_288 : f32
        %parallel_loop3A_290 = arith.mulf %parallel_loop3A_289, %parallel_loop3A_288 : f32
        %parallel_loop3A_291 = arith.constant 1.500000e+00 : f32
        %parallel_loop3A_292 = arith.subf %parallel_loop3A_291, %parallel_loop3A_290 : f32
        %parallel_loop3A_293 = arith.mulf %parallel_loop3A_288, %parallel_loop3A_292 : f32
        %parallel_loop3A_294 = arith.mulf %parallel_loop3A_278, %parallel_loop3A_293 : f32
        %parallel_loop3A_295 = arith.mulf %parallel_loop3A_294, %parallel_loop3A_293 : f32
        %parallel_loop3A_296 = arith.constant 1.500000e+00 : f32
        %parallel_loop3A_297 = arith.subf %parallel_loop3A_296, %parallel_loop3A_295 : f32
        %parallel_loop3A_298 = arith.mulf %parallel_loop3A_293, %parallel_loop3A_297 : f32
        %parallel_loop3A_299 = arith.constant 1.000000e-24 : f32
        %parallel_loop3A_300 = arith.cmpf oge, %parallel_loop3A_268, %parallel_loop3A_299 : f32
        %parallel_loop3A_301 = arith.constant 9.99999995E+11 : f32
        %parallel_loop3A_302 = arith.select %parallel_loop3A_300, %parallel_loop3A_298, %parallel_loop3A_301 : f32
        %parallel_loop3A_303 = arith.constant 16 : i32
        %parallel_loop3A_304 = arith.divsi %parallel_loop3A_61, %parallel_loop3A_303 : i32
        %parallel_loop3A_305 = arith.constant 0 : i32
        %parallel_loop3A_306 = arith.cmpi sgt, %parallel_loop3A_61, %parallel_loop3A_305 : i32
        %parallel_loop3A_307 = arith.extui %parallel_loop3A_306 : i1 to i32
        %parallel_loop3A_308 = arith.constant 0 : i32
        %parallel_loop3A_309 = arith.cmpi slt, %parallel_loop3A_61, %parallel_loop3A_308 : i32
        %parallel_loop3A_310 = arith.extui %parallel_loop3A_309 : i1 to i32
        %parallel_loop3A_311 = arith.subi %parallel_loop3A_307, %parallel_loop3A_310 : i32
        %parallel_loop3A_312 = arith.constant 0 : i32
        %parallel_loop3A_313 = arith.cmpi sgt, %parallel_loop3A_303, %parallel_loop3A_312 : i32
        %parallel_loop3A_314 = arith.extui %parallel_loop3A_313 : i1 to i32
        %parallel_loop3A_315 = arith.constant 0 : i32
        %parallel_loop3A_316 = arith.cmpi slt, %parallel_loop3A_303, %parallel_loop3A_315 : i32
        %parallel_loop3A_317 = arith.extui %parallel_loop3A_316 : i1 to i32
        %parallel_loop3A_318 = arith.subi %parallel_loop3A_314, %parallel_loop3A_317 : i32
        %parallel_loop3A_319 = arith.cmpi ne, %parallel_loop3A_311, %parallel_loop3A_318 : i32
        %parallel_loop3A_320 = arith.remsi %parallel_loop3A_61, %parallel_loop3A_303 : i32
        %parallel_loop3A_321 = arith.constant 0 : i32
        %parallel_loop3A_322 = arith.cmpi ne, %parallel_loop3A_320, %parallel_loop3A_321 : i32
        %parallel_loop3A_323 = arith.andi %parallel_loop3A_319, %parallel_loop3A_322 : i1
        %parallel_loop3A_324 = arith.constant 1 : i32
        %parallel_loop3A_325 = arith.subi %parallel_loop3A_304, %parallel_loop3A_324 : i32
        %parallel_loop3A_326 = arith.select %parallel_loop3A_323, %parallel_loop3A_325, %parallel_loop3A_304 : i32
        %parallel_loop3A_327 = arith.constant 16 : i32
        %parallel_loop3A_328 = arith.muli %parallel_loop3A_326, %parallel_loop3A_327 : i32
        %parallel_loop3A_329 = arith.constant 24 : i32
        %parallel_loop3A_330 = arith.muli %scan3A_34, %parallel_loop3A_329 : i32
        %parallel_loop3A_331 = arith.addi %parallel_loop3A_330, %parallel_loop3A_328 : i32
        %parallel_loop3A_332 = arith.index_cast %parallel_loop3A_331 : i32 to index
        %parallel_loop3A_333 = tpu.vector_load %arg6[%parallel_loop3A_332] {strides = array<i32>} : memref<48xi32, #tpu.memory_space<vmem>>, vector<16xi32>,
        %parallel_loop3A_334 = arith.subi %parallel_loop3A_61, %parallel_loop3A_328 : i32
        %parallel_loop3A_335 = vector.broadcast %parallel_loop3A_334 : i32 to vector<16xi32>
        %parallel_loop3A_336 = arith.cmpi eq, %iota3A, %parallel_loop3A_335 : vector<16xi32>
        %parallel_loop3A_337 = arith.constant -1 : i32
        %parallel_loop3A_338 = vector.broadcast %parallel_loop3A_337 : i32 to vector<16xi32>
        %parallel_loop3A_339 = arith.select %parallel_loop3A_336, %parallel_loop3A_333, %parallel_loop3A_338 : vector<16xi1>, vector<16xi32>
        %parallel_loop3A_340 = arith.constant true
        %parallel_loop3A_341 = vector.broadcast %parallel_loop3A_340 : i1 to vector<16xi1>
        %parallel_loop3A_342 = arith.constant -2147483648 : i32
        %parallel_loop3A_343 = vector.broadcast %parallel_loop3A_342 : i32 to vector<16xi32>
        %parallel_loop3A_344 = arith.xori %parallel_loop3A_339, %parallel_loop3A_343 : vector<16xi32>
        %parallel_loop3A_345 = tpu.scan <max>, %parallel_loop3A_344 masked %parallel_loop3A_341 : vector<16xi32>, vector<16xi1> -> vector<16xi32>
        %parallel_loop3A_346 = arith.xori %parallel_loop3A_345, %parallel_loop3A_343 : vector<16xi32>
        %parallel_loop3A_347 = vector.extract %parallel_loop3A_346[15] : i32 from vector<16xi32>
        %parallel_loop3A_348 = arith.index_cast %rem3A_58 : i32 to index
        %parallel_loop3A_349 = arith.index_cast %parallel_loop3A_61 : i32 to index
        %parallel_loop3A_350 = arith.constant 0 : index
        %parallel_loop3A_351 = tpu.vector_load %arg5[%parallel_loop3A_348, %parallel_loop3A_349, %parallel_loop3A_350] {strides = array<i32>} : memref<2x24x512xf32, #tpu.memory_space<vmem>>, vector<16xf32>,
        %parallel_loop3A_352 = vector.broadcast %parallel_loop3A_302 : f32 to vector<16xf32>
        %parallel_loop3A_353 = arith.mulf %parallel_loop3A_351, %parallel_loop3A_352 : vector<16xf32>
        %parallel_loop3A_354 = arith.index_cast %parallel_loop3A_347 : i32 to index
        %parallel_loop3A_355 = arith.constant 0 : index
        %parallel_loop3A_356 = tpu.vector_load %arg7[%parallel_loop3A_354, %parallel_loop3A_355] {strides = array<i32>} : memref<16x528xf32, #tpu.memory_space<vmem>>, vector<16xf32>,
        tpu.vector_store %arg7[%parallel_loop3A_354, %parallel_loop3A_355], %parallel_loop3A_353 {add = true, strides = array<i32>} : memref<16x528xf32, #tpu.memory_space<vmem>>, vector<16xf32>,
        %parallel_loop3A_357 = arith.index_cast %rem3A_58 : i32 to index
        %parallel_loop3A_358 = arith.index_cast %parallel_loop3A_61 : i32 to index
        %parallel_loop3A_359 = arith.constant 16 : index
        %parallel_loop3A_360 = tpu.vector_load %arg5[%parallel_loop3A_357, %parallel_loop3A_358, %parallel_loop3A_359] {strides = array<i32>} : memref<2x24x512xf32, #tpu.memory_space<vmem>>, vector<16xf32>,
        %parallel_loop3A_361 = vector.broadcast %parallel_loop3A_302 : f32 to vector<16xf32>
        %parallel_loop3A_362 = arith.mulf %parallel_loop3A_360, %parallel_loop3A_361 : vector<16xf32>
        %parallel_loop3A_363 = arith.index_cast %parallel_loop3A_347 : i32 to index
        %parallel_loop3A_364 = arith.constant 16 : index
        %parallel_loop3A_365 = tpu.vector_load %arg7[%parallel_loop3A_363, %parallel_loop3A_364] {strides = array<i32>} : memref<16x528xf32, #tpu.memory_space<vmem>>, vector<16xf32>,
        tpu.vector_store %arg7[%parallel_loop3A_363, %parallel_loop3A_364], %parallel_loop3A_362 {add = true, strides = array<i32>} : memref<16x528xf32, #tpu.memory_space<vmem>>, vector<16xf32>,
        %parallel_loop3A_366 = arith.index_cast %rem3A_58 : i32 to index
        %parallel_loop3A_367 = arith.index_cast %parallel_loop3A_61 : i32 to index
        %parallel_loop3A_368 = arith.constant 32 : index
        %parallel_loop3A_369 = tpu.vector_load %arg5[%parallel_loop3A_366, %parallel_loop3A_367, %parallel_loop3A_368] {strides = array<i32>} : memref<2x24x512xf32, #tpu.memory_space<vmem>>, vector<16xf32>,
        %parallel_loop3A_370 = vector.broadcast %parallel_loop3A_302 : f32 to vector<16xf32>
        %parallel_loop3A_371 = arith.mulf %parallel_loop3A_369, %parallel_loop3A_370 : vector<16xf32>
        %parallel_loop3A_372 = arith.index_cast %parallel_loop3A_347 : i32 to index
        %parallel_loop3A_373 = arith.constant 32 : index
        %parallel_loop3A_374 = tpu.vector_load %arg7[%parallel_loop3A_372, %parallel_loop3A_373] {strides = array<i32>} : memref<16x528xf32, #tpu.memory_space<vmem>>, vector<16xf32>,
        tpu.vector_store %arg7[%parallel_loop3A_372, %parallel_loop3A_373], %parallel_loop3A_371 {add = true, strides = array<i32>} : memref<16x528xf32, #tpu.memory_space<vmem>>, vector<16xf32>,
        %parallel_loop3A_375 = arith.index_cast %rem3A_58 : i32 to index
        %parallel_loop3A_376 = arith.index_cast %parallel_loop3A_61 : i32 to index
        %parallel_loop3A_377 = arith.constant 48 : index
        %parallel_loop3A_378 = tpu.vector_load %arg5[%parallel_loop3A_375, %parallel_loop3A_376, %parallel_loop3A_377] {strides = array<i32>} : memref<2x24x512xf32, #tpu.memory_space<vmem>>, vector<16xf32>,
        %parallel_loop3A_379 = vector.broadcast %parallel_loop3A_302 : f32 to vector<16xf32>
        %parallel_loop3A_380 = arith.mulf %parallel_loop3A_378, %parallel_loop3A_379 : vector<16xf32>
        %parallel_loop3A_381 = arith.index_cast %parallel_loop3A_347 : i32 to index
        %parallel_loop3A_382 = arith.constant 48 : index
        %parallel_loop3A_383 = tpu.vector_load %arg7[%parallel_loop3A_381, %parallel_loop3A_382] {strides = array<i32>} : memref<16x528xf32, #tpu.memory_space<vmem>>, vector<16xf32>,
        tpu.vector_store %arg7[%parallel_loop3A_381, %parallel_loop3A_382], %parallel_loop3A_380 {add = true, strides = array<i32>} : memref<16x528xf32, #tpu.memory_space<vmem>>, vector<16xf32>,
        %parallel_loop3A_384 = arith.index_cast %rem3A_58 : i32 to index
        %parallel_loop3A_385 = arith.index_cast %parallel_loop3A_61 : i32 to index
        %parallel_loop3A_386 = arith.constant 64 : index
        %parallel_loop3A_387 = tpu.vector_load %arg5[%parallel_loop3A_384, %parallel_loop3A_385, %parallel_loop3A_386] {strides = array<i32>} : memref<2x24x512xf32, #tpu.memory_space<vmem>>, vector<16xf32>,
        %parallel_loop3A_388 = vector.broadcast %parallel_loop3A_302 : f32 to vector<16xf32>
        %parallel_loop3A_389 = arith.mulf %parallel_loop3A_387, %parallel_loop3A_388 : vector<16xf32>
        %parallel_loop3A_390 = arith.index_cast %parallel_loop3A_347 : i32 to index
        %parallel_loop3A_391 = arith.constant 64 : index
        %parallel_loop3A_392 = tpu.vector_load %arg7[%parallel_loop3A_390, %parallel_loop3A_391] {strides = array<i32>} : memref<16x528xf32, #tpu.memory_space<vmem>>, vector<16xf32>,
        tpu.vector_store %arg7[%parallel_loop3A_390, %parallel_loop3A_391], %parallel_loop3A_389 {add = true, strides = array<i32>} : memref<16x528xf32, #tpu.memory_space<vmem>>, vector<16xf32>,
        %parallel_loop3A_393 = arith.index_cast %rem3A_58 : i32 to index
        %parallel_loop3A_394 = arith.index_cast %parallel_loop3A_61 : i32 to index
        %parallel_loop3A_395 = arith.constant 80 : index
        %parallel_loop3A_396 = tpu.vector_load %arg5[%parallel_loop3A_393, %parallel_loop3A_394, %parallel_loop3A_395] {strides = array<i32>} : memref<2x24x512xf32, #tpu.memory_space<vmem>>, vector<16xf32>,
        %parallel_loop3A_397 = vector.broadcast %parallel_loop3A_302 : f32 to vector<16xf32>
        %parallel_loop3A_398 = arith.mulf %parallel_loop3A_396, %parallel_loop3A_397 : vector<16xf32>
        %parallel_loop3A_399 = arith.index_cast %parallel_loop3A_347 : i32 to index
        %parallel_loop3A_400 = arith.constant 80 : index
        %parallel_loop3A_401 = tpu.vector_load %arg7[%parallel_loop3A_399, %parallel_loop3A_400] {strides = array<i32>} : memref<16x528xf32, #tpu.memory_space<vmem>>, vector<16xf32>,
        tpu.vector_store %arg7[%parallel_loop3A_399, %parallel_loop3A_400], %parallel_loop3A_398 {add = true, strides = array<i32>} : memref<16x528xf32, #tpu.memory_space<vmem>>, vector<16xf32>,
        %parallel_loop3A_402 = arith.index_cast %rem3A_58 : i32 to index
        %parallel_loop3A_403 = arith.index_cast %parallel_loop3A_61 : i32 to index
        %parallel_loop3A_404 = arith.constant 96 : index
        %parallel_loop3A_405 = tpu.vector_load %arg5[%parallel_loop3A_402, %parallel_loop3A_403, %parallel_loop3A_404] {strides = array<i32>} : memref<2x24x512xf32, #tpu.memory_space<vmem>>, vector<16xf32>,
        %parallel_loop3A_406 = vector.broadcast %parallel_loop3A_302 : f32 to vector<16xf32>
        %parallel_loop3A_407 = arith.mulf %parallel_loop3A_405, %parallel_loop3A_406 : vector<16xf32>
        %parallel_loop3A_408 = arith.index_cast %parallel_loop3A_347 : i32 to index
        %parallel_loop3A_409 = arith.constant 96 : index
        %parallel_loop3A_410 = tpu.vector_load %arg7[%parallel_loop3A_408, %parallel_loop3A_409] {strides = array<i32>} : memref<16x528xf32, #tpu.memory_space<vmem>>, vector<16xf32>,
        tpu.vector_store %arg7[%parallel_loop3A_408, %parallel_loop3A_409], %parallel_loop3A_407 {add = true, strides = array<i32>} : memref<16x528xf32, #tpu.memory_space<vmem>>, vector<16xf32>,
        %parallel_loop3A_411 = arith.index_cast %rem3A_58 : i32 to index
        %parallel_loop3A_412 = arith.index_cast %parallel_loop3A_61 : i32 to index
        %parallel_loop3A_413 = arith.constant 112 : index
        %parallel_loop3A_414 = tpu.vector_load %arg5[%parallel_loop3A_411, %parallel_loop3A_412, %parallel_loop3A_413] {strides = array<i32>} : memref<2x24x512xf32, #tpu.memory_space<vmem>>, vector<16xf32>,
        %parallel_loop3A_415 = vector.broadcast %parallel_loop3A_302 : f32 to vector<16xf32>
        %parallel_loop3A_416 = arith.mulf %parallel_loop3A_414, %parallel_loop3A_415 : vector<16xf32>
        %parallel_loop3A_417 = arith.index_cast %parallel_loop3A_347 : i32 to index
        %parallel_loop3A_418 = arith.constant 112 : index
        %parallel_loop3A_419 = tpu.vector_load %arg7[%parallel_loop3A_417, %parallel_loop3A_418] {strides = array<i32>} : memref<16x528xf32, #tpu.memory_space<vmem>>, vector<16xf32>,
        tpu.vector_store %arg7[%parallel_loop3A_417, %parallel_loop3A_418], %parallel_loop3A_416 {add = true, strides = array<i32>} : memref<16x528xf32, #tpu.memory_space<vmem>>, vector<16xf32>,
        %parallel_loop3A_420 = arith.index_cast %rem3A_58 : i32 to index
        %parallel_loop3A_421 = arith.index_cast %parallel_loop3A_61 : i32 to index
        %parallel_loop3A_422 = arith.constant 128 : index
        %parallel_loop3A_423 = tpu.vector_load %arg5[%parallel_loop3A_420, %parallel_loop3A_421, %parallel_loop3A_422] {strides = array<i32>} : memref<2x24x512xf32, #tpu.memory_space<vmem>>, vector<16xf32>,
        %parallel_loop3A_424 = vector.broadcast %parallel_loop3A_302 : f32 to vector<16xf32>
        %parallel_loop3A_425 = arith.mulf %parallel_loop3A_423, %parallel_loop3A_424 : vector<16xf32>
        %parallel_loop3A_426 = arith.index_cast %parallel_loop3A_347 : i32 to index
        %parallel_loop3A_427 = arith.constant 128 : index
        %parallel_loop3A_428 = tpu.vector_load %arg7[%parallel_loop3A_426, %parallel_loop3A_427] {strides = array<i32>} : memref<16x528xf32, #tpu.memory_space<vmem>>, vector<16xf32>,
        tpu.vector_store %arg7[%parallel_loop3A_426, %parallel_loop3A_427], %parallel_loop3A_425 {add = true, strides = array<i32>} : memref<16x528xf32, #tpu.memory_space<vmem>>, vector<16xf32>,
        %parallel_loop3A_429 = arith.index_cast %rem3A_58 : i32 to index
        %parallel_loop3A_430 = arith.index_cast %parallel_loop3A_61 : i32 to index
        %parallel_loop3A_431 = arith.constant 144 : index
        %parallel_loop3A_432 = tpu.vector_load %arg5[%parallel_loop3A_429, %parallel_loop3A_430, %parallel_loop3A_431] {strides = array<i32>} : memref<2x24x512xf32, #tpu.memory_space<vmem>>, vector<16xf32>,
        %parallel_loop3A_433 = vector.broadcast %parallel_loop3A_302 : f32 to vector<16xf32>
        %parallel_loop3A_434 = arith.mulf %parallel_loop3A_432, %parallel_loop3A_433 : vector<16xf32>
        %parallel_loop3A_435 = arith.index_cast %parallel_loop3A_347 : i32 to index
        %parallel_loop3A_436 = arith.constant 144 : index
        %parallel_loop3A_437 = tpu.vector_load %arg7[%parallel_loop3A_435, %parallel_loop3A_436] {strides = array<i32>} : memref<16x528xf32, #tpu.memory_space<vmem>>, vector<16xf32>,
        tpu.vector_store %arg7[%parallel_loop3A_435, %parallel_loop3A_436], %parallel_loop3A_434 {add = true, strides = array<i32>} : memref<16x528xf32, #tpu.memory_space<vmem>>, vector<16xf32>,
        %parallel_loop3A_438 = arith.index_cast %rem3A_58 : i32 to index
        %parallel_loop3A_439 = arith.index_cast %parallel_loop3A_61 : i32 to index
        %parallel_loop3A_440 = arith.constant 160 : index
        %parallel_loop3A_441 = tpu.vector_load %arg5[%parallel_loop3A_438, %parallel_loop3A_439, %parallel_loop3A_440] {strides = array<i32>} : memref<2x24x512xf32, #tpu.memory_space<vmem>>, vector<16xf32>,
        %parallel_loop3A_442 = vector.broadcast %parallel_loop3A_302 : f32 to vector<16xf32>
        %parallel_loop3A_443 = arith.mulf %parallel_loop3A_441, %parallel_loop3A_442 : vector<16xf32>
        %parallel_loop3A_444 = arith.index_cast %parallel_loop3A_347 : i32 to index
        %parallel_loop3A_445 = arith.constant 160 : index
        %parallel_loop3A_446 = tpu.vector_load %arg7[%parallel_loop3A_444, %parallel_loop3A_445] {strides = array<i32>} : memref<16x528xf32, #tpu.memory_space<vmem>>, vector<16xf32>,
        tpu.vector_store %arg7[%parallel_loop3A_444, %parallel_loop3A_445], %parallel_loop3A_443 {add = true, strides = array<i32>} : memref<16x528xf32, #tpu.memory_space<vmem>>, vector<16xf32>,
        %parallel_loop3A_447 = arith.index_cast %rem3A_58 : i32 to index
        %parallel_loop3A_448 = arith.index_cast %parallel_loop3A_61 : i32 to index
        %parallel_loop3A_449 = arith.constant 176 : index
        %parallel_loop3A_450 = tpu.vector_load %arg5[%parallel_loop3A_447, %parallel_loop3A_448, %parallel_loop3A_449] {strides = array<i32>} : memref<2x24x512xf32, #tpu.memory_space<vmem>>, vector<16xf32>,
        %parallel_loop3A_451 = vector.broadcast %parallel_loop3A_302 : f32 to vector<16xf32>
        %parallel_loop3A_452 = arith.mulf %parallel_loop3A_450, %parallel_loop3A_451 : vector<16xf32>
        %parallel_loop3A_453 = arith.index_cast %parallel_loop3A_347 : i32 to index
        %parallel_loop3A_454 = arith.constant 176 : index
        %parallel_loop3A_455 = tpu.vector_load %arg7[%parallel_loop3A_453, %parallel_loop3A_454] {strides = array<i32>} : memref<16x528xf32, #tpu.memory_space<vmem>>, vector<16xf32>,
        tpu.vector_store %arg7[%parallel_loop3A_453, %parallel_loop3A_454], %parallel_loop3A_452 {add = true, strides = array<i32>} : memref<16x528xf32, #tpu.memory_space<vmem>>, vector<16xf32>,
        %parallel_loop3A_456 = arith.index_cast %rem3A_58 : i32 to index
        %parallel_loop3A_457 = arith.index_cast %parallel_loop3A_61 : i32 to index
        %parallel_loop3A_458 = arith.constant 192 : index
        %parallel_loop3A_459 = tpu.vector_load %arg5[%parallel_loop3A_456, %parallel_loop3A_457, %parallel_loop3A_458] {strides = array<i32>} : memref<2x24x512xf32, #tpu.memory_space<vmem>>, vector<16xf32>,
        %parallel_loop3A_460 = vector.broadcast %parallel_loop3A_302 : f32 to vector<16xf32>
        %parallel_loop3A_461 = arith.mulf %parallel_loop3A_459, %parallel_loop3A_460 : vector<16xf32>
        %parallel_loop3A_462 = arith.index_cast %parallel_loop3A_347 : i32 to index
        %parallel_loop3A_463 = arith.constant 192 : index
        %parallel_loop3A_464 = tpu.vector_load %arg7[%parallel_loop3A_462, %parallel_loop3A_463] {strides = array<i32>} : memref<16x528xf32, #tpu.memory_space<vmem>>, vector<16xf32>,
        tpu.vector_store %arg7[%parallel_loop3A_462, %parallel_loop3A_463], %parallel_loop3A_461 {add = true, strides = array<i32>} : memref<16x528xf32, #tpu.memory_space<vmem>>, vector<16xf32>,
        %parallel_loop3A_465 = arith.index_cast %rem3A_58 : i32 to index
        %parallel_loop3A_466 = arith.index_cast %parallel_loop3A_61 : i32 to index
        %parallel_loop3A_467 = arith.constant 208 : index
        %parallel_loop3A_468 = tpu.vector_load %arg5[%parallel_loop3A_465, %parallel_loop3A_466, %parallel_loop3A_467] {strides = array<i32>} : memref<2x24x512xf32, #tpu.memory_space<vmem>>, vector<16xf32>,
        %parallel_loop3A_469 = vector.broadcast %parallel_loop3A_302 : f32 to vector<16xf32>
        %parallel_loop3A_470 = arith.mulf %parallel_loop3A_468, %parallel_loop3A_469 : vector<16xf32>
        %parallel_loop3A_471 = arith.index_cast %parallel_loop3A_347 : i32 to index
        %parallel_loop3A_472 = arith.constant 208 : index
        %parallel_loop3A_473 = tpu.vector_load %arg7[%parallel_loop3A_471, %parallel_loop3A_472] {strides = array<i32>} : memref<16x528xf32, #tpu.memory_space<vmem>>, vector<16xf32>,
        tpu.vector_store %arg7[%parallel_loop3A_471, %parallel_loop3A_472], %parallel_loop3A_470 {add = true, strides = array<i32>} : memref<16x528xf32, #tpu.memory_space<vmem>>, vector<16xf32>,
        %parallel_loop3A_474 = arith.index_cast %rem3A_58 : i32 to index
        %parallel_loop3A_475 = arith.index_cast %parallel_loop3A_61 : i32 to index
        %parallel_loop3A_476 = arith.constant 224 : index
        %parallel_loop3A_477 = tpu.vector_load %arg5[%parallel_loop3A_474, %parallel_loop3A_475, %parallel_loop3A_476] {strides = array<i32>} : memref<2x24x512xf32, #tpu.memory_space<vmem>>, vector<16xf32>,
        %parallel_loop3A_478 = vector.broadcast %parallel_loop3A_302 : f32 to vector<16xf32>
        %parallel_loop3A_479 = arith.mulf %parallel_loop3A_477, %parallel_loop3A_478 : vector<16xf32>
        %parallel_loop3A_480 = arith.index_cast %parallel_loop3A_347 : i32 to index
        %parallel_loop3A_481 = arith.constant 224 : index
        %parallel_loop3A_482 = tpu.vector_load %arg7[%parallel_loop3A_480, %parallel_loop3A_481] {strides = array<i32>} : memref<16x528xf32, #tpu.memory_space<vmem>>, vector<16xf32>,
        tpu.vector_store %arg7[%parallel_loop3A_480, %parallel_loop3A_481], %parallel_loop3A_479 {add = true, strides = array<i32>} : memref<16x528xf32, #tpu.memory_space<vmem>>, vector<16xf32>,
        %parallel_loop3A_483 = arith.index_cast %rem3A_58 : i32 to index
        %parallel_loop3A_484 = arith.index_cast %parallel_loop3A_61 : i32 to index
        %parallel_loop3A_485 = arith.constant 240 : index
        %parallel_loop3A_486 = tpu.vector_load %arg5[%parallel_loop3A_483, %parallel_loop3A_484, %parallel_loop3A_485] {strides = array<i32>} : memref<2x24x512xf32, #tpu.memory_space<vmem>>, vector<16xf32>,
        %parallel_loop3A_487 = vector.broadcast %parallel_loop3A_302 : f32 to vector<16xf32>
        %parallel_loop3A_488 = arith.mulf %parallel_loop3A_486, %parallel_loop3A_487 : vector<16xf32>
        %parallel_loop3A_489 = arith.index_cast %parallel_loop3A_347 : i32 to index
        %parallel_loop3A_490 = arith.constant 240 : index
        %parallel_loop3A_491 = tpu.vector_load %arg7[%parallel_loop3A_489, %parallel_loop3A_490] {strides = array<i32>} : memref<16x528xf32, #tpu.memory_space<vmem>>, vector<16xf32>,
        tpu.vector_store %arg7[%parallel_loop3A_489, %parallel_loop3A_490], %parallel_loop3A_488 {add = true, strides = array<i32>} : memref<16x528xf32, #tpu.memory_space<vmem>>, vector<16xf32>,
        %parallel_loop3A_492 = arith.index_cast %rem3A_58 : i32 to index
        %parallel_loop3A_493 = arith.index_cast %parallel_loop3A_61 : i32 to index
        %parallel_loop3A_494 = arith.constant 256 : index
        %parallel_loop3A_495 = tpu.vector_load %arg5[%parallel_loop3A_492, %parallel_loop3A_493, %parallel_loop3A_494] {strides = array<i32>} : memref<2x24x512xf32, #tpu.memory_space<vmem>>, vector<16xf32>,
        %parallel_loop3A_496 = vector.broadcast %parallel_loop3A_302 : f32 to vector<16xf32>
        %parallel_loop3A_497 = arith.mulf %parallel_loop3A_495, %parallel_loop3A_496 : vector<16xf32>
        %parallel_loop3A_498 = arith.index_cast %parallel_loop3A_347 : i32 to index
        %parallel_loop3A_499 = arith.constant 256 : index
        %parallel_loop3A_500 = tpu.vector_load %arg7[%parallel_loop3A_498, %parallel_loop3A_499] {strides = array<i32>} : memref<16x528xf32, #tpu.memory_space<vmem>>, vector<16xf32>,
        tpu.vector_store %arg7[%parallel_loop3A_498, %parallel_loop3A_499], %parallel_loop3A_497 {add = true, strides = array<i32>} : memref<16x528xf32, #tpu.memory_space<vmem>>, vector<16xf32>,
        %parallel_loop3A_501 = arith.index_cast %rem3A_58 : i32 to index
        %parallel_loop3A_502 = arith.index_cast %parallel_loop3A_61 : i32 to index
        %parallel_loop3A_503 = arith.constant 272 : index
        %parallel_loop3A_504 = tpu.vector_load %arg5[%parallel_loop3A_501, %parallel_loop3A_502, %parallel_loop3A_503] {strides = array<i32>} : memref<2x24x512xf32, #tpu.memory_space<vmem>>, vector<16xf32>,
        %parallel_loop3A_505 = vector.broadcast %parallel_loop3A_302 : f32 to vector<16xf32>
        %parallel_loop3A_506 = arith.mulf %parallel_loop3A_504, %parallel_loop3A_505 : vector<16xf32>
        %parallel_loop3A_507 = arith.index_cast %parallel_loop3A_347 : i32 to index
        %parallel_loop3A_508 = arith.constant 272 : index
        %parallel_loop3A_509 = tpu.vector_load %arg7[%parallel_loop3A_507, %parallel_loop3A_508] {strides = array<i32>} : memref<16x528xf32, #tpu.memory_space<vmem>>, vector<16xf32>,
        tpu.vector_store %arg7[%parallel_loop3A_507, %parallel_loop3A_508], %parallel_loop3A_506 {add = true, strides = array<i32>} : memref<16x528xf32, #tpu.memory_space<vmem>>, vector<16xf32>,
        %parallel_loop3A_510 = arith.index_cast %rem3A_58 : i32 to index
        %parallel_loop3A_511 = arith.index_cast %parallel_loop3A_61 : i32 to index
        %parallel_loop3A_512 = arith.constant 288 : index
        %parallel_loop3A_513 = tpu.vector_load %arg5[%parallel_loop3A_510, %parallel_loop3A_511, %parallel_loop3A_512] {strides = array<i32>} : memref<2x24x512xf32, #tpu.memory_space<vmem>>, vector<16xf32>,
        %parallel_loop3A_514 = vector.broadcast %parallel_loop3A_302 : f32 to vector<16xf32>
        %parallel_loop3A_515 = arith.mulf %parallel_loop3A_513, %parallel_loop3A_514 : vector<16xf32>
        %parallel_loop3A_516 = arith.index_cast %parallel_loop3A_347 : i32 to index
        %parallel_loop3A_517 = arith.constant 288 : index
        %parallel_loop3A_518 = tpu.vector_load %arg7[%parallel_loop3A_516, %parallel_loop3A_517] {strides = array<i32>} : memref<16x528xf32, #tpu.memory_space<vmem>>, vector<16xf32>,
        tpu.vector_store %arg7[%parallel_loop3A_516, %parallel_loop3A_517], %parallel_loop3A_515 {add = true, strides = array<i32>} : memref<16x528xf32, #tpu.memory_space<vmem>>, vector<16xf32>,
        %parallel_loop3A_519 = arith.index_cast %rem3A_58 : i32 to index
        %parallel_loop3A_520 = arith.index_cast %parallel_loop3A_61 : i32 to index
        %parallel_loop3A_521 = arith.constant 304 : index
        %parallel_loop3A_522 = tpu.vector_load %arg5[%parallel_loop3A_519, %parallel_loop3A_520, %parallel_loop3A_521] {strides = array<i32>} : memref<2x24x512xf32, #tpu.memory_space<vmem>>, vector<16xf32>,
        %parallel_loop3A_523 = vector.broadcast %parallel_loop3A_302 : f32 to vector<16xf32>
        %parallel_loop3A_524 = arith.mulf %parallel_loop3A_522, %parallel_loop3A_523 : vector<16xf32>
        %parallel_loop3A_525 = arith.index_cast %parallel_loop3A_347 : i32 to index
        %parallel_loop3A_526 = arith.constant 304 : index
        %parallel_loop3A_527 = tpu.vector_load %arg7[%parallel_loop3A_525, %parallel_loop3A_526] {strides = array<i32>} : memref<16x528xf32, #tpu.memory_space<vmem>>, vector<16xf32>,
        tpu.vector_store %arg7[%parallel_loop3A_525, %parallel_loop3A_526], %parallel_loop3A_524 {add = true, strides = array<i32>} : memref<16x528xf32, #tpu.memory_space<vmem>>, vector<16xf32>,
        %parallel_loop3A_528 = arith.index_cast %rem3A_58 : i32 to index
        %parallel_loop3A_529 = arith.index_cast %parallel_loop3A_61 : i32 to index
        %parallel_loop3A_530 = arith.constant 320 : index
        %parallel_loop3A_531 = tpu.vector_load %arg5[%parallel_loop3A_528, %parallel_loop3A_529, %parallel_loop3A_530] {strides = array<i32>} : memref<2x24x512xf32, #tpu.memory_space<vmem>>, vector<16xf32>,
        %parallel_loop3A_532 = vector.broadcast %parallel_loop3A_302 : f32 to vector<16xf32>
        %parallel_loop3A_533 = arith.mulf %parallel_loop3A_531, %parallel_loop3A_532 : vector<16xf32>
        %parallel_loop3A_534 = arith.index_cast %parallel_loop3A_347 : i32 to index
        %parallel_loop3A_535 = arith.constant 320 : index
        %parallel_loop3A_536 = tpu.vector_load %arg7[%parallel_loop3A_534, %parallel_loop3A_535] {strides = array<i32>} : memref<16x528xf32, #tpu.memory_space<vmem>>, vector<16xf32>,
        tpu.vector_store %arg7[%parallel_loop3A_534, %parallel_loop3A_535], %parallel_loop3A_533 {add = true, strides = array<i32>} : memref<16x528xf32, #tpu.memory_space<vmem>>, vector<16xf32>,
        %parallel_loop3A_537 = arith.index_cast %rem3A_58 : i32 to index
        %parallel_loop3A_538 = arith.index_cast %parallel_loop3A_61 : i32 to index
        %parallel_loop3A_539 = arith.constant 336 : index
        %parallel_loop3A_540 = tpu.vector_load %arg5[%parallel_loop3A_537, %parallel_loop3A_538, %parallel_loop3A_539] {strides = array<i32>} : memref<2x24x512xf32, #tpu.memory_space<vmem>>, vector<16xf32>,
        %parallel_loop3A_541 = vector.broadcast %parallel_loop3A_302 : f32 to vector<16xf32>
        %parallel_loop3A_542 = arith.mulf %parallel_loop3A_540, %parallel_loop3A_541 : vector<16xf32>
        %parallel_loop3A_543 = arith.index_cast %parallel_loop3A_347 : i32 to index
        %parallel_loop3A_544 = arith.constant 336 : index
        %parallel_loop3A_545 = tpu.vector_load %arg7[%parallel_loop3A_543, %parallel_loop3A_544] {strides = array<i32>} : memref<16x528xf32, #tpu.memory_space<vmem>>, vector<16xf32>,
        tpu.vector_store %arg7[%parallel_loop3A_543, %parallel_loop3A_544], %parallel_loop3A_542 {add = true, strides = array<i32>} : memref<16x528xf32, #tpu.memory_space<vmem>>, vector<16xf32>,
        %parallel_loop3A_546 = arith.index_cast %rem3A_58 : i32 to index
        %parallel_loop3A_547 = arith.index_cast %parallel_loop3A_61 : i32 to index
        %parallel_loop3A_548 = arith.constant 352 : index
        %parallel_loop3A_549 = tpu.vector_load %arg5[%parallel_loop3A_546, %parallel_loop3A_547, %parallel_loop3A_548] {strides = array<i32>} : memref<2x24x512xf32, #tpu.memory_space<vmem>>, vector<16xf32>,
        %parallel_loop3A_550 = vector.broadcast %parallel_loop3A_302 : f32 to vector<16xf32>
        %parallel_loop3A_551 = arith.mulf %parallel_loop3A_549, %parallel_loop3A_550 : vector<16xf32>
        %parallel_loop3A_552 = arith.index_cast %parallel_loop3A_347 : i32 to index
        %parallel_loop3A_553 = arith.constant 352 : index
        %parallel_loop3A_554 = tpu.vector_load %arg7[%parallel_loop3A_552, %parallel_loop3A_553] {strides = array<i32>} : memref<16x528xf32, #tpu.memory_space<vmem>>, vector<16xf32>,
        tpu.vector_store %arg7[%parallel_loop3A_552, %parallel_loop3A_553], %parallel_loop3A_551 {add = true, strides = array<i32>} : memref<16x528xf32, #tpu.memory_space<vmem>>, vector<16xf32>,
        %parallel_loop3A_555 = arith.index_cast %rem3A_58 : i32 to index
        %parallel_loop3A_556 = arith.index_cast %parallel_loop3A_61 : i32 to index
        %parallel_loop3A_557 = arith.constant 368 : index
        %parallel_loop3A_558 = tpu.vector_load %arg5[%parallel_loop3A_555, %parallel_loop3A_556, %parallel_loop3A_557] {strides = array<i32>} : memref<2x24x512xf32, #tpu.memory_space<vmem>>, vector<16xf32>,
        %parallel_loop3A_559 = vector.broadcast %parallel_loop3A_302 : f32 to vector<16xf32>
        %parallel_loop3A_560 = arith.mulf %parallel_loop3A_558, %parallel_loop3A_559 : vector<16xf32>
        %parallel_loop3A_561 = arith.index_cast %parallel_loop3A_347 : i32 to index
        %parallel_loop3A_562 = arith.constant 368 : index
        %parallel_loop3A_563 = tpu.vector_load %arg7[%parallel_loop3A_561, %parallel_loop3A_562] {strides = array<i32>} : memref<16x528xf32, #tpu.memory_space<vmem>>, vector<16xf32>,
        tpu.vector_store %arg7[%parallel_loop3A_561, %parallel_loop3A_562], %parallel_loop3A_560 {add = true, strides = array<i32>} : memref<16x528xf32, #tpu.memory_space<vmem>>, vector<16xf32>,
        %parallel_loop3A_564 = arith.index_cast %rem3A_58 : i32 to index
        %parallel_loop3A_565 = arith.index_cast %parallel_loop3A_61 : i32 to index
        %parallel_loop3A_566 = arith.constant 384 : index
        %parallel_loop3A_567 = tpu.vector_load %arg5[%parallel_loop3A_564, %parallel_loop3A_565, %parallel_loop3A_566] {strides = array<i32>} : memref<2x24x512xf32, #tpu.memory_space<vmem>>, vector<16xf32>,
        %parallel_loop3A_568 = vector.broadcast %parallel_loop3A_302 : f32 to vector<16xf32>
        %parallel_loop3A_569 = arith.mulf %parallel_loop3A_567, %parallel_loop3A_568 : vector<16xf32>
        %parallel_loop3A_570 = arith.index_cast %parallel_loop3A_347 : i32 to index
        %parallel_loop3A_571 = arith.constant 384 : index
        %parallel_loop3A_572 = tpu.vector_load %arg7[%parallel_loop3A_570, %parallel_loop3A_571] {strides = array<i32>} : memref<16x528xf32, #tpu.memory_space<vmem>>, vector<16xf32>,
        tpu.vector_store %arg7[%parallel_loop3A_570, %parallel_loop3A_571], %parallel_loop3A_569 {add = true, strides = array<i32>} : memref<16x528xf32, #tpu.memory_space<vmem>>, vector<16xf32>,
        %parallel_loop3A_573 = arith.index_cast %rem3A_58 : i32 to index
        %parallel_loop3A_574 = arith.index_cast %parallel_loop3A_61 : i32 to index
        %parallel_loop3A_575 = arith.constant 400 : index
        %parallel_loop3A_576 = tpu.vector_load %arg5[%parallel_loop3A_573, %parallel_loop3A_574, %parallel_loop3A_575] {strides = array<i32>} : memref<2x24x512xf32, #tpu.memory_space<vmem>>, vector<16xf32>,
        %parallel_loop3A_577 = vector.broadcast %parallel_loop3A_302 : f32 to vector<16xf32>
        %parallel_loop3A_578 = arith.mulf %parallel_loop3A_576, %parallel_loop3A_577 : vector<16xf32>
        %parallel_loop3A_579 = arith.index_cast %parallel_loop3A_347 : i32 to index
        %parallel_loop3A_580 = arith.constant 400 : index
        %parallel_loop3A_581 = tpu.vector_load %arg7[%parallel_loop3A_579, %parallel_loop3A_580] {strides = array<i32>} : memref<16x528xf32, #tpu.memory_space<vmem>>, vector<16xf32>,
        tpu.vector_store %arg7[%parallel_loop3A_579, %parallel_loop3A_580], %parallel_loop3A_578 {add = true, strides = array<i32>} : memref<16x528xf32, #tpu.memory_space<vmem>>, vector<16xf32>,
        %parallel_loop3A_582 = arith.index_cast %rem3A_58 : i32 to index
        %parallel_loop3A_583 = arith.index_cast %parallel_loop3A_61 : i32 to index
        %parallel_loop3A_584 = arith.constant 416 : index
        %parallel_loop3A_585 = tpu.vector_load %arg5[%parallel_loop3A_582, %parallel_loop3A_583, %parallel_loop3A_584] {strides = array<i32>} : memref<2x24x512xf32, #tpu.memory_space<vmem>>, vector<16xf32>,
        %parallel_loop3A_586 = vector.broadcast %parallel_loop3A_302 : f32 to vector<16xf32>
        %parallel_loop3A_587 = arith.mulf %parallel_loop3A_585, %parallel_loop3A_586 : vector<16xf32>
        %parallel_loop3A_588 = arith.index_cast %parallel_loop3A_347 : i32 to index
        %parallel_loop3A_589 = arith.constant 416 : index
        %parallel_loop3A_590 = tpu.vector_load %arg7[%parallel_loop3A_588, %parallel_loop3A_589] {strides = array<i32>} : memref<16x528xf32, #tpu.memory_space<vmem>>, vector<16xf32>,
        tpu.vector_store %arg7[%parallel_loop3A_588, %parallel_loop3A_589], %parallel_loop3A_587 {add = true, strides = array<i32>} : memref<16x528xf32, #tpu.memory_space<vmem>>, vector<16xf32>,
        %parallel_loop3A_591 = arith.index_cast %rem3A_58 : i32 to index
        %parallel_loop3A_592 = arith.index_cast %parallel_loop3A_61 : i32 to index
        %parallel_loop3A_593 = arith.constant 432 : index
        %parallel_loop3A_594 = tpu.vector_load %arg5[%parallel_loop3A_591, %parallel_loop3A_592, %parallel_loop3A_593] {strides = array<i32>} : memref<2x24x512xf32, #tpu.memory_space<vmem>>, vector<16xf32>,
        %parallel_loop3A_595 = vector.broadcast %parallel_loop3A_302 : f32 to vector<16xf32>
        %parallel_loop3A_596 = arith.mulf %parallel_loop3A_594, %parallel_loop3A_595 : vector<16xf32>
        %parallel_loop3A_597 = arith.index_cast %parallel_loop3A_347 : i32 to index
        %parallel_loop3A_598 = arith.constant 432 : index
        %parallel_loop3A_599 = tpu.vector_load %arg7[%parallel_loop3A_597, %parallel_loop3A_598] {strides = array<i32>} : memref<16x528xf32, #tpu.memory_space<vmem>>, vector<16xf32>,
        tpu.vector_store %arg7[%parallel_loop3A_597, %parallel_loop3A_598], %parallel_loop3A_596 {add = true, strides = array<i32>} : memref<16x528xf32, #tpu.memory_space<vmem>>, vector<16xf32>,
        %parallel_loop3A_600 = arith.index_cast %rem3A_58 : i32 to index
        %parallel_loop3A_601 = arith.index_cast %parallel_loop3A_61 : i32 to index
        %parallel_loop3A_602 = arith.constant 448 : index
        %parallel_loop3A_603 = tpu.vector_load %arg5[%parallel_loop3A_600, %parallel_loop3A_601, %parallel_loop3A_602] {strides = array<i32>} : memref<2x24x512xf32, #tpu.memory_space<vmem>>, vector<16xf32>,
        %parallel_loop3A_604 = vector.broadcast %parallel_loop3A_302 : f32 to vector<16xf32>
        %parallel_loop3A_605 = arith.mulf %parallel_loop3A_603, %parallel_loop3A_604 : vector<16xf32>
        %parallel_loop3A_606 = arith.index_cast %parallel_loop3A_347 : i32 to index
        %parallel_loop3A_607 = arith.constant 448 : index
        %parallel_loop3A_608 = tpu.vector_load %arg7[%parallel_loop3A_606, %parallel_loop3A_607] {strides = array<i32>} : memref<16x528xf32, #tpu.memory_space<vmem>>, vector<16xf32>,
        tpu.vector_store %arg7[%parallel_loop3A_606, %parallel_loop3A_607], %parallel_loop3A_605 {add = true, strides = array<i32>} : memref<16x528xf32, #tpu.memory_space<vmem>>, vector<16xf32>,
        %parallel_loop3A_609 = arith.index_cast %rem3A_58 : i32 to index
        %parallel_loop3A_610 = arith.index_cast %parallel_loop3A_61 : i32 to index
        %parallel_loop3A_611 = arith.constant 464 : index
        %parallel_loop3A_612 = tpu.vector_load %arg5[%parallel_loop3A_609, %parallel_loop3A_610, %parallel_loop3A_611] {strides = array<i32>} : memref<2x24x512xf32, #tpu.memory_space<vmem>>, vector<16xf32>,
        %parallel_loop3A_613 = vector.broadcast %parallel_loop3A_302 : f32 to vector<16xf32>
        %parallel_loop3A_614 = arith.mulf %parallel_loop3A_612, %parallel_loop3A_613 : vector<16xf32>
        %parallel_loop3A_615 = arith.index_cast %parallel_loop3A_347 : i32 to index
        %parallel_loop3A_616 = arith.constant 464 : index
        %parallel_loop3A_617 = tpu.vector_load %arg7[%parallel_loop3A_615, %parallel_loop3A_616] {strides = array<i32>} : memref<16x528xf32, #tpu.memory_space<vmem>>, vector<16xf32>,
        tpu.vector_store %arg7[%parallel_loop3A_615, %parallel_loop3A_616], %parallel_loop3A_614 {add = true, strides = array<i32>} : memref<16x528xf32, #tpu.memory_space<vmem>>, vector<16xf32>,
        %parallel_loop3A_618 = arith.index_cast %rem3A_58 : i32 to index
        %parallel_loop3A_619 = arith.index_cast %parallel_loop3A_61 : i32 to index
        %parallel_loop3A_620 = arith.constant 480 : index
        %parallel_loop3A_621 = tpu.vector_load %arg5[%parallel_loop3A_618, %parallel_loop3A_619, %parallel_loop3A_620] {strides = array<i32>} : memref<2x24x512xf32, #tpu.memory_space<vmem>>, vector<16xf32>,
        %parallel_loop3A_622 = vector.broadcast %parallel_loop3A_302 : f32 to vector<16xf32>
        %parallel_loop3A_623 = arith.mulf %parallel_loop3A_621, %parallel_loop3A_622 : vector<16xf32>
        %parallel_loop3A_624 = arith.index_cast %parallel_loop3A_347 : i32 to index
        %parallel_loop3A_625 = arith.constant 480 : index
        %parallel_loop3A_626 = tpu.vector_load %arg7[%parallel_loop3A_624, %parallel_loop3A_625] {strides = array<i32>} : memref<16x528xf32, #tpu.memory_space<vmem>>, vector<16xf32>,
        tpu.vector_store %arg7[%parallel_loop3A_624, %parallel_loop3A_625], %parallel_loop3A_623 {add = true, strides = array<i32>} : memref<16x528xf32, #tpu.memory_space<vmem>>, vector<16xf32>,
        %parallel_loop3A_627 = arith.index_cast %rem3A_58 : i32 to index
        %parallel_loop3A_628 = arith.index_cast %parallel_loop3A_61 : i32 to index
        %parallel_loop3A_629 = arith.constant 496 : index
        %parallel_loop3A_630 = tpu.vector_load %arg5[%parallel_loop3A_627, %parallel_loop3A_628, %parallel_loop3A_629] {strides = array<i32>} : memref<2x24x512xf32, #tpu.memory_space<vmem>>, vector<16xf32>,
        %parallel_loop3A_631 = vector.broadcast %parallel_loop3A_302 : f32 to vector<16xf32>
        %parallel_loop3A_632 = arith.mulf %parallel_loop3A_630, %parallel_loop3A_631 : vector<16xf32>
        %parallel_loop3A_633 = arith.index_cast %parallel_loop3A_347 : i32 to index
        %parallel_loop3A_634 = arith.constant 496 : index
        %parallel_loop3A_635 = tpu.vector_load %arg7[%parallel_loop3A_633, %parallel_loop3A_634] {strides = array<i32>} : memref<16x528xf32, #tpu.memory_space<vmem>>, vector<16xf32>,
        tpu.vector_store %arg7[%parallel_loop3A_633, %parallel_loop3A_634], %parallel_loop3A_632 {add = true, strides = array<i32>} : memref<16x528xf32, #tpu.memory_space<vmem>>, vector<16xf32>,
        %parallel_loop3A_636 = arith.mulf %parallel_loop3A_268, %parallel_loop3A_302 : f32
        %parallel_loop3A_637 = arith.mulf %parallel_loop3A_636, %parallel_loop3A_302 : f32
        %parallel_loop3A_638 = arith.constant 0 : i32
        %parallel_loop3A_639 = vector.broadcast %parallel_loop3A_638 : i32 to vector<16xi32>
        %parallel_loop3A_640 = arith.cmpi eq, %iota3A, %parallel_loop3A_639 : vector<16xi32>
        %parallel_loop3A_641 = arith.constant 1 : i32
        %parallel_loop3A_642 = vector.broadcast %parallel_loop3A_641 : i32 to vector<16xi32>
        %parallel_loop3A_643 = arith.cmpi eq, %iota3A, %parallel_loop3A_642 : vector<16xi32>
        %parallel_loop3A_644 = arith.constant 1.000000e+00 : f32
        %parallel_loop3A_645 = arith.constant 0.000000e+00 : f32
        %parallel_loop3A_646 = vector.broadcast %parallel_loop3A_644 : f32 to vector<16xf32>
        %parallel_loop3A_647 = vector.broadcast %parallel_loop3A_645 : f32 to vector<16xf32>
        %parallel_loop3A_648 = arith.select %parallel_loop3A_643, %parallel_loop3A_646, %parallel_loop3A_647 : vector<16xi1>, vector<16xf32>
        %parallel_loop3A_649 = vector.broadcast %parallel_loop3A_637 : f32 to vector<16xf32>
        %parallel_loop3A_650 = arith.select %parallel_loop3A_640, %parallel_loop3A_649, %parallel_loop3A_648 : vector<16xi1>, vector<16xf32>
        %parallel_loop3A_651 = arith.index_cast %parallel_loop3A_347 : i32 to index
        %parallel_loop3A_652 = arith.constant 512 : index
        %parallel_loop3A_653 = tpu.vector_load %arg7[%parallel_loop3A_651, %parallel_loop3A_652] {strides = array<i32>} : memref<16x528xf32, #tpu.memory_space<vmem>>, vector<16xf32>,
        tpu.vector_store %arg7[%parallel_loop3A_651, %parallel_loop3A_652], %parallel_loop3A_650 {add = true, strides = array<i32>} : memref<16x528xf32, #tpu.memory_space<vmem>>, vector<16xf32>,
      } {sc.loop_unroll_factor = 4 : i64, sc.parallel_access}
    }
    %scan3A_33 = arith.constant 2 : i32
    "tpu.region"() ({
      %run_scoped3A = tpu.sem_alloc : memref<!tpu.dma_semaphore, #tpu.memory_space<semaphore_mem>>
      %dma_start3A_34 = arith.constant 0 : i32
      %dma_start3A_35 = arith.constant 0 : i32
      %dma_start3A_36 = tpu.memref_slice %arg4[%add3A, %dma_start3A_34, %dma_start3A_35] : memref<32x16x528xf32, #tpu.memory_space<hbm>> -> memref<1x16x528xf32, #tpu.memory_space<hbm>>
      %dma_start3A_37 = tpu.memref_squeeze %dma_start3A_36 : memref<1x16x528xf32, #tpu.memory_space<hbm>> -> memref<16x528xf32, #tpu.memory_space<hbm>>
      %dma_start3A_38 = arith.constant 0 : i32
      %dma_start3A_39 = arith.constant 0 : i32
      %dma_start3A_40 = tpu.memref_slice %arg4[%add3A, %dma_start3A_38, %dma_start3A_39] : memref<32x16x528xf32, #tpu.memory_space<hbm>> -> memref<1x16x528xf32, #tpu.memory_space<hbm>>
      %dma_start3A_41 = tpu.memref_squeeze %dma_start3A_40 : memref<1x16x528xf32, #tpu.memory_space<hbm>> -> memref<16x528xf32, #tpu.memory_space<hbm>>
      tpu.enqueue_dma source(%arg7 : memref<16x528xf32, #tpu.memory_space<vmem>>) target(%dma_start3A_41 : memref<16x528xf32, #tpu.memory_space<hbm>>) target_semaphore(%run_scoped3A : memref<!tpu.dma_semaphore, #tpu.memory_space<semaphore_mem>>)
      %dma_wait3A = arith.constant 0 : i32
      %dma_wait3A_42 = arith.constant 0 : i32
      %dma_wait3A_43 = tpu.memref_slice %arg4[%add3A, %dma_wait3A, %dma_wait3A_42] : memref<32x16x528xf32, #tpu.memory_space<hbm>> -> memref<1x16x528xf32, #tpu.memory_space<hbm>>
      %dma_wait3A_44 = tpu.memref_squeeze %dma_wait3A_43 : memref<1x16x528xf32, #tpu.memory_space<hbm>> -> memref<16x528xf32, #tpu.memory_space<hbm>>
      %dma_wait3A_45 = arith.constant 0 : i32
      %dma_wait3A_46 = arith.constant 0 : i32
      %dma_wait3A_47 = tpu.memref_slice %arg4[%add3A, %dma_wait3A_45, %dma_wait3A_46] : memref<32x16x528xf32, #tpu.memory_space<hbm>> -> memref<1x16x528xf32, #tpu.memory_space<hbm>>
      %dma_wait3A_48 = tpu.memref_squeeze %dma_wait3A_47 : memref<1x16x528xf32, #tpu.memory_space<hbm>> -> memref<16x528xf32, #tpu.memory_space<hbm>>
      tpu.wait_dma2 semaphore(%run_scoped3A : memref<!tpu.dma_semaphore, #tpu.memory_space<semaphore_mem>>) src(%arg7 : memref<16x528xf32, #tpu.memory_space<vmem>>) dst(%dma_wait3A_48 : memref<16x528xf32, #tpu.memory_space<hbm>>)
      tpu.yield
    }) : () -> ()
    return
  }
}

module attributes {stable_mosaic.version = 14 : i64} {
  func.func @_combine_body(%arg0: memref<32x16x528xf32, #tpu.memory_space<vmem>>, %arg1: memref<16x528xf32, #tpu.memory_space<vmem>>, %arg2: memref<1x1xf32, #tpu.memory_space<smem>>) attributes {dimension_semantics = [], scalar_prefetch = 0 : i64, scratch_operands = 0 : i64, tpu.core_type = #tpu.core_type<tc>} {
    %get3A = arith.constant 0 : index
    %get3A_0 = arith.constant 0 : index
    %get3A_1 = arith.constant 0 : index
    %get3A_2 = vector.load %arg0[%get3A, %get3A_0, %get3A_1] : memref<32x16x528xf32, #tpu.memory_space<vmem>>, vector<32x16x528xf32>
    %reduce_sum3A = arith.constant dense<0.000000e+00> : vector<16x528xf32>
    %reduce_sum3A_3 = vector.multi_reduction <add>, %get3A_2, %reduce_sum3A [0] : vector<32x16x528xf32> to vector<16x528xf32>
    %get3A_4 = arith.constant 0 : index
    %get3A_5 = arith.constant 0 : index
    %get3A_6 = vector.load %arg1[%get3A_4, %get3A_5] : memref<16x528xf32, #tpu.memory_space<vmem>>, vector<16x528xf32>
    %add3A = arith.addf %reduce_sum3A_3, %get3A_6 : vector<16x528xf32>
    %slice3A = vector.extract_strided_slice %add3A {offsets = [0, 0], sizes = [16, 512], strides = [1, 1]} : vector<16x528xf32> to vector<16x512xf32>
    %slice3A_7 = vector.extract_strided_slice %add3A {offsets = [0, 513], sizes = [16, 1], strides = [1, 1]} : vector<16x528xf32> to vector<16x1xf32>
    %slice3A_8 = vector.extract_strided_slice %slice3A {offsets = [0, 0], sizes = [14, 512], strides = [1, 1]} : vector<16x512xf32> to vector<14x512xf32>
    %slice3A_9 = vector.extract_strided_slice %slice3A {offsets = [1, 0], sizes = [14, 512], strides = [1, 1]} : vector<16x512xf32> to vector<14x512xf32>
    %slice3A_10 = vector.extract_strided_slice %slice3A {offsets = [2, 0], sizes = [14, 512], strides = [1, 1]} : vector<16x512xf32> to vector<14x512xf32>
    %mul3A = arith.mulf %slice3A_9, %slice3A_10 : vector<14x512xf32>
    %reduce_sum3A_11 = arith.constant dense<0.000000e+00> : vector<14xf32>
    %reduce_sum3A_12 = vector.multi_reduction <add>, %mul3A, %reduce_sum3A_11 [1] : vector<14x512xf32> to vector<14xf32>
    %broadcast_in_dim3A = vector.shape_cast %reduce_sum3A_12 : vector<14xf32> to vector<14x1xf32>
    %mul3A_13 = arith.mulf %slice3A_8, %slice3A_10 : vector<14x512xf32>
    %reduce_sum3A_14 = arith.constant dense<0.000000e+00> : vector<14xf32>
    %reduce_sum3A_15 = vector.multi_reduction <add>, %mul3A_13, %reduce_sum3A_14 [1] : vector<14x512xf32> to vector<14xf32>
    %broadcast_in_dim3A_16 = vector.shape_cast %reduce_sum3A_15 : vector<14xf32> to vector<14x1xf32>
    %mul3A_17 = arith.mulf %slice3A_8, %slice3A_9 : vector<14x512xf32>
    %reduce_sum3A_18 = arith.constant dense<0.000000e+00> : vector<14xf32>
    %reduce_sum3A_19 = vector.multi_reduction <add>, %mul3A_17, %reduce_sum3A_18 [1] : vector<14x512xf32> to vector<14xf32>
    %broadcast_in_dim3A_20 = vector.shape_cast %reduce_sum3A_19 : vector<14xf32> to vector<14x1xf32>
    %slice3A_21 = vector.extract_strided_slice %slice3A_7 {offsets = [0, 0], sizes = [14, 1], strides = [1, 1]} : vector<16x1xf32> to vector<14x1xf32>
    %slice3A_22 = vector.extract_strided_slice %slice3A_7 {offsets = [1, 0], sizes = [14, 1], strides = [1, 1]} : vector<16x1xf32> to vector<14x1xf32>
    %slice3A_23 = vector.extract_strided_slice %slice3A_7 {offsets = [2, 0], sizes = [14, 1], strides = [1, 1]} : vector<16x1xf32> to vector<14x1xf32>
    %slice3A_24 = vector.extract_strided_slice %add3A {offsets = [1, 512], sizes = [14, 1], strides = [1, 1]} : vector<16x528xf32> to vector<14x1xf32>
    %mul3A_25 = arith.mulf %slice3A_22, %slice3A_23 : vector<14x1xf32>
    %max3A = arith.constant 1.000000e+00 : f32
    %max3A_26 = vector.broadcast %max3A : f32 to vector<14x1xf32>
    %max3A_27 = arith.maximumf %mul3A_25, %max3A_26 : vector<14x1xf32>
    %div3A = arith.divf %broadcast_in_dim3A, %max3A_27 : vector<14x1xf32>
    %max3A_28 = arith.constant 1.000000e+00 : f32
    %max3A_29 = vector.broadcast %max3A_28 : f32 to vector<14x1xf32>
    %max3A_30 = arith.maximumf %slice3A_22, %max3A_29 : vector<14x1xf32>
    %div3A_31 = arith.divf %slice3A_24, %max3A_30 : vector<14x1xf32>
    %sub3A = arith.subf %div3A, %div3A_31 : vector<14x1xf32>
    %mul3A_32 = arith.mulf %slice3A_21, %slice3A_23 : vector<14x1xf32>
    %max3A_33 = arith.constant 1.000000e+00 : f32
    %max3A_34 = vector.broadcast %max3A_33 : f32 to vector<14x1xf32>
    %max3A_35 = arith.maximumf %mul3A_32, %max3A_34 : vector<14x1xf32>
    %div3A_36 = arith.divf %broadcast_in_dim3A_16, %max3A_35 : vector<14x1xf32>
    %sub3A_37 = arith.subf %sub3A, %div3A_36 : vector<14x1xf32>
    %mul3A_38 = arith.mulf %slice3A_21, %slice3A_22 : vector<14x1xf32>
    %max3A_39 = arith.constant 1.000000e+00 : f32
    %max3A_40 = vector.broadcast %max3A_39 : f32 to vector<14x1xf32>
    %max3A_41 = arith.maximumf %mul3A_38, %max3A_40 : vector<14x1xf32>
    %div3A_42 = arith.divf %broadcast_in_dim3A_20, %max3A_41 : vector<14x1xf32>
    %add3A_43 = arith.addf %sub3A_37, %div3A_42 : vector<14x1xf32>
    %gt3A = arith.constant 0.000000e+00 : f32
    %gt3A_44 = vector.broadcast %gt3A : f32 to vector<14x1xf32>
    %gt3A_45 = arith.cmpf ogt, %slice3A_21, %gt3A_44 : vector<14x1xf32>
    %gt3A_46 = arith.constant 0.000000e+00 : f32
    %gt3A_47 = vector.broadcast %gt3A_46 : f32 to vector<14x1xf32>
    %gt3A_48 = arith.cmpf ogt, %slice3A_22, %gt3A_47 : vector<14x1xf32>
    %and3A = arith.andi %gt3A_45, %gt3A_48 : vector<14x1xi1>
    %gt3A_49 = arith.constant 0.000000e+00 : f32
    %gt3A_50 = vector.broadcast %gt3A_49 : f32 to vector<14x1xf32>
    %gt3A_51 = arith.cmpf ogt, %slice3A_23, %gt3A_50 : vector<14x1xf32>
    %and3A_52 = arith.andi %and3A, %gt3A_51 : vector<14x1xi1>
    %jit3A = arith.constant 0.000000e+00 : f32
    %broadcast_in_dim3A_53 = vector.broadcast %jit3A : f32 to vector<14x1xf32>
    %select_n3A = arith.select %and3A_52, %add3A_43, %broadcast_in_dim3A_53 : vector<14x1xi1>, vector<14x1xf32>
    %reduce_sum3A_54 = vector.shape_cast %select_n3A : vector<14x1xf32> to vector<1x14x1xf32>
    %reduce_sum3A_55 = arith.constant dense<0.000000e+00> : vector<1xf32>
    %reduce_sum3A_56 = vector.multi_reduction <add>, %reduce_sum3A_54, %reduce_sum3A_55 [1, 2] : vector<1x14x1xf32> to vector<1xf32>
    %reduce_sum3A_57 = vector.shape_cast %reduce_sum3A_56 : vector<1xf32> to vector<1x1x1xf32>
    %reduce_sum3A_58 = vector.extract %reduce_sum3A_57[0, 0, 0] : f32 from vector<1x1x1xf32>
    %div3A_59 = arith.constant 1.400000e+01 : f32
    %div3A_60 = arith.divf %reduce_sum3A_58, %div3A_59 : f32
    %swap3A = arith.constant 0 : index
    %swap3A_61 = arith.constant 0 : index
    %swap3A_62 = memref.load %arg2[%swap3A, %swap3A_61] : memref<1x1xf32, #tpu.memory_space<smem>>
    memref.store %div3A_60, %arg2[%swap3A, %swap3A_61] : memref<1x1xf32, #tpu.memory_space<smem>>
    return
  }
}

module attributes {stable_mosaic.version = 14 : i64} {
  func.func @_tc_half_body(%arg0: i32, %arg1: memref<512x512xf32, #tpu.memory_space<vmem>>, %arg2: memref<1x512xi32, #tpu.memory_space<vmem>>, %arg3: memref<16x528xf32, #tpu.memory_space<vmem>>) attributes {dimension_semantics = [#tpu.dimension_semantics<arbitrary>], iteration_bounds = array<i64: 13>, scalar_prefetch = 0 : i64, scratch_operands = 0 : i64, tpu.core_type = #tpu.core_type<tc>, window_params = [{transform_indices = @transform_0, window_bounds = array<i64: 512, 512>}, {transform_indices = @transform_1, window_bounds = array<i64: 1, 512>}, {pipeline_mode = #tpu.pipeline_mode<synchronous>, transform_indices = @transform_2, window_bounds = array<i64: 16, 528>}]} {
    %get3A = arith.constant 0 : index
    %get3A_0 = arith.constant 0 : index
    %get3A_1 = vector.load %arg1[%get3A, %get3A_0] : memref<512x512xf32, #tpu.memory_space<vmem>>, vector<512x512xf32>
    %mul3A = arith.mulf %get3A_1, %get3A_1 : vector<512x512xf32>
    %reduce_sum3A = arith.constant dense<0.000000e+00> : vector<512xf32>
    %reduce_sum3A_2 = vector.multi_reduction <add>, %mul3A, %reduce_sum3A [1] : vector<512x512xf32> to vector<512xf32>
    %broadcast_in_dim3A = vector.shape_cast %reduce_sum3A_2 : vector<512xf32> to vector<512x1xf32>
    %max3A = arith.constant 1.000000e-24 : f32
    %max3A_3 = vector.broadcast %max3A : f32 to vector<512x1xf32>
    %max3A_4 = arith.maximumf %broadcast_in_dim3A, %max3A_3 : vector<512x1xf32>
    %ge3A = arith.constant 1.000000e-24 : f32
    %ge3A_5 = vector.broadcast %ge3A : f32 to vector<512x1xf32>
    %ge3A_6 = arith.cmpf oge, %broadcast_in_dim3A, %ge3A_5 : vector<512x1xf32>
    %rsqrt3A = math.rsqrt %max3A_4 : vector<512x1xf32>
    %jit3A = arith.constant 9.99999995E+11 : f32
    %broadcast_in_dim3A_7 = vector.broadcast %jit3A : f32 to vector<512x1xf32>
    %select_n3A = arith.select %ge3A_6, %rsqrt3A, %broadcast_in_dim3A_7 : vector<512x1xi1>, vector<512x1xf32>
    %transpose3A = tpu.transpose %select_n3A, [1, 0] : vector<512x1xf32> -> vector<1x512xf32>
    %transpose3A_8 = tpu.transpose %broadcast_in_dim3A, [1, 0] : vector<512x1xf32> -> vector<1x512xf32>
    %get3A_9 = arith.constant 0 : index
    %get3A_10 = arith.constant 0 : index
    %get3A_11 = vector.load %arg2[%get3A_9, %get3A_10] : memref<1x512xi32, #tpu.memory_space<vmem>>, vector<1x512xi32>
    %iota3A = tpu.iota {dimensions = array<i32: 0>} : vector<16x1xi32>
    %eq3A = vector.broadcast %iota3A : vector<16x1xi32> to vector<16x512xi32>
    %eq3A_12 = vector.broadcast %get3A_11 : vector<1x512xi32> to vector<16x512xi32>
    %eq3A_13 = arith.cmpi eq, %eq3A, %eq3A_12 : vector<16x512xi32>
    %convert_element_type3A = arith.extui %eq3A_13 : vector<16x512xi1> to vector<16x512xi32>
    %convert_element_type3A_14 = arith.sitofp %convert_element_type3A : vector<16x512xi32> to vector<16x512xf32>
    %mul3A_15 = vector.broadcast %select_n3A : vector<512x1xf32> to vector<512x512xf32>
    %mul3A_16 = arith.mulf %get3A_1, %mul3A_15 : vector<512x512xf32>
    %convert_element_type3A_17 = arith.truncf %mul3A_16 : vector<512x512xf32> to vector<512x512xbf16>
    %convert_element_type3A_18 = arith.extf %convert_element_type3A_17 : vector<512x512xbf16> to vector<512x512xf32>
    %sub3A = arith.subf %mul3A_16, %convert_element_type3A_18 : vector<512x512xf32>
    %convert_element_type3A_19 = arith.truncf %sub3A : vector<512x512xf32> to vector<512x512xbf16>
    %convert_element_type3A_20 = arith.truncf %convert_element_type3A_14 : vector<16x512xf32> to vector<16x512xbf16>
    %dot_general3A = arith.constant dense<0.000000e+00> : vector<16x512xf32>
    %dot_general3A_21 = tpu.matmul %convert_element_type3A_20, %convert_element_type3A_17, %dot_general3A {dimension_numbers = #tpu.dot_dimension_numbers<[1], [0], [0], [1], [0, 0, 1, 1], [], []>, transpose_lhs_hint = false} : vector<16x512xbf16>, vector<512x512xbf16>, vector<16x512xf32> -> vector<16x512xf32>
    %dot_general3A_22 = arith.constant dense<0.000000e+00> : vector<16x512xf32>
    %dot_general3A_23 = tpu.matmul %convert_element_type3A_20, %convert_element_type3A_19, %dot_general3A_22 {dimension_numbers = #tpu.dot_dimension_numbers<[1], [0], [0], [1], [0, 0, 1, 1], [], []>, transpose_lhs_hint = false} : vector<16x512xbf16>, vector<512x512xbf16>, vector<16x512xf32> -> vector<16x512xf32>
    %add3A = arith.addf %dot_general3A_21, %dot_general3A_23 : vector<16x512xf32>
    %mul3A_24 = arith.mulf %transpose3A_8, %transpose3A : vector<1x512xf32>
    %mul3A_25 = arith.mulf %mul3A_24, %transpose3A : vector<1x512xf32>
    %mul3A_26 = vector.broadcast %mul3A_25 : vector<1x512xf32> to vector<16x512xf32>
    %mul3A_27 = arith.mulf %convert_element_type3A_14, %mul3A_26 : vector<16x512xf32>
    %reduce_sum3A_28 = arith.constant dense<0.000000e+00> : vector<16xf32>
    %reduce_sum3A_29 = vector.multi_reduction <add>, %mul3A_27, %reduce_sum3A_28 [1] : vector<16x512xf32> to vector<16xf32>
    %broadcast_in_dim3A_30 = vector.shape_cast %reduce_sum3A_29 : vector<16xf32> to vector<16x1xf32>
    %reduce_sum3A_31 = arith.constant dense<0.000000e+00> : vector<16xf32>
    %reduce_sum3A_32 = vector.multi_reduction <add>, %convert_element_type3A_14, %reduce_sum3A_31 [1] : vector<16x512xf32> to vector<16xf32>
    %broadcast_in_dim3A_33 = vector.shape_cast %reduce_sum3A_32 : vector<16xf32> to vector<16x1xf32>
    %broadcast_in_dim3A_34 = arith.constant 0.000000e+00 : f32
    %broadcast_in_dim3A_35 = vector.broadcast %broadcast_in_dim3A_34 : f32 to vector<16x14xf32>
    %concatenate3A = tpu.concatenate %add3A, %broadcast_in_dim3A_30, %broadcast_in_dim3A_33, %broadcast_in_dim3A_35 in 1 : vector<16x512xf32>, vector<16x1xf32>, vector<16x1xf32>, vector<16x14xf32> -> vector<16x528xf32>
    %eq3A_36 = arith.constant 0 : i32
    %eq3A_37 = arith.cmpi eq, %arg0, %eq3A_36 : i32
    %convert_element_type3A_38 = arith.extui %eq3A_37 : i1 to i32
    %cond3A = arith.constant 0 : i32
    %cond3A_39 = arith.cmpi ne, %convert_element_type3A_38, %cond3A : i32
    scf.if %cond3A_39 {
      %swap3A = arith.constant 0 : index
      %swap3A_44 = arith.constant 0 : index
      %swap3A_45 = vector.load %arg3[%swap3A, %swap3A_44] : memref<16x528xf32, #tpu.memory_space<vmem>>, vector<16x528xf32>
      tpu.vector_store %arg3[%swap3A, %swap3A_44], %concatenate3A {strides = array<i32>} : memref<16x528xf32, #tpu.memory_space<vmem>>, vector<16x528xf32>,
    } else {
    }
    %gt3A = arith.constant 0 : i32
    %gt3A_40 = arith.cmpi sgt, %arg0, %gt3A : i32
    %convert_element_type3A_41 = arith.extui %gt3A_40 : i1 to i32
    %cond3A_42 = arith.constant 0 : i32
    %cond3A_43 = arith.cmpi ne, %convert_element_type3A_41, %cond3A_42 : i32
    scf.if %cond3A_43 {
      %get3A_44 = arith.constant 0 : index
      %get3A_45 = arith.constant 0 : index
      %get3A_46 = vector.load %arg3[%get3A_44, %get3A_45] : memref<16x528xf32, #tpu.memory_space<vmem>>, vector<16x528xf32>
      %add3A_47 = arith.addf %get3A_46, %concatenate3A : vector<16x528xf32>
      %swap3A = arith.constant 0 : index
      %swap3A_48 = arith.constant 0 : index
      %swap3A_49 = vector.load %arg3[%swap3A, %swap3A_48] : memref<16x528xf32, #tpu.memory_space<vmem>>, vector<16x528xf32>
      tpu.vector_store %arg3[%swap3A, %swap3A_48], %add3A_47 {strides = array<i32>} : memref<16x528xf32, #tpu.memory_space<vmem>>, vector<16x528xf32>,
    } else {
    }
    return
  }
  func.func @transform_0(%arg0: i32) -> (i32, i32) {
    %add3A = arith.constant 3 : i32
    %add3A_0 = arith.addi %arg0, %add3A : i32
    %c0_i32 = arith.constant 0 : i32
    %c0_i32_1 = arith.constant 0 : i32
    return %add3A_0, %c0_i32 : i32, i32
  }
  func.func @transform_1(%arg0: i32) -> (i32, i32) {
    %add3A = arith.constant 3 : i32
    %add3A_0 = arith.addi %arg0, %add3A : i32
    %c0_i32 = arith.constant 0 : i32
    %c0_i32_1 = arith.constant 0 : i32
    return %c0_i32, %add3A_0 : i32, i32
  }
  func.func @transform_2(%arg0: i32) -> (i32, i32) {
    %c0_i32 = arith.constant 0 : i32
    %c0_i32_0 = arith.constant 0 : i32
    %c0_i32_1 = arith.constant 0 : i32
    return %c0_i32, %c0_i32_0 : i32, i32
  }
}

</mosaic_0001>

<sc_bundles>
// kernel: kernel.5.cloned.1.call-start
scs
__scs_entry_jumppad:
0x0: {  	(pc) =	sbr.rel $0x88, $3  }
0x1: {  	(tag) =	ssettag $0x0;
	lr =	simm.s32 $0x1  }
0x2: {  	[smem:$0x3F9F] =	sst lr;
	_ =	strace $0xD0000000  }
0x3: {  	_ = 	snop  }
0x4: {  	_ = 	snop  }
0x5: {  	_ = 	snop  }
0x6: {  	_ = 	snop  }
0x7: {  	_ = 	snop  }
__scs_overlays_trampoline_lowered:
0x8: {  	[smem:$0x3FAE] =	sst s0  }
0x9: {  	[smem:$0x3FAF] =	sst s1  }
0xa: {  	[smem:$0x3FB0] =	sst s2  }
0xb: {  	[smem:$0x3FB1] =	sst s3  }
0xc: {  	[smem:$0x3FB2] =	sst s4  }
0xd: {  	[smem:$0x3FB3] =	sst s5  }
0xe: {  	[smem:$0x3FB4] =	sst s6  }
0xf: {  	[smem:$0x3FB5] =	sst s7  }
0x10: {  	[smem:$0x3FB6] =	sst s8  }
0x11: {  	[smem:$0x3FB7] =	sst s9;
	s0 =	simm.s32 @!p0 $0x0  }
0x12: {  	s1 =	sld [smem:$0x3F9D];
	s0 =	simm.s32 @p0 $0x1  }
0x13: {  	[smem:$0x3FB8] =	sst s0;
	s0 =	simm.s32 @!p1 $0x0  }
0x14: {  	s2 =	sld [smem:$0x3F9C];
	s0 =	simm.s32 @p1 $0x1  }
0x15: {  	[smem:$0x3FB9] =	sst s0;
	s0 =	simm.s32 @!p2 $0x0  }
0x16: {  	s3 =	sld [smem:$0x3FDB];
	s0 =	simm.s32 @p2 $0x1  }
0x17: {  	s4 =	simm.s32 $0x1BF5;
	[smem:$0x3FBB] =	sst s0  }
0x18: {  	s0 =	sld [smem:$0x3F9E];
	_ =	swait.ge [sflag:s4], $0x0  }
0x19: {  	s7 =	sld [smem:$0x3F9F]  }
0x1a: {  	s8 =	sadd.s32 $0xFFFFE003, lr  }
0x1b: {  	s9 =	sadd.s32 $0xFFFFFEF7, lr;
	s5 =	simm.s32 $0xFFFFFFFF;
	p2 =	slt.u32 s8, $0xFFFFF086  }
0x1c: {  	p1 =	slt.u32 s9, $0xF7A;
	s5 =	simm.s32 @!p2 $0x0  }
0x1d: {  	s5 =	simm.s32 @p1 $0x1;
	p0 =	seq.s32 s7, s2  }
0x1e: {  	s7 =	smul.u32 @!p0 $0xF7A, s2;
	p2 =	seq.s32 @!p0 s5, $0x0  }
0x1f: {  	s9 =	smul.u32 $0xF7A, s1;
	s8 =	simm.s32 @!p0 $0x1BF5;
	p2 =	por !p2, p0  }
0x20: {  	[sflag:s8] =	ssyncset.s32 @!p0 $0xFFFFF086;
	s6 =	sadd.s32 @!p0 s3, s7;
	s7 =	simm.s32 @!p0 $0x108  }
0x21: {  	s3 =	sadd.s32 s3, s9;
	s6 =	sadd.s32 @!p0 $0x88, s6;
	s7 =	simm.s32 @p2 $0x1082  }
0x22: {  	[simem:s7], [sflag:s8] =	dma.local @!p0 [hbm:s6], $0xF7A  }
0x23: {  	s9 =	sor.u32 $0xD0000000, s2;
	s6 =	simm.s32 $0x108;
	_ =	swait.ge @!p0 [sflag:s8], $0x0  }
0x24: {  	s3 =	sadd.s32 $0x88, s3;
	s6 =	simm.s32 @!p1 $0x1082;
	[sflag:s4] =	ssyncset.s32 $0xFFFFF086  }
0x25: {  	[simem:s6], [sflag:s4] =	dma.local [hbm:s3], $0xF7A  }
0x26: {  	[smem:$0x3F9F] =	sst s1;
	(tag) =	ssettag s2;
	_ =	strace s9  }
0x27: {  	s1 =	sld [smem:$0x3FAF]  }
0x28: {  	s2 =	sld [smem:$0x3FB0]  }
0x29: {  	s4 =	sld [smem:$0x3FB2]  }
0x2a: {  	p0 =	seq.s32 s5, $0x0;
	s5 =	sld [smem:$0x3FB3]  }
0x2b: {  	s6 =	sld [smem:$0x3FB4]  }
0x2c: {  	s7 =	sld [smem:$0x3FB5]  }
0x2d: {  	s3 =	simm.s32 $0x108;
	s8 =	sld [smem:$0x3FB6]  }
0x2e: {  	s3 =	simm.s32 @!p0 $0x1082;
	s9 =	sld [smem:$0x3FB7]  }
0x2f: {  	lr =	sadd.s32 s0, s3;
	s0 =	sld [smem:$0x3FAE]  }
0x30: {  	s3 =	sld [smem:$0x3FB1]  }
0x31: {  	[smem:$0x3FBA] =	sst s10  }
0x32: {  	s10 =	sld [smem:$0x3FB8];
	_ =	sdelay $0x3  }
0x33: {  	p0 =	seq.s32 s10, $0x1;
	s10 =	sld [smem:$0x3FBA];
	_ =	sdelay $0x3  }
0x34: {  	[smem:$0x3FBA] =	sst s10  }
0x35: {  	s10 =	sld [smem:$0x3FB9];
	_ =	sdelay $0x3  }
0x36: {  	p1 =	seq.s32 s10, $0x1;
	s10 =	sld [smem:$0x3FBA];
	_ =	sdelay $0x3  }
0x37: {  	[smem:$0x3FBA] =	sst s10  }
0x38: {  	s10 =	sld [smem:$0x3FBB]  }
0x39: {  	_ = 	snop;
	(pc) =	sbr.ind lr, $3  }
0x3a: {  	_ = 	snop  }
0x3b: {  	_ = 	snop  }
0x3c: {  	p2 =	seq.s32 s10, $0x1;
	s10 =	sld [smem:$0x3FBA]  }
0x3d: {  	_ =	shalt  }
0x3e: {  	_ =	shalt  }
0x3f: {  	_ =	shalt  }
0x40: {  	_ =	shalt  }
0x41: {  	_ =	shalt  }
0x42: {  	_ =	shalt  }
0x43: {  	_ =	shalt  }
0x44: {  	_ =	shalt  }
0x45: {  	_ =	shalt  }
0x46: {  	_ =	shalt  }
0x47: {  	_ =	shalt  }
0x48: {  	_ =	shalt  }
0x49: {  	_ =	shalt  }
0x4a: {  	_ =	shalt  }
0x4b: {  	_ =	shalt  }
0x4c: {  	_ =	shalt  }
0x4d: {  	_ =	shalt  }
0x4e: {  	_ =	shalt  }
0x4f: {  	_ =	shalt  }
0x50: {  	_ =	shalt  }
0x51: {  	_ =	shalt  }
0x52: {  	_ =	shalt  }
0x53: {  	_ =	shalt  }
0x54: {  	_ =	shalt  }
0x55: {  	_ =	shalt  }
0x56: {  	_ =	shalt  }
0x57: {  	_ =	shalt  }
0x58: {  	_ =	shalt  }
0x59: {  	_ =	shalt  }
0x5a: {  	_ =	shalt  }
0x5b: {  	_ =	shalt  }
0x5c: {  	_ =	shalt  }
0x5d: {  	_ =	shalt  }
0x5e: {  	_ =	shalt  }
0x5f: {  	_ =	shalt  }
0x60: {  	_ =	shalt  }
0x61: {  	_ =	shalt  }
0x62: {  	_ =	shalt  }
0x63: {  	_ =	shalt  }
0x64: {  	_ =	shalt  }
0x65: {  	_ =	shalt  }
0x66: {  	_ =	shalt  }
0x67: {  	_ =	shalt  }
0x68: {  	_ =	shalt  }
0x69: {  	_ =	shalt  }
0x6a: {  	_ =	shalt  }
0x6b: {  	_ =	shalt  }
0x6c: {  	_ =	shalt  }
0x6d: {  	_ =	shalt  }
0x6e: {  	_ =	shalt  }
0x6f: {  	_ =	shalt  }
0x70: {  	_ =	shalt  }
0x71: {  	_ =	shalt  }
0x72: {  	_ =	shalt  }
0x73: {  	_ =	shalt  }
0x74: {  	_ =	shalt  }
0x75: {  	_ =	shalt  }
0x76: {  	_ =	shalt  }
0x77: {  	_ =	shalt  }
0x78: {  	_ =	shalt  }
0x79: {  	_ =	shalt  }
0x7a: {  	_ =	shalt  }
0x7b: {  	_ =	shalt  }
0x7c: {  	_ =	shalt  }
0x7d: {  	_ =	shalt  }
0x7e: {  	_ =	shalt  }
0x7f: {  	_ =	shalt  }
0x80: {  	_ =	shalt  }
0x81: {  	_ =	shalt  }
0x82: {  	_ =	shalt  }
0x83: {  	_ =	shalt  }
0x84: {  	_ =	shalt  }
0x85: {  	_ =	shalt  }
0x86: {  	_ =	shalt  }
0x87: {  	_ =	shalt  }
.Lfunc_end0:
.L_simem_size_0:
called_computation_lowered:
.L_overlay_start_0:
0x88: {  	s2 =	sld [smem:$0x3FD9]  }
0x89: {  	s3 =	sld [smem:$0x3FFE];
	_ =	sdelay $0x1  }
0x8a: {  	s1 =	srdreg.scid  }
0x8b: {  	s0 =	sand.u32 $0x1, s1  }
0x8c: {  	s17 =	sshll.u32 s0, $0xA;
	s2 =	sadd.s32 s3, s2  }
0x8d: {  	s2 =	sadd.s32 s2, s17  }
0x8e: {  	[smem:$0x3FC6] =	sst s2  }
0x8f: {  	_ = 	snop  }
0x90: {  	s2 =	sld [smem:$0x3FC9]  }
0x91: {  	s18 =	sld [smem:$0x3FC8];
	(tm) =	ssettm $0x1  }
0x92: {  	s4 =	sld [smem:$0x3FFB];
	_ =	sdelay $0x3  }
0x93: {  	_ =	strace s4  }
0x94: {  	s4 =	sld [smem:$0x3FFC];
	_ =	sdelay $0x3  }
0x95: {  	_ =	strace s4  }
0x96: {  	s4 =	sld [smem:$0x3FFD];
	_ =	sdelay $0x3  }
0x97: {  	_ =	strace s4  }
0x98: {  	_ =	strace $0x8FFFFFFF  }
0x99: {  	s19 =	sld [smem:$0x3FDB];
	_ =	sdelay $0x1  }
0x9a: {  	s5 =	simm.s32 $_scs_section_size  }
0x9b: {  	s6 =	simm.s32 $_size__tile_overlayer_lowered;
	s7 =	simm.s32 $_tile_overlayer_lowered  }
0x9c: {  	s22 =	simm.s32 $0x1BFF;
	s21 =	sshll.u32 s7, $0x1;
	s4 =	sadd.s32 s5, s19  }
0x9d: {  	s8 =	simm.s32 $0x0;
	s20 =	sshll.u32 s6, $0x1;
	s6 =	sadd.s32 s21, s4  }
0x9e: {  	[timem:s8], [sflag:s22] =	dma.local [hbm:s6], s20  }
0x9f: {  	_ =	swait.ge [sflag:s22], s20  }
0xa0: {  	s5 =	ssub.s32 $0x0, s20;
	[sflag:s22] =	ssyncset.done $0x0  }
0xa1: {  	[sflag:s22] =	ssyncadd.s32 s5;
	_ =	sdelay $0x1  }
0xa2: {  	s23 =	simm.s32 $0x1B8B  }
0xa3: {  	_ =	swait.ge [sflag:s23], $0x1  }
0xa4: {  	[sflag:s23] =	ssyncset.done $0x0  }
0xa5: {  	s25 =	simm.s32 $0x1B8E;
	s24 =	sld [smem:$0x3FFE];
	[sflag:s23] =	ssyncadd.s32 $0xFFFFFFFF  }
0xa6: {  	s26 =	simm.s32 $execute0_lowered;
	[smem:$0x3FD2] =	sst s25  }
0xa7: {  	s6 =	sshll.u32 s26, $0x1;
	_ =	strace $0x80000046;
	[dreg:$0x1] =	wrdreg $0xFFFFFFFF  }
0xa8: {  	s28 =	simm.s32 $_size_execute0_lowered;
	s4 =	sadd.s32 s4, s6;
	[dreg:$0x0] =	wrdreg $0x0  }
0xa9: {  	s6 =	sshll.u32 s28, $0x1;
	[dreg:$0x2] =	wrdreg s4  }
0xaa: {  	[dreg:$0x3] =	wrdreg s6  }
0xab: {  	[dreg:$0x4] =	wrdreg $0xC0  }
0xac: {  	_ =	task [dreg:s8], $0x5FFFF  }
0xad: {  	[dreg:$0x1] =	wrdreg $0xFFFFFFFF  }
0xae: {  	[dreg:$0x0] =	wrdreg $0x60  }
0xaf: {  	[dreg:$0x2] =	wrdreg s2  }
0xb0: {  	[dreg:$0x3] =	wrdreg s18  }
0xb1: {  	[dreg:$0x4] =	wrdreg s24  }
0xb2: {  	[dreg:$0x5] =	wrdreg $0x9  }
0xb3: {  	_ =	task.clear_ibuf [dreg:s8], $0x6FFFF;
	_ =	strace $0x90000046  }
0xb4: {  	s29 =	simm.s32 $0x9;
	_ =	strace $0x80000048  }
0xb5: {  	_ =	swait.ge [sflag:s29], $0x1  }
0xb6: {  	[sflag:s29] =	ssyncadd.s32 $0xFFFFFFFF  }
0xb7: {  	_ =	strace $0x90000048  }
0xb8: {  	_ =	sfence  }
0xb9: {  	s30 =	sld [smem:$0x0];
	_ =	sdelay $0x2  }
0xba: {  	s31 =	sshll.u32 s1, $0xD;
	s1 =	sshrl.u32 s1, $0x2  }
0xbb: {  	s3 =	sand.u32 $0x4000, s31;
	s1 =	sadd.s32 s1, s30  }
0xbc: {  	s0 =	sor.u32 s3, s0;
	s1 =	sshll.u32 s1, $0x11  }
0xbd: {  	s0 =	sor.u32 s1, s0  }
0xbe: {  	s0 =	sadd.s32 $0x8F2B, s0  }
0xbf: {  	[sflag:s0] =	ssyncadd.remote.s32 $0x1  }
0xc0: {  	_ =	sfence.sel $0xFFFF  }
0xc1: {  	[dreg:$0x0] =	wrdreg $0xFFFFFFFF;
	(pc) =	sbr.abs _section_cstart, $3  }
0xc2: {  	[dreg:$0x1] =	wrdreg $0xFFFFFFFF  }
0xc3: {  	_ =	task.clear_ibuf [dreg:s8], $0x2FFFF;
	_ =	strace $0x9FFFFFFF  }
0xc4: {  	(tm) =	ssettm $0x7FFFFFFF  }
0xc5: {  	_ =	shalt  }
tec
execute0_lowered:
.L_overlay_start_1:
0x0: {  	(tag) =	ssettag $0x1  }
0x1: {  	s1 =	srdreg.scid;
	s3 =	stileid.u32  }
0x2: {  	s1 =	sand.u32 $0x1, s1;
	s3 =	sshll.u32 s3, $0x1  }
0x3: {  	s3 =	sor.u32 s1, s3  }
0x4: {  	s0 =	rddreg [dreg:$0x0];
	s5 =	smul.u32 $0x500, s3  }
0x5: {  	s2 =	rddreg [dreg:$0x1];
	s6 =	smul.u32 $0xC00, s3  }
0x6: {  	s4 =	rddreg [dreg:$0x2];
	s8 =	simm.s32 $0x0;
	s3 =	smul.u32 $0x6, s3  }
0x7: {  	[smem:$0x7FF] =	sst s8;
	s1 =	ssub.s32 $0x2, s1  }
0x8: {  	_ =	strace $0x80000047;
	s7 =	sshrl.u32 s1, $0x1;
	s2 =	sadd.s32 s2, s3  }
0x9: {  	s1 =	ssub.s32 s1, s7;
	s0 =	sadd.s32 s0, s6;
	[dreg:$0x10] =	wrdreg s2  }
0xa: {  	s31 =	smax.u32 s1, $0x1;
	[dreg:$0xf] =	wrdreg s0  }
0xb: {  	s4 =	sadd.s32 s5, s4;
	s0 =	sadd.s32 $0x600, s0;
	[dreg:$0x13] =	wrdreg s31  }
0xc: {  	v0 =	vimm.f32 $0.0e+00;
	vm0 =	vcmask $0x704;
	s30 =	sadd.s32 $0xA00, s4;
	[dreg:$0x11] =	wrdreg s0  }
0xd: {  	v1 =	vlaneseq.u32;
	s9 =	simm.s32 $0x0;
	v2 =	vsel vm0, $0x3F800000, v0;
	s2 =	simm.s32 $0x2;
	[dreg:$0x12] =	wrdreg s30  }
.LBB2_1:
0xe: {  	s0 =	rddreg [dreg:$0xf];
	p1 =	por $0x0, $0x0  }
0xf: {  	[tilespmem:s8], [sflag:$0x1] =	stream.linear.gather [hbm4b:s0+s8], $0x3000, $0x38;
	[tilespmem:$0x8880] =	vst v63  }
.Ltmp0:
0x10: {  	s31 =	rddreg [dreg:$0x10];
	s1 =	simm.s32 $0x6000;
	(pc) =	sbr.rel @p1 .LBB2_2-.Ltmp0, $4  }
0x11: {  	[tilespmem:s1], [sflag:$0x2] =	stream.linear.gather [hbm4b:s31+s8], $0x30, $0x38;
	[tilespmem:$0x8880] =	vst v63  }
0x12: {  	_ =	swait.ge [sflag:s2], $0x30  }
0x13: {  	p0 =	por $0x0, $0x0;
	s0 =	smul.u32 $0xF83F, s8;
	[sflag:s2] =	ssyncset.done $0x0  }
0x14: {  	s1 =	simm.s32 $0x1;
	[dreg:$0x14] =	wrdreg s9;
	[sflag:s2] =	ssyncadd.s32 $0xFFFFFFD0  }
0x15: {  	s2 =	sshrl.u32 s0, $0x15  }
0x16: {  	p1 =	por $0x0, $0x0;
	s2 =	smul.u32 $0x21, s2  }
.Ltmp1:
0x17: {  	_ = 	snop;
	(pc) =	sbr.rel @p1 .LBB2_5-.Ltmp1, $4  }
0x18: {  	s3 =	sshrl.u32 s0, $0x18;
	s4 =	sshrl.u32 s0, $0xE;
	s0 =	smul.u32 $0xF83F, s1  }
0x19: {  	s6 =	smul.u32 $0x5000, s3;
	s2 =	ssub.s32 $0x0, s2  }
0x1a: {  	p0 =	por $0x1, $0x1;
	s4 =	sand.u32 $0x380, s4;
	s5 =	sshll.u32 s2, $0x7  }
0x1b: {  	s3 =	simm.s32 $0x2;
	s6 =	sshrl.u32 s6, $0x2;
	s5 =	sand.u32 $0x1C00, s5  }
.LBB2_4:
0x1c: {  	p1 =	seq.s32 s3, $0x20F  }
0x1d: {  	s2 =	sshll.u32 s2, $0x4;
	s5 =	sadd.s32 s5, s6;
	s6 =	sshrl.u32 s0, $0x15  }
0x1e: {  	s2 =	sand.u32 $0x70, s2;
	s4 =	sor.u32 s4, s5;
	s5 =	smul.u32 $0x21, s6  }
.Ltmp2:
0x1f: {  	s2 =	sor.u32 s2, s4;
	(pc) =	sbr.rel @!p1 .LBB2_4-.Ltmp2, $4  }
0x20: {  	s4 =	sshrl.u32 s0, $0x18;
	[tilespmem:s2+$0x6080] =	vst v0;
	s2 =	smov.u32 s1;
	s1 =	smov.u32 s3  }
0x21: {  	s6 =	smul.u32 $0x5000, s4;
	s2 =	ssub.s32 s2, s5;
	s5 =	sshrl.u32 s0, $0xE  }
0x22: {  	s0 =	smul.u32 $0xF83F, s3;
	s7 =	sshll.u32 s2, $0x7;
	s4 =	sand.u32 $0x380, s5  }
0x23: {  	s3 =	sadd.s32 $0x1, s3;
	s6 =	sshrl.u32 s6, $0x2;
	s5 =	sand.u32 $0x1C00, s7  }
.LBB2_5:
0x24: {  	s3 =	sshrl.u32 s0, $0x15  }
0x25: {  	s3 =	smul.u32 $0x21, s3  }
0x26: {  	s5 =	sadd.s32 @p0 s5, s6;
	s28 =	sshrl.u32 s0, $0x18  }
0x27: {  	s2 =	sshll.u32 @p0 s2, $0x4;
	s29 =	smul.u32 $0x5000, s28;
	s1 =	ssub.s32 s1, s3  }
0x28: {  	s31 =	sshrl.u32 s0, $0xE;
	s2 =	sand.u32 @p0 $0x70, s2;
	s30 =	sshll.u32 s1, $0x7  }
0x29: {  	s4 =	sor.u32 @p0 s4, s5;
	s3 =	sshrl.u32 s29, $0x2;
	s5 =	sand.u32 $0x1C00, s30  }
0x2a: {  	s0 =	sand.u32 $0x380, s31;
	s1 =	sshll.u32 s1, $0x4;
	s3 =	sadd.s32 s5, s3  }
0x2b: {  	s2 =	sor.u32 @p0 s2, s4;
	s1 =	sand.u32 $0x70, s1;
	s0 =	sor.u32 s0, s3  }
0x2c: {  	[tilespmem:s2+$0x6080] =	vst @p0 v0;
	s0 =	sor.u32 s1, s0  }
0x2d: {  	p1 =	por $0x1, $0x1;
	s1 =	simm.s32 $0x0;
	[tilespmem:s0+$0x6080] =	vst v0  }
.LBB2_7:
0x2e: {  	s0 =	simm.s32 @p1 $0x0  }
0x2f: {  	s2 =	simm.s32 @p1 $0x3000;
	s3 =	smul.u32 $0xC000, s1;
	s4 =	rddreg [dreg:$0x11]  }
0x30: {  	[tilespmem:s2], [sflag:$0x1] =	stream.linear.gather @p1 [hbm4b:s4+s0], $0x3000, $0x38;
	[tilespmem:$0x8880] =	vst v63  }
0x31: {  	s12 =	simm.s32 $0x1;
	s13 =	sshra.s32 s3, $0x2  }
0x32: {  	s6 =	simm.s32 $0x0;
	_ =	swait.ge [sflag:s12], $0x3000;
	[dreg:$0x4] =	wrdreg s13  }
0x33: {  	s14 =	simm.s32 $0x180;
	s15 =	sand.u32 $0x3000, s6;
	s0 =	rddreg [dreg:$0x4]  }
0x34: {  	s16 =	sand.u32 $0x380, s14;
	[sflag:s12] =	ssyncset.done $0x0;
	s2 =	sadd.s32 s15, s0  }
0x35: {  	[sflag:s12] =	ssyncadd.s32 $0xFFFFD000;
	s8 =	sadd.s32 s16, s2  }
0x36: {  	v3 =	vld [tilespmem:s8+$0xC40]  }
0x37: {  	v4 =	vld [tilespmem:s8+$0xC50]  }
0x38: {  	v5 =	vld [tilespmem:s8+$0xC00]  }
0x39: {  	v6 =	vld [tilespmem:s8+$0xC10]  }
0x3a: {  	v8 =	vld [tilespmem:s8+$0x840]  }
0x3b: {  	v9 =	vld [tilespmem:s8+$0x850]  }
0x3c: {  	v10 =	vld [tilespmem:s8+$0x800]  }
0x3d: {  	v11 =	vld [tilespmem:s8+$0x810]  }
0x3e: {  	v12 =	vld [tilespmem:s8+$0x440]  }
0x3f: {  	v13 =	vld [tilespmem:s8+$0x450]  }
0x40: {  	v14 =	vld [tilespmem:s8+$0x400]  }
0x41: {  	v15 =	vld [tilespmem:s8+$0x410]  }
0x42: {  	v7 =	vld [tilespmem:s8+$0x0]  }
0x43: {  	v16 =	vld [tilespmem:s8+$0x10]  }
0x44: {  	v17 =	vld [tilespmem:s8+$0x20]  }
0x45: {  	v18 =	vld [tilespmem:s8+$0x30];
	v3 =	vmul.f32 v3, v3;
	v19 =	vmul.f32 v4, v4  }
0x46: {  	v20 =	vld [tilespmem:s8+$0x50];
	v5 =	vmul.f32 v5, v5;
	v6 =	vmul.f32 v6, v6  }
0x47: {  	v21 =	vld [tilespmem:s8+$0x60];
	v8 =	vmul.f32 v8, v8;
	v9 =	vmul.f32 v9, v9  }
0x48: {  	v4 =	vld [tilespmem:s8+$0x40];
	v10 =	vmul.f32 v10, v10;
	v11 =	vmul.f32 v11, v11  }
0x49: {  	v22 =	vld [tilespmem:s8+$0x70];
	v12 =	vmul.f32 v12, v12;
	v13 =	vmul.f32 v13, v13  }
0x4a: {  	v23 =	vld [tilespmem:s8+$0x420];
	v14 =	vmul.f32 v14, v14;
	v15 =	vmul.f32 v15, v15  }
0x4b: {  	v25 =	vld [tilespmem:s8+$0x430];
	v24 =	vmul.f32 v7, v7;
	v16 =	vmul.f32 v16, v16  }
0x4c: {  	v27 =	vld [tilespmem:s8+$0x470];
	v17 =	vmul.f32 v17, v17;
	v18 =	vmul.f32 v18, v18  }
0x4d: {  	v26 =	vld [tilespmem:s8+$0x460];
	v20 =	vmul.f32 v20, v20;
	v4 =	vmul.f32 v4, v4  }
0x4e: {  	v47 =	vld [tilespmem:s8+$0x830];
	v21 =	vmul.f32 v21, v21;
	v22 =	vmul.f32 v22, v22  }
0x4f: {  	v28 =	vld [tilespmem:s8+$0x820];
	v46 =	vmul.f32 v23, v23;
	v16 =	vadd.f32 v20, v16;
	v4 =	vadd.f32 v4, v24  }
0x50: {  	v50 =	vld [tilespmem:s8+$0x870];
	v48 =	vmul.f32 v25, v25;
	v17 =	vadd.f32 v21, v17;
	v18 =	vadd.f32 v22, v18  }
0x51: {  	v49 =	vld [tilespmem:s8+$0x860];
	v51 =	vmul.f32 v27, v27;
	v4 =	vadd.f32 v14, v4;
	v14 =	vadd.f32 v15, v16  }
0x52: {  	v52 =	vld [tilespmem:s8+$0xC20];
	v17 =	vadd.f32 v46, v17;
	v18 =	vadd.f32 v48, v18;
	v15 =	vmul.f32 v26, v26  }
0x53: {  	v54 =	vmul.f32 v47, v47;
	v4 =	vadd.f32 v12, v4;
	v12 =	vadd.f32 v13, v14;
	v14 =	vld [tilespmem:s8+$0xC30]  }
0x54: {  	v55 =	vld [tilespmem:s8+$0xC60];
	v53 =	vadd.f32 v51, v18;
	v13 =	vmul.f32 v28, v28;
	v15 =	vadd.f32 v15, v17  }
0x55: {  	v16 =	vmul.f32 v50, v50;
	v4 =	vadd.f32 v10, v4;
	v10 =	vadd.f32 v11, v12;
	v12 =	vld [tilespmem:s8+$0xC70]  }
0x56: {  	v11 =	vmul.f32 v49, v49;
	v13 =	vadd.f32 v13, v15;
	v15 =	vadd.f32 v54, v53  }
0x57: {  	v4 =	vadd.f32 v8, v4;
	v8 =	vadd.f32 v9, v10;
	v9 =	vmul.f32 v52, v52  }
0x58: {  	s17 =	simm.s32 $0x0;
	v10 =	vadd.f32 v11, v13;
	v11 =	vadd.f32 v16, v15;
	v13 =	vmul.f32 v14, v14  }
0x59: {  	s3 =	sand.u32 $0x200, s17;
	v5 =	vadd.f32 v5, v4;
	v6 =	vadd.f32 v6, v8;
	v8 =	vmul.f32 v55, v55  }
0x5a: {  	s22 =	sadd.s32 s3, s2;
	v9 =	vadd.f32 v9, v10;
	v10 =	vadd.f32 v13, v11;
	v11 =	vmul.f32 v12, v12  }
0x5b: {  	v56 =	vld [tilespmem:s22+$0x60];
	v3 =	vadd.f32 v3, v5;
	v5 =	vadd.f32 v19, v6  }
0x5c: {  	v61 =	vld [tilespmem:s22+$0x70];
	v6 =	vadd.f32 v8, v9;
	v8 =	vadd.f32 v11, v10  }
0x5d: {  	v32 =	vld [tilespmem:s22+$0x400]  }
0x5e: {  	s18 =	simm.s32 $0x80;
	v33 =	vld [tilespmem:s22+$0x410];
	v3 =	vadd.f32 v5, v3;
	v5 =	vadd.f32 v8, v6  }
0x5f: {  	s3 =	sand.u32 $0x280, s18;
	v34 =	vld [tilespmem:s22+$0x420]  }
0x60: {  	s26 =	sadd.s32 s3, s2;
	v35 =	vld [tilespmem:s22+$0x430];
	v3 =	vadd.f32 v5, v3  }
0x61: {  	v62 =	vld [tilespmem:s26+$0x40]  }
0x62: {  	v63 =	vld [tilespmem:s26+$0x50];
	(xrf2) =	vadd.scan.msk.f32 $0xffff, v3  }
0x63: {  	v57 =	vld [tilespmem:s26+$0x60]  }
0x64: {  	v58 =	vld [tilespmem:s26+$0x70]  }
0x65: {  	v36 =	vld [tilespmem:s26+$0x400]  }
0x66: {  	s19 =	simm.s32 $0x100;
	v37 =	vld [tilespmem:s26+$0x410]  }
0x67: {  	s3 =	sand.u32 $0x300, s19;
	v38 =	vld [tilespmem:s26+$0x420]  }
0x68: {  	s16 =	sadd.s32 s3, s2;
	v39 =	vld [tilespmem:s26+$0x430]  }
0x69: {  	v59 =	vld [tilespmem:s16+$0x10]  }
0x6a: {  	v60 =	vld [tilespmem:s16+$0x40]  }
0x6b: {  	v29 =	vld [tilespmem:s16+$0x50]  }
0x6c: {  	v30 =	vld [tilespmem:s16+$0x60];
	v3, _, _ =	vpop (xrf2)  }
0x6d: {  	v31 =	vld [tilespmem:s16+$0x70];
	(v2sf) =	vpush v3, $0xF  }
0x6e: {  	v40 =	vld [tilespmem:s16+$0x400]  }
0x6f: {  	v41 =	vld [tilespmem:s16+$0x410]  }
0x70: {  	v42 =	vld [tilespmem:s16+$0x420]  }
0x71: {  	v27 =	vld [tilespmem:s16+$0x30]  }
0x72: {  	v20 =	vld [tilespmem:s26+$0x30]  }
0x73: {  	v18 =	vld [tilespmem:s26+$0x10]  }
0x74: {  	v26 =	vld [tilespmem:s16+$0x20]  }
0x75: {  	v15 =	vld [tilespmem:s22+$0x50]  }
0x76: {  	v4 =	vld [tilespmem:s22+$0x0]  }
0x77: {  	s20 =	smul.u32 $0x60, s1;
	v12 =	vld [tilespmem:s22+$0x10]  }
0x78: {  	v13 =	vld [tilespmem:s22+$0x40]  }
0x79: {  	s1 =	sshra.s32 s20, $0x2;
	v9 =	vld [tilespmem:s22+$0x20]  }
0x7a: {  	s1 =	sadd.s32 $0x6000, s1;
	v19 =	vld [tilespmem:s26+$0x20]  }
0x7b: {  	v11 =	vld [tilespmem:s22+$0x30];
	v3 =	vmov s1  }
0x7c: {  	v6 =	vld [tilespmem:s26+$0x0];
	s21 =	spop (v2sf)  }
0x7d: {  	v5 =	vld [tilespmem:s16+$0x0];
	[dreg:$0x16] =	wrdreg s21  }
0x7e: {  	s24 =	simm.s32 $0x0;
	s23 =	smax.f32 s21, $1.000000020e-24;
	v43 =	vld [tilespmem:s16+$0x430]  }
0x7f: {  	s5 =	sand.u32 $0x10, s24;
	s25 =	sshra.s32 s23, $0x1;
	s30 =	smul.f32 $5.000000000e-01, s23;
	v44 =	vld [tilespmem:s22+$0x440]  }
0x80: {  	v8 =	vld.idx.msk [tilespmem:v3+s5+$0x0 ss:$0x1], $0xffff;
	s4 =	ssub.s32 $0x5F3759DF, s25  }
0x81: {  	v45 =	vld [tilespmem:s22+$0x450];
	s5 =	smul.f32 s4, s30  }
0x82: {  	s6 =	sand.u32 $0xFFFFFFF0, s6;
	v46 =	vld [tilespmem:s22+$0x460]  }
0x83: {  	s2 =	ssub.s32 $0xFFFFFFFC, s6;
	v47 =	vld [tilespmem:s22+$0x470];
	s5 =	smul.f32 s4, s5  }
0x84: {  	s7 =	sadd.s32 $0x7, s2;
	v48 =	vld [tilespmem:s26+$0x440]  }
0x85: {  	v23 =	vmul.f32 v57, v57;
	v10 =	vmov s7;
	v49 =	vld [tilespmem:s26+$0x450];
	s5 =	ssub.f32 $1.500000000e+00, s5  }
0x86: {  	v21 =	vmul.f32 v62, v62;
	vm0 =	veq.s32 v10, v1;
	v50 =	vld [tilespmem:s26+$0x460];
	v8 =	vxor.u32 $0x80000000, v8  }
0x87: {  	v22 =	vmul.f32 v63, v63;
	v63 =	vmul.f32 v58, v58;
	v14 =	vld [tilespmem:s26+$0x470];
	v10 =	vnsel vm0, $0x7FFFFFFF, v8;
	s4 =	smul.f32 s4, s5  }
0x88: {  	v51 =	vmul.f32 v4, v4;
	v52 =	vmul.f32 v12, v12;
	v12 =	vld [tilespmem:s16+$0x450];
	(xrf0) =	vmax.scan.msk.u32 $0xffff, v10  }
0x89: {  	v13 =	vmul.f32 v13, v13;
	v53 =	vmul.f32 v9, v9;
	v9 =	vld [tilespmem:s16+$0x460];
	s5 =	smul.f32 s4, s30  }
0x8a: {  	v16 =	vmul.f32 v56, v56;
	v54 =	vmul.f32 v11, v11;
	v11 =	vld [tilespmem:s16+$0x470]  }
0x8b: {  	v58 =	vmul.f32 v59, v59;
	v20 =	vmul.f32 v20, v20;
	v51 =	vadd.f32 v13, v51;
	v13 =	vld [tilespmem:s22+$0x800];
	s5 =	smul.f32 s5, s4  }
0x8c: {  	v59 =	vmul.f32 v60, v60;
	v15 =	vmul.f32 v15, v15;
	v16 =	vadd.f32 v16, v53;
	v53 =	vld [tilespmem:s22+$0x810]  }
0x8d: {  	v27 =	vmul.f32 v27, v27;
	v20 =	vadd.f32 v63, v20;
	v17 =	vmul.f32 v61, v61;
	v55 =	vld [tilespmem:s22+$0x820];
	s5 =	ssub.f32 $1.500000000e+00, s5  }
0x8e: {  	v63 =	vmul.f32 v31, v31;
	v18 =	vmul.f32 v18, v18;
	v15 =	vadd.f32 v15, v52;
	v52 =	vld [tilespmem:s22+$0x830];
	v62, _, _ =	vpop (xrf0)  }
0x8f: {  	v61 =	vmul.f32 v6, v6;
	v17 =	vadd.f32 v17, v54;
	v54 =	vld [tilespmem:s26+$0x800];
	(v2sf) =	vpush v62, $0xF;
	s4 =	smul.f32 s5, s4  }
0x90: {  	v60 =	vmul.f32 v26, v26;
	v26 =	vadd.f32 v63, v27;
	v63 =	vmul.f32 v39, v39;
	v28 =	vld [tilespmem:s26+$0x810]  }
0x91: {  	v19 =	vmul.f32 v19, v19;
	v21 =	vadd.f32 v21, v61;
	v61 =	vmul.f32 v29, v29;
	v29 =	vld [tilespmem:s26+$0x820];
	s5 =	smul.f32 s4, s30  }
0x92: {  	v56 =	vmul.f32 v32, v32;
	v57 =	vmul.f32 v5, v5;
	v32 =	vld [tilespmem:s16+$0x800]  }
0x93: {  	v19 =	vadd.f32 v23, v19;
	v23 =	vadd.f32 v61, v58;
	v58 =	vmul.f32 v34, v34;
	v34 =	vld [tilespmem:s16+$0x810];
	s5 =	smul.f32 s5, s4  }
0x94: {  	v24 =	vadd.f32 v59, v57;
	v59 =	vmul.f32 v35, v35;
	v35 =	vld [tilespmem:s16+$0x820]  }
0x95: {  	v18 =	vadd.f32 v22, v18;
	v20 =	vadd.f32 v63, v20;
	v57 =	vmul.f32 v33, v33;
	v33 =	vld [tilespmem:s16+$0x830];
	s5 =	ssub.f32 $1.500000000e+00, s5  }
0x96: {  	v27 =	vadd.f32 v56, v51;
	v51 =	vmul.f32 v40, v40;
	v61 =	vmul.f32 v37, v37;
	v37 =	vld [tilespmem:s22+$0x840]  }
0x97: {  	v56 =	vmul.f32 v41, v41;
	v15 =	vadd.f32 v57, v15;
	v16 =	vadd.f32 v58, v16;
	v39 =	vld [tilespmem:s22+$0x850];
	s4 =	smul.f32 s5, s4  }
0x98: {  	v17 =	vadd.f32 v59, v17;
	v18 =	vadd.f32 v61, v18;
	v57 =	vmul.f32 v42, v42;
	v41 =	vld [tilespmem:s26+$0x840]  }
0x99: {  	v24 =	vadd.f32 v51, v24;
	v40 =	vld [tilespmem:s26+$0x860];
	v58 =	vmul.f32 v43, v43;
	v59 =	vmul.f32 v44, v44;
	s3 =	smul.f32 s4, s30  }
0x9a: {  	s11 =	sadd.s32 $0x5, s2;
	v23 =	vadd.f32 v56, v23;
	v42 =	vld [tilespmem:s26+$0x870];
	v63 =	vmul.f32 v47, v47;
	v48 =	vmul.f32 v48, v48  }
0x9b: {  	v56 =	vmov s11;
	v31 =	vld [tilespmem:s16+$0x860];
	v49 =	vmul.f32 v49, v49;
	v51 =	vmul.f32 v50, v50;
	s3 =	smul.f32 s3, s4  }
0x9c: {  	vm2 =	veq.s32 v56, v1;
	s1 =	sand.u32 $0xC, s24;
	v25 =	vld [tilespmem:s16+$0x870];
	v14 =	vmul.f32 v14, v14;
	v12 =	vmul.f32 v12, v12  }
0x9d: {  	v61 =	vmov s1;
	v43 =	vld [tilespmem:s26+$0x850];
	v11 =	vmul.f32 v11, v11;
	v13 =	vmul.f32 v13, v13;
	s3 =	ssub.f32 $1.500000000e+00, s3  }
0x9e: {  	p0 =	por p1, p1;
	vm1 =	veq.s32 v61, v1;
	v44 =	vld [tilespmem:s22+$0xC00];
	v61 =	vmul.f32 v55, v55;
	v50 =	vmul.f32 v28, v28;
	s9 =	spop (v2sf)  }
0x9f: {  	p1 =	sge.f32 s21, $1.000000020e-24;
	v55 =	vmul.f32 v32, v32;
	v56 =	vmul.f32 v34, v34;
	v10 =	vld [tilespmem:s16+$0x440];
	v26 =	vadd.f32 v58, v26;
	s10 =	sshrl.u32 s9, $0x3;
	s23 =	smul.f32 s3, s4  }
0xa0: {  	v34 =	vld [tilespmem:s16+$0xC10];
	v31 =	vmul.f32 v31, v31;
	v27 =	vadd.f32 v59, v27;
	v17 =	vadd.f32 v63, v17;
	s3 =	smul.u32 $0x5000, s10  }
0xa1: {  	v47 =	vld [tilespmem:s22+$0xC40];
	v18 =	vadd.f32 v49, v18;
	v14 =	vadd.f32 v14, v20;
	v59 =	vmul.f32 v9, v9;
	s1 =	sshll.u32 s9, $0x7;
	s23 =	simm.s32 @!p1 $0x5368D4A5  }
0xa2: {  	v12 =	vadd.f32 v12, v23;
	v23 =	vld [tilespmem:s22+$0xC10];
	v62 =	vmul.f32 v30, v30;
	s1 =	sand.u32 $0x380, s1;
	s3 =	sshra.s32 s3, $0x2;
	v7 =	vmul.f32 s23, v7  }
0xa3: {  	v49 =	vld [tilespmem:s22+$0xC30];
	v63 =	vmul.f32 v54, v54;
	v11 =	vadd.f32 v11, v26;
	v13 =	vadd.f32 v13, v27;
	s21 =	sor.u32 s1, s3  }
0xa4: {  	v10 =	vmul.f32 v10, v10;
	v22 =	vadd.f32 v62, v60;
	v60 =	vmul.f32 v36, v36;
	[tilespmem:s21+$0x6080] =	vst.add.f32.msk $0xffff, v7  }
0xa5: {  	v18 =	vadd.f32 v50, v18;
	v12 =	vadd.f32 v56, v12;
	v62 =	vmul.f32 v38, v38;
	v58 =	vld [tilespmem:s8+$0x10]  }
0xa6: {  	v27 =	vld [tilespmem:s26+$0xC00];
	v50 =	vmul.f32 v25, v25;
	v10 =	vadd.f32 v10, v24;
	v21 =	vadd.f32 v60, v21  }
0xa7: {  	s2 =	sadd.s32 $0x6, s2;
	v23 =	vmul.f32 v23, v23;
	v30 =	vld [tilespmem:s26+$0x830];
	v19 =	vadd.f32 v62, v19;
	v22 =	vadd.f32 v57, v22  }
0xa8: {  	v24 =	vld [tilespmem:s26+$0xC20];
	v60 =	vmul.f32 v45, v45;
	v62 =	vmul.f32 v46, v46;
	v57 =	vmov s2  }
0xa9: {  	v36 =	vld [tilespmem:s22+$0x860];
	v10 =	vadd.f32 v55, v10;
	vm0 =	veq.s32 v57, v1;
	v57 =	vmul.f32 v35, v35  }
0xaa: {  	v38 =	vld [tilespmem:s22+$0x870];
	v15 =	vadd.f32 v60, v15;
	v16 =	vadd.f32 v62, v16;
	v20 =	vmul.f32 s23, v58  }
0xab: {  	v45 =	vld [tilespmem:s16+$0x840];
	v21 =	vadd.f32 v48, v21;
	v19 =	vadd.f32 v51, v19;
	v60 =	vmul.f32 v53, v53  }
0xac: {  	v22 =	vadd.f32 v59, v22;
	v62 =	vmul.f32 v52, v52;
	v52 =	vmul.f32 v29, v29;
	[tilespmem:s21+$0x6090] =	vst.add.f32.msk $0xffff, v20  }
0xad: {  	v53 =	vmul.f32 v30, v30;
	v15 =	vadd.f32 v60, v15;
	v16 =	vadd.f32 v61, v16;
	v54 =	vld [tilespmem:s8+$0x20]  }
0xae: {  	v46 =	vld [tilespmem:s16+$0x850];
	v59 =	vmul.f32 v37, v37;
	v17 =	vadd.f32 v62, v17;
	v51 =	vadd.f32 v63, v21  }
0xaf: {  	v35 =	vld [tilespmem:s16+$0xC30];
	v19 =	vadd.f32 v52, v19;
	v60 =	vmul.f32 v39, v39;
	v61 =	vmul.f32 v36, v36  }
0xb0: {  	v48 =	vld [tilespmem:s22+$0xC20];
	v14 =	vadd.f32 v53, v14;
	v62 =	vmul.f32 v38, v38;
	v63 =	vmul.f32 v41, v41  }
0xb1: {  	v30 =	vld [tilespmem:s26+$0xC10];
	v21 =	vadd.f32 v57, v22;
	v39 =	vmul.f32 v43, v43;
	v41 =	vmul.f32 v40, v40  }
0xb2: {  	v29 =	vld [tilespmem:s26+$0xC30];
	v13 =	vadd.f32 v59, v13;
	v43 =	vmul.f32 v42, v42;
	v28 =	vmul.f32 s23, v54  }
0xb3: {  	v37 =	vld [tilespmem:s26+$0xC60];
	v52 =	vmul.f32 v44, v44;
	v15 =	vadd.f32 v60, v15;
	v16 =	vadd.f32 v61, v16  }
0xb4: {  	v45 =	vmul.f32 v45, v45;
	v17 =	vadd.f32 v62, v17;
	v18 =	vadd.f32 v39, v18;
	[tilespmem:s21+$0x60A0] =	vst.add.f32.msk $0xffff, v28  }
0xb5: {  	v46 =	vmul.f32 v46, v46;
	v19 =	vadd.f32 v41, v19;
	v14 =	vadd.f32 v43, v14;
	v28 =	vld [tilespmem:s8+$0x30]  }
0xb6: {  	v56 =	vmul.f32 v49, v49;
	v53 =	vld [tilespmem:s22+$0xC60];
	v21 =	vadd.f32 v31, v21;
	v13 =	vadd.f32 v52, v13  }
0xb7: {  	v24 =	vmul.f32 v24, v24;
	v57 =	vld [tilespmem:s26+$0xC40];
	v10 =	vadd.f32 v45, v10;
	v12 =	vadd.f32 v46, v12  }
0xb8: {  	v55 =	vmul.f32 v48, v48;
	v59 =	vmul.f32 v30, v30;
	v20 =	vadd.f32 v63, v51;
	v51 =	vld [tilespmem:s22+$0xC50]  }
0xb9: {  	v61 =	vmul.f32 v29, v29;
	v15 =	vadd.f32 v23, v15;
	v17 =	vadd.f32 v56, v17;
	v54 =	vld [tilespmem:s22+$0xC70]  }
0xba: {  	v40 =	vld [tilespmem:s26+$0xC70];
	v19 =	vadd.f32 v24, v19;
	v58 =	vmul.f32 v33, v33;
	v28 =	vmul.f32 s23, v28  }
0xbb: {  	v62 =	vld [tilespmem:s26+$0xC50];
	v16 =	vadd.f32 v55, v16;
	v18 =	vadd.f32 v59, v18;
	v39 =	vmul.f32 v53, v53  }
0xbc: {  	v45 =	vmul.f32 v34, v34;
	v14 =	vadd.f32 v61, v14;
	v11 =	vadd.f32 v58, v11;
	[tilespmem:s21+$0x60B0] =	vst.add.f32.msk $0xffff, v28  }
0xbd: {  	v16 =	vadd.f32 v39, v16;
	v58 =	vmul.f32 v27, v27;
	v63 =	vmul.f32 v47, v47;
	v60 =	vld [tilespmem:s8+$0x40]  }
0xbe: {  	v36 =	vld [tilespmem:s16+$0xC20];
	v11 =	vadd.f32 v50, v11;
	v25 =	vmul.f32 v51, v51;
	v22 =	vmul.f32 v54, v54  }
0xbf: {  	v42 =	vld [tilespmem:s16+$0xC40];
	v46 =	vmul.f32 v57, v57;
	v20 =	vadd.f32 v58, v20;
	v13 =	vadd.f32 v63, v13  }
0xc0: {  	v43 =	vld [tilespmem:s16+$0xC50];
	v48 =	vmul.f32 v62, v62;
	v15 =	vadd.f32 v25, v15;
	v17 =	vadd.f32 v22, v17  }
0xc1: {  	v33 =	vld [tilespmem:s16+$0xC00];
	v50 =	vmul.f32 v37, v37;
	v49 =	vadd.f32 v46, v20;
	v51 =	vmul.f32 v40, v40  }
0xc2: {  	v47 =	vld [tilespmem:s16+$0xC60];
	v13 =	vadd.f32 v15, v13;
	v15 =	vadd.f32 v17, v16;
	v44 =	vmul.f32 s23, v60  }
0xc3: {  	v53 =	vmul.f32 v36, v36;
	v55 =	vadd.f32 v50, v19;
	v14 =	vadd.f32 v51, v14;
	v54 =	vld [tilespmem:s16+$0xC70]  }
0xc4: {  	v7 =	vnsel vm1, $0x7FFFFFFF, v8;
	v13 =	vadd.f32 v15, v13;
	v15 =	vadd.f32 v48, v18;
	[tilespmem:s21+$0x60C0] =	vst.add.f32.msk $0xffff, v44  }
0xc5: {  	v56 =	vmul.f32 v35, v35;
	v12 =	vadd.f32 v45, v12;
	v57 =	vadd.f32 v53, v21;
	(xrf0) =	vmax.scan.msk.u32 $0xffff, v7;
	v52 =	vld [tilespmem:s8+$0x50]  }
0xc6: {  	v9 =	vnsel vm2, $0x7FFFFFFF, v8;
	v14 =	vadd.f32 v14, v55;
	(xrf2) =	vadd.scan.msk.f32 $0xffff, v13;
	v13 =	vadd.f32 v15, v49  }
0xc7: {  	v8 =	vnsel vm0, $0x7FFFFFFF, v8;
	(xrf0) =	vmax.scan.msk.u32 $0xffff, v9;
	v41 =	vmul.f32 v33, v33;
	v9 =	vadd.f32 v56, v11  }
0xc8: {  	(xrf0) =	vmax.scan.msk.u32 $0xffff, v8;
	v8 =	vmul.f32 v47, v47;
	v13 =	vadd.f32 v14, v13;
	v14 =	vmul.f32 v54, v54  }
0xc9: {  	v7 =	vmul.f32 v42, v42;
	v11 =	vmul.f32 v43, v43;
	v10 =	vadd.f32 v41, v10  }
0xca: {  	v8 =	vadd.f32 v8, v57;
	v9 =	vadd.f32 v14, v9;
	v15 =	vmul.f32 s23, v52  }
0xcb: {  	v7 =	vadd.f32 v7, v10;
	(xrf2) =	vadd.scan.msk.f32 $0xffff, v13  }
0xcc: {  	v10 =	vadd.f32 v11, v12;
	v8 =	vadd.f32 v9, v8;
	[tilespmem:s21+$0x60D0] =	vst.add.f32.msk $0xffff, v15  }
0xcd: {  	v12, _, _ =	vpop (xrf0);
	v11 =	vld [tilespmem:s8+$0x60]  }
0xce: {  	(v2sf) =	vpush v12, $0xF;
	v7 =	vadd.f32 v10, v7;
	v9, _, _ =	vpop (xrf0)  }
0xcf: {  	(v2sf) =	vpush v9, $0xF;
	v9, _, _ =	vpop (xrf0)  }
0xd0: {  	v7 =	vadd.f32 v8, v7;
	(v2sf) =	vpush v9, $0xF;
	v8, _, _ =	vpop (xrf2)  }
0xd1: {  	(v2sf) =	vpush v8, $0xF  }
0xd2: {  	v9 =	vmul.f32 s23, v11;
	_ =	sdelay $0x1  }
0xd3: {  	(xrf2) =	vadd.scan.msk.f32 $0xffff, v7;
	[tilespmem:s21+$0x60E0] =	vst.add.f32.msk $0xffff, v9  }
0xd4: {  	v8, _, _ =	vpop (xrf2);
	v7 =	vld [tilespmem:s8+$0x70]  }
0xd5: {  	(v2sf) =	vpush v8, $0xF;
	_ =	sdelay $0x3  }
0xd6: {  	v7 =	vmul.f32 s23, v7;
	_ =	sdelay $0x2  }
0xd7: {  	s3 =	spop (v2sf);
	[tilespmem:s21+$0x60F0] =	vst.add.f32.msk $0xffff, v7  }
0xd8: {  	s2 =	spop (v2sf);
	v8 =	vld [tilespmem:s8+$0x400];
	v7, _, _ =	vpop (xrf2)  }
0xd9: {  	s1 =	spop (v2sf);
	(v2sf) =	vpush v7, $0xF  }
0xda: {  	s0 =	spop (v2sf)  }
0xdb: {  	s12 =	smax.f32 s0, $1.000000020e-24  }
0xdc: {  	s7 =	sshra.s32 s12, $0x1;
	s6 =	smul.f32 $5.000000000e-01, s12  }
0xdd: {  	s7 =	ssub.s32 $0x5F3759DF, s7;
	v7 =	vmul.f32 s23, v8  }
0xde: {  	[dreg:$0x15] =	wrdreg s0;
	s5 =	smul.f32 s7, s6  }
0xdf: {  	s4 =	spop (v2sf);
	[tilespmem:s21+$0x6480] =	vst.add.f32.msk $0xffff, v7  }
0xe0: {  	s13 =	smax.f32 s4, $1.000000020e-24;
	s9 =	smul.f32 s7, s5;
	v7 =	vld [tilespmem:s8+$0x410]  }
0xe1: {  	s11 =	sshra.s32 s13, $0x1;
	s12 =	smul.f32 $5.000000000e-01, s13  }
0xe2: {  	s14 =	ssub.s32 $0x5F3759DF, s11;
	s9 =	ssub.f32 $1.500000000e+00, s9  }
0xe3: {  	s11 =	smul.f32 s14, s12  }
0xe4: {  	s9 =	smul.f32 s7, s9  }
0xe5: {  	s11 =	smul.f32 s14, s11;
	v7 =	vmul.f32 s23, v7  }
0xe6: {  	s10 =	sshrl.u32 s3, $0x3;
	[dreg:$0x17] =	wrdreg s4;
	s13 =	smul.f32 s9, s6  }
0xe7: {  	s5 =	smul.u32 $0x5000, s10;
	s11 =	ssub.f32 $1.500000000e+00, s11;
	[tilespmem:s21+$0x6490] =	vst.add.f32.msk $0xffff, v7  }
0xe8: {  	s13 =	smul.f32 s13, s9;
	v7 =	vld [tilespmem:s8+$0x420];
	s7 =	spop (v2sf)  }
0xe9: {  	s10 =	smul.f32 s14, s11;
	s17 =	smax.f32 s7, $1.000000020e-24  }
0xea: {  	s18 =	sshra.s32 s17, $0x1;
	s17 =	smul.f32 $5.000000000e-01, s17  }
0xeb: {  	s20 =	smul.f32 s10, s12;
	s18 =	ssub.s32 $0x5F3759DF, s18  }
0xec: {  	s19 =	smul.f32 s18, s17  }
0xed: {  	s13 =	ssub.f32 $1.500000000e+00, s13;
	s20 =	smul.f32 s20, s10;
	v7 =	vmul.f32 s23, v7  }
0xee: {  	[dreg:$0x18] =	wrdreg s7;
	s15 =	smul.f32 s18, s19  }
0xef: {  	s9 =	smul.f32 s13, s9;
	[tilespmem:s21+$0x64A0] =	vst.add.f32.msk $0xffff, v7  }
0xf0: {  	v7 =	vld [tilespmem:s8+$0x430];
	s11 =	ssub.f32 $1.500000000e+00, s15  }
0xf1: {  	s25 =	ssub.f32 $1.500000000e+00, s20;
	s14 =	smul.f32 s9, s6  }
0xf2: {  	s11 =	smul.f32 s18, s11  }
0xf3: {  	s10 =	smul.f32 s25, s10  }
0xf4: {  	s18 =	smul.f32 s11, s17  }
0xf5: {  	s15 =	smul.f32 s10, s12;
	v7 =	vmul.f32 s23, v7  }
0xf6: {  	s30 =	smul.f32 s18, s11  }
0xf7: {  	s24 =	sshrl.u32 s2, $0x3;
	[tilespmem:s21+$0x64B0] =	vst.add.f32.msk $0xffff, v7;
	s18 =	smul.f32 s14, s9  }
0xf8: {  	s19 =	smul.u32 $0x5000, s24;
	v7 =	vld [tilespmem:s8+$0x440];
	s13 =	ssub.f32 $1.500000000e+00, s30  }
0xf9: {  	s20 =	smul.f32 s15, s10;
	s18 =	ssub.f32 $1.500000000e+00, s18  }
0xfa: {  	s11 =	smul.f32 s13, s11  }
0xfb: {  	s13 =	ssub.f32 $1.500000000e+00, s20;
	s9 =	smul.f32 s18, s9  }
0xfc: {  	s24 =	smul.f32 s11, s17  }
0xfd: {  	v7 =	vmul.f32 s23, v7;
	s10 =	smul.f32 s13, s10  }
0xfe: {  	s6 =	smul.f32 s9, s6  }
0xff: {  	s25 =	smul.f32 s24, s11;
	[tilespmem:s21+$0x64C0] =	vst.add.f32.msk $0xffff, v7  }
0x100: {  	s12 =	smul.f32 s10, s12;
	v7 =	vld [tilespmem:s8+$0x450]  }
0x101: {  	s6 =	smul.f32 s6, s9  }
0x102: {  	s30 =	ssub.f32 $1.500000000e+00, s25  }
0x103: {  	s6 =	ssub.f32 $1.500000000e+00, s6;
	s12 =	smul.f32 s12, s10  }
0x104: {  	s11 =	smul.f32 s30, s11  }
0x105: {  	s3 =	sshll.u32 s3, $0x7;
	s18 =	smul.f32 s6, s9;
	s12 =	ssub.f32 $1.500000000e+00, s12;
	v7 =	vmul.f32 s23, v7  }
0x106: {  	s3 =	sand.u32 $0x380, s3;
	p1 =	sge.f32 s0, $1.000000020e-24;
	s13 =	smul.f32 s11, s17  }
0x107: {  	s2 =	sshll.u32 s2, $0x7;
	p2 =	sge.f32 s4, $1.000000020e-24;
	s30 =	smul.f32 s12, s10;
	[tilespmem:s21+$0x64D0] =	vst.add.f32.msk $0xffff, v7  }
0x108: {  	s5 =	sshra.s32 s5, $0x2;
	s18 =	simm.s32 @!p1 $0x5368D4A5;
	s13 =	smul.f32 s13, s11;
	v7 =	vld [tilespmem:s8+$0x460]  }
0x109: {  	s2 =	sand.u32 $0x380, s2;
	s15 =	sor.u32 s3, s5;
	v4 =	vmul.f32 s18, v4  }
0x10a: {  	s20 =	sshra.s32 s19, $0x2;
	s30 =	simm.s32 @!p2 $0x5368D4A5;
	s14 =	ssub.f32 $1.500000000e+00, s13  }
0x10b: {  	s20 =	sor.u32 s2, s20;
	[tilespmem:s15+$0x6080] =	vst.add.f32.msk $0xffff, v4;
	v4 =	vmul.f32 s30, v6  }
0x10c: {  	s17 =	sshrl.u32 s1, $0x3;
	p1 =	sge.f32 s7, $1.000000020e-24;
	v6 =	vld [tilespmem:s22+$0x10];
	s14 =	smul.f32 s14, s11  }
0x10d: {  	s24 =	smul.u32 $0x5000, s17;
	[tilespmem:s20+$0x6080] =	vst.add.f32.msk $0xffff, v4;
	v4 =	vmul.f32 s23, v7  }
0x10e: {  	s1 =	sshll.u32 s1, $0x7;
	s14 =	simm.s32 @!p1 $0x5368D4A5;
	v7 =	vld [tilespmem:s26+$0x10]  }
0x10f: {  	s1 =	sand.u32 $0x380, s1;
	s2 =	sshra.s32 s24, $0x2;
	v5 =	vmul.f32 s14, v5;
	[tilespmem:s21+$0x64E0] =	vst.add.f32.msk $0xffff, v4  }
0x110: {  	s19 =	sor.u32 s1, s2;
	v4 =	vld [tilespmem:s8+$0x470]  }
0x111: {  	[tilespmem:s19+$0x6080] =	vst.add.f32.msk $0xffff, v5;
	v5 =	vmul.f32 s18, v6  }
0x112: {  	v6 =	vld [tilespmem:s16+$0x10]  }
0x113: {  	[tilespmem:s15+$0x6090] =	vst.add.f32.msk $0xffff, v5;
	v5 =	vmul.f32 s30, v7  }
0x114: {  	v7 =	vld [tilespmem:s22+$0x20]  }
0x115: {  	[tilespmem:s20+$0x6090] =	vst.add.f32.msk $0xffff, v5;
	v4 =	vmul.f32 s23, v4  }
0x116: {  	v5 =	vld [tilespmem:s26+$0x20]  }
0x117: {  	v6 =	vmul.f32 s14, v6;
	[tilespmem:s21+$0x64F0] =	vst.add.f32.msk $0xffff, v4  }
0x118: {  	v4 =	vld [tilespmem:s8+$0x800]  }
0x119: {  	v7 =	vmul.f32 s18, v7;
	[tilespmem:s19+$0x6090] =	vst.add.f32.msk $0xffff, v6  }
0x11a: {  	v6 =	vld [tilespmem:s16+$0x20]  }
0x11b: {  	[tilespmem:s15+$0x60A0] =	vst.add.f32.msk $0xffff, v7;
	v5 =	vmul.f32 s30, v5  }
0x11c: {  	v7 =	vld [tilespmem:s22+$0x30]  }
0x11d: {  	[tilespmem:s20+$0x60A0] =	vst.add.f32.msk $0xffff, v5;
	v4 =	vmul.f32 s23, v4  }
0x11e: {  	v5 =	vld [tilespmem:s26+$0x30]  }
0x11f: {  	v6 =	vmul.f32 s14, v6;
	[tilespmem:s21+$0x6880] =	vst.add.f32.msk $0xffff, v4  }
0x120: {  	v4 =	vld [tilespmem:s8+$0x810]  }
0x121: {  	[tilespmem:s19+$0x60A0] =	vst.add.f32.msk $0xffff, v6;
	v6 =	vmul.f32 s18, v7  }
0x122: {  	v7 =	vld [tilespmem:s16+$0x30]  }
0x123: {  	[tilespmem:s15+$0x60B0] =	vst.add.f32.msk $0xffff, v6;
	v5 =	vmul.f32 s30, v5  }
0x124: {  	v6 =	vld [tilespmem:s22+$0x40]  }
0x125: {  	[tilespmem:s20+$0x60B0] =	vst.add.f32.msk $0xffff, v5;
	v4 =	vmul.f32 s23, v4  }
0x126: {  	v5 =	vld [tilespmem:s26+$0x40]  }
0x127: {  	v7 =	vmul.f32 s14, v7;
	[tilespmem:s21+$0x6890] =	vst.add.f32.msk $0xffff, v4  }
0x128: {  	v4 =	vld [tilespmem:s8+$0x820]  }
0x129: {  	[tilespmem:s19+$0x60B0] =	vst.add.f32.msk $0xffff, v7;
	v6 =	vmul.f32 s18, v6  }
0x12a: {  	v7 =	vld [tilespmem:s16+$0x40]  }
0x12b: {  	[tilespmem:s15+$0x60C0] =	vst.add.f32.msk $0xffff, v6;
	v5 =	vmul.f32 s30, v5  }
0x12c: {  	v6 =	vld [tilespmem:s22+$0x50]  }
0x12d: {  	[tilespmem:s20+$0x60C0] =	vst.add.f32.msk $0xffff, v5;
	v4 =	vmul.f32 s23, v4  }
0x12e: {  	v5 =	vld [tilespmem:s26+$0x50]  }
0x12f: {  	v7 =	vmul.f32 s14, v7;
	[tilespmem:s21+$0x68A0] =	vst.add.f32.msk $0xffff, v4  }
0x130: {  	v4 =	vld [tilespmem:s8+$0x830]  }
0x131: {  	v6 =	vmul.f32 s18, v6;
	[tilespmem:s19+$0x60C0] =	vst.add.f32.msk $0xffff, v7  }
0x132: {  	v7 =	vld [tilespmem:s16+$0x50]  }
0x133: {  	[tilespmem:s15+$0x60D0] =	vst.add.f32.msk $0xffff, v6;
	v5 =	vmul.f32 s30, v5  }
0x134: {  	v6 =	vld [tilespmem:s22+$0x60]  }
0x135: {  	[tilespmem:s20+$0x60D0] =	vst.add.f32.msk $0xffff, v5;
	v4 =	vmul.f32 s23, v4  }
0x136: {  	v5 =	vld [tilespmem:s26+$0x60]  }
0x137: {  	v7 =	vmul.f32 s14, v7;
	[tilespmem:s21+$0x68B0] =	vst.add.f32.msk $0xffff, v4  }
0x138: {  	v4 =	vld [tilespmem:s8+$0x840]  }
0x139: {  	v6 =	vmul.f32 s18, v6;
	[tilespmem:s19+$0x60D0] =	vst.add.f32.msk $0xffff, v7  }
0x13a: {  	v7 =	vld [tilespmem:s16+$0x60]  }
0x13b: {  	[tilespmem:s15+$0x60E0] =	vst.add.f32.msk $0xffff, v6;
	v5 =	vmul.f32 s30, v5  }
0x13c: {  	v6 =	vld [tilespmem:s22+$0x70]  }
0x13d: {  	[tilespmem:s20+$0x60E0] =	vst.add.f32.msk $0xffff, v5;
	v4 =	vmul.f32 s23, v4  }
0x13e: {  	v5 =	vld [tilespmem:s26+$0x70]  }
0x13f: {  	v7 =	vmul.f32 s14, v7;
	[tilespmem:s21+$0x68C0] =	vst.add.f32.msk $0xffff, v4  }
0x140: {  	v4 =	vld [tilespmem:s8+$0x850]  }
0x141: {  	v6 =	vmul.f32 s18, v6;
	[tilespmem:s19+$0x60E0] =	vst.add.f32.msk $0xffff, v7  }
0x142: {  	v7 =	vld [tilespmem:s16+$0x70]  }
0x143: {  	[tilespmem:s15+$0x60F0] =	vst.add.f32.msk $0xffff, v6;
	v5 =	vmul.f32 s30, v5  }
0x144: {  	v8 =	vld [tilespmem:s22+$0x400]  }
0x145: {  	[tilespmem:s20+$0x60F0] =	vst.add.f32.msk $0xffff, v5;
	v4 =	vmul.f32 s23, v4  }
0x146: {  	v5 =	vld [tilespmem:s26+$0x400]  }
0x147: {  	s25 =	rddreg [dreg:$0x4];
	s17 =	simm.s32 $0x800;
	v7 =	vmul.f32 s14, v7;
	[tilespmem:s21+$0x68D0] =	vst.add.f32.msk $0xffff, v4  }
0x148: {  	s0 =	sand.u32 $0x3000, s17;
	s13 =	smov.u32 s21;
	s21 =	simm.s32 $0x380;
	v6 =	vld [tilespmem:s8+$0x860]  }
0x149: {  	s5 =	sadd.s32 s0, s25;
	[tilespmem:s19+$0x60F0] =	vst.add.f32.msk $0xffff, v7;
	s2 =	sand.u32 $0x380, s21  }
0x14a: {  	v4 =	vld [tilespmem:s16+$0x400];
	s11 =	sadd.s32 s2, s5  }
0x14b: {  	v7 =	vld [tilespmem:s11+$0xC40]  }
0x14c: {  	v9 =	vld [tilespmem:s11+$0xC50]  }
0x14d: {  	v10 =	vld [tilespmem:s11+$0xC00]  }
0x14e: {  	v11 =	vld [tilespmem:s11+$0xC10]  }
0x14f: {  	v12 =	vld [tilespmem:s11+$0x840]  }
0x150: {  	v13 =	vld [tilespmem:s11+$0x850]  }
0x151: {  	v14 =	vld [tilespmem:s11+$0x800]  }
0x152: {  	v15 =	vld [tilespmem:s11+$0x810]  }
0x153: {  	v58 =	vld [tilespmem:s11+$0x440]  }
0x154: {  	v59 =	vld [tilespmem:s11+$0x450]  }
0x155: {  	v60 =	vld [tilespmem:s11+$0x400]  }
0x156: {  	v61 =	vld [tilespmem:s11+$0x410]  }
0x157: {  	v20 =	vld [tilespmem:s11+$0x0]  }
0x158: {  	v62 =	vld [tilespmem:s11+$0x10]  }
0x159: {  	v63 =	vld [tilespmem:s11+$0x20]  }
0x15a: {  	v33 =	vld [tilespmem:s11+$0x30];
	v7 =	vmul.f32 v7, v7;
	v9 =	vmul.f32 v9, v9  }
0x15b: {  	v34 =	vld [tilespmem:s11+$0x40];
	v10 =	vmul.f32 v10, v10;
	v11 =	vmul.f32 v11, v11  }
0x15c: {  	v35 =	vld [tilespmem:s11+$0x50];
	v12 =	vmul.f32 v12, v12;
	v13 =	vmul.f32 v13, v13  }
0x15d: {  	v36 =	vld [tilespmem:s11+$0x60];
	v14 =	vmul.f32 v14, v14;
	v15 =	vmul.f32 v15, v15  }
0x15e: {  	v37 =	vld [tilespmem:s11+$0x70];
	v16 =	vmul.f32 v58, v58;
	v17 =	vmul.f32 v59, v59  }
0x15f: {  	v38 =	vld [tilespmem:s11+$0x420];
	v18 =	vmul.f32 v60, v60;
	v19 =	vmul.f32 v61, v61  }
0x160: {  	v40 =	vld [tilespmem:s11+$0x430];
	v39 =	vmul.f32 v20, v20;
	v21 =	vmul.f32 v62, v62  }
0x161: {  	v41 =	vld [tilespmem:s11+$0x460];
	v22 =	vmul.f32 v63, v63;
	v23 =	vmul.f32 v33, v33  }
0x162: {  	v42 =	vld [tilespmem:s11+$0x470];
	v24 =	vmul.f32 v34, v34;
	v25 =	vmul.f32 v35, v35  }
0x163: {  	v43 =	vld [tilespmem:s11+$0x820];
	v26 =	vmul.f32 v36, v36;
	v27 =	vmul.f32 v37, v37  }
0x164: {  	v45 =	vld [tilespmem:s11+$0x830];
	v44 =	vmul.f32 v38, v38;
	v24 =	vadd.f32 v24, v39;
	v21 =	vadd.f32 v25, v21  }
0x165: {  	v47 =	vld [tilespmem:s11+$0x860];
	v46 =	vmul.f32 v40, v40;
	v22 =	vadd.f32 v26, v22;
	v23 =	vadd.f32 v27, v23  }
0x166: {  	v49 =	vld [tilespmem:s11+$0x870];
	v48 =	vmul.f32 v41, v41;
	v18 =	vadd.f32 v18, v24;
	v19 =	vadd.f32 v19, v21  }
0x167: {  	v53 =	vld [tilespmem:s11+$0xC30];
	v50 =	vmul.f32 v42, v42;
	v22 =	vadd.f32 v44, v22;
	v23 =	vadd.f32 v46, v23  }
0x168: {  	v51 =	vld [tilespmem:s11+$0xC20];
	v52 =	vmul.f32 v43, v43;
	v16 =	vadd.f32 v16, v18;
	v17 =	vadd.f32 v17, v19  }
0x169: {  	v56 =	vld [tilespmem:s11+$0xC60];
	v55 =	vmul.f32 v45, v45;
	v21 =	vadd.f32 v48, v22;
	v54 =	vadd.f32 v50, v23  }
0x16a: {  	v57 =	vmul.f32 v47, v47;
	v58 =	vld [tilespmem:s11+$0xC70];
	v14 =	vadd.f32 v14, v16;
	v15 =	vadd.f32 v15, v17  }
0x16b: {  	v60 =	vmul.f32 v49, v49;
	v18 =	vadd.f32 v52, v21;
	v59 =	vadd.f32 v55, v54  }
0x16c: {  	v62 =	vmul.f32 v53, v53;
	v12 =	vadd.f32 v12, v14;
	v13 =	vadd.f32 v13, v15  }
0x16d: {  	v14 =	vmul.f32 v51, v51;
	v15 =	vadd.f32 v57, v18;
	v61 =	vadd.f32 v60, v59  }
0x16e: {  	v10 =	vadd.f32 v10, v12;
	v11 =	vadd.f32 v11, v13;
	v12 =	vmul.f32 v56, v56  }
0x16f: {  	v13 =	vadd.f32 v14, v15;
	v14 =	vadd.f32 v62, v61;
	v15 =	vmul.f32 v58, v58  }
0x170: {  	v7 =	vadd.f32 v7, v10;
	v9 =	vadd.f32 v9, v11  }
0x171: {  	v10 =	vadd.f32 v12, v13;
	v11 =	vadd.f32 v15, v14;
	_ =	sdelay $0x1  }
0x172: {  	v7 =	vadd.f32 v9, v7;
	v9 =	vadd.f32 v11, v10;
	_ =	sdelay $0x1  }
0x173: {  	v7 =	vadd.f32 v9, v7;
	_ =	sdelay $0x1  }
0x174: {  	(xrf2) =	vadd.scan.msk.f32 $0xffff, v7;
	_ =	sdelay $0x9  }
0x175: {  	v7, _, _ =	vpop (xrf2)  }
0x176: {  	(v2sf) =	vpush v7, $0xF;
	_ =	sdelay $0xe  }
0x177: {  	s7 =	spop (v2sf)  }
0x178: {  	s3 =	smax.f32 s7, $1.000000020e-24  }
0x179: {  	s29 =	simm.s32 $0x4;
	s4 =	sshra.s32 s3, $0x1;
	s1 =	smul.f32 $5.000000000e-01, s3  }
0x17a: {  	s6 =	sand.u32 $0x10, s29;
	[dreg:$0x19] =	wrdreg s7;
	s2 =	ssub.s32 $0x5F3759DF, s4  }
0x17b: {  	s10 =	simm.s32 $0x4;
	v7 =	vld.idx.msk [tilespmem:v3+s6+$0x0 ss:$0x1], $0xffff;
	s9 =	smul.f32 s2, s1  }
0x17c: {  	s24 =	sand.u32 $0xFFFFFFF0, s10  }
0x17d: {  	s6 =	ssub.s32 $0x0, s24;
	s3 =	smul.f32 s2, s9  }
0x17e: {  	s25 =	sadd.s32 $0x7, s6  }
0x17f: {  	v9 =	vmov s25;
	s3 =	ssub.f32 $1.500000000e+00, s3  }
0x180: {  	vm0 =	veq.s32 v9, v1;
	v7 =	vxor.u32 $0x80000000, v7  }
0x181: {  	v9 =	vnsel vm0, $0x7FFFFFFF, v7;
	s2 =	smul.f32 s2, s3  }
0x182: {  	(xrf0) =	vmax.scan.msk.u32 $0xffff, v9  }
0x183: {  	s3 =	smul.f32 s2, s1;
	_ =	sdelay $0x1  }
0x184: {  	s3 =	smul.f32 s3, s2;
	_ =	sdelay $0x1  }
0x185: {  	s3 =	ssub.f32 $1.500000000e+00, s3  }
0x186: {  	s12 =	simm.s32 $0x4;
	v8 =	vmul.f32 s18, v8;
	v9, _, _ =	vpop (xrf0)  }
0x187: {  	[dreg:$0x8] =	wrdreg s12;
	(v2sf) =	vpush v9, $0xF;
	s2 =	smul.f32 s3, s2  }
0x188: {  	[tilespmem:s15+$0x6480] =	vst.add.f32.msk $0xffff, v8  }
0x189: {  	v5 =	vmul.f32 s30, v5;
	v8 =	vld [tilespmem:s22+$0x410];
	s3 =	smul.f32 s2, s1  }
0x18a: {  	v4 =	vmul.f32 s14, v4  }
0x18b: {  	[tilespmem:s20+$0x6480] =	vst.add.f32.msk $0xffff, v5;
	s3 =	smul.f32 s3, s2  }
0x18c: {  	[tilespmem:s19+$0x6480] =	vst.add.f32.msk $0xffff, v4  }
0x18d: {  	v5 =	vmul.f32 s23, v6;
	v6 =	vld [tilespmem:s26+$0x410];
	s3 =	ssub.f32 $1.500000000e+00, s3  }
0x18e: {  	v4 =	vld [tilespmem:s16+$0x410];
	v8 =	vmul.f32 s18, v8  }
0x18f: {  	s2 =	smul.f32 s3, s2  }
0x190: {  	[tilespmem:s15+$0x6490] =	vst.add.f32.msk $0xffff, v8  }
0x191: {  	v8 =	vld [tilespmem:s22+$0x420];
	s1 =	smul.f32 s2, s1  }
0x192: {  	v6 =	vmul.f32 s30, v6  }
0x193: {  	v4 =	vmul.f32 s14, v4;
	s1 =	smul.f32 s1, s2  }
0x194: {  	[tilespmem:s20+$0x6490] =	vst.add.f32.msk $0xffff, v6  }
0x195: {  	[tilespmem:s19+$0x6490] =	vst.add.f32.msk $0xffff, v4;
	s1 =	ssub.f32 $1.500000000e+00, s1  }
0x196: {  	v6 =	vld [tilespmem:s26+$0x420];
	v8 =	vmul.f32 s18, v8;
	s0 =	spop (v2sf)  }
0x197: {  	p1 =	sge.f32 s7, $1.000000020e-24;
	v4 =	vld [tilespmem:s16+$0x420];
	s12 =	smul.f32 s1, s2;
	s2 =	sshrl.u32 s0, $0x3  }
0x198: {  	[tilespmem:s15+$0x64A0] =	vst.add.f32.msk $0xffff, v8;
	s1 =	smul.u32 $0x5000, s2  }
0x199: {  	v8 =	vld [tilespmem:s22+$0x430];
	s4 =	sshll.u32 s0, $0x7;
	s12 =	simm.s32 @!p1 $0x5368D4A5  }
0x19a: {  	s2 =	sand.u32 $0x380, s4;
	v9 =	vmul.f32 s12, v20;
	s1 =	sshra.s32 s1, $0x2  }
0x19b: {  	[tilespmem:s13+$0x68E0] =	vst.add.f32.msk $0xffff, v5;
	s25 =	sor.u32 s2, s1  }
0x19c: {  	v6 =	vmul.f32 s30, v6;
	[tilespmem:s25+$0x6080] =	vst.add.f32.msk $0xffff, v9  }
0x19d: {  	v4 =	vmul.f32 s14, v4;
	v9 =	vld [tilespmem:s11+$0x10]  }
0x19e: {  	s7 =	simm.s32 $0x200;
	[tilespmem:s20+$0x64A0] =	vst.add.f32.msk $0xffff, v6;
	v8 =	vmul.f32 s18, v8  }
0x19f: {  	[tilespmem:s19+$0x64A0] =	vst.add.f32.msk $0xffff, v4;
	s1 =	sand.u32 $0x200, s7  }
0x1a0: {  	[tilespmem:s15+$0x64B0] =	vst.add.f32.msk $0xffff, v8;
	s7 =	sadd.s32 s1, s5  }
0x1a1: {  	v10 =	vld [tilespmem:s7+$0x20]  }
0x1a2: {  	v11 =	vld [tilespmem:s7+$0x30];
	v9 =	vmul.f32 s12, v9  }
0x1a3: {  	v12 =	vld [tilespmem:s7+$0x40]  }
0x1a4: {  	[tilespmem:s25+$0x6090] =	vst.add.f32.msk $0xffff, v9  }
0x1a5: {  	v9 =	vld [tilespmem:s11+$0x20]  }
0x1a6: {  	v13 =	vld [tilespmem:s7+$0x50]  }
0x1a7: {  	v14 =	vld [tilespmem:s7+$0x60]  }
0x1a8: {  	v15 =	vld [tilespmem:s7+$0x70]  }
0x1a9: {  	v31 =	vld [tilespmem:s7+$0x400]  }
0x1aa: {  	v32 =	vld [tilespmem:s7+$0x410];
	v9 =	vmul.f32 s12, v9  }
0x1ab: {  	v33 =	vld [tilespmem:s7+$0x420]  }
0x1ac: {  	[tilespmem:s25+$0x60A0] =	vst.add.f32.msk $0xffff, v9  }
0x1ad: {  	v9 =	vld [tilespmem:s11+$0x30]  }
0x1ae: {  	v34 =	vld [tilespmem:s7+$0x430]  }
0x1af: {  	v43 =	vld [tilespmem:s7+$0x440]  }
0x1b0: {  	s9 =	simm.s32 $0x280;
	v44 =	vld [tilespmem:s7+$0x450]  }
0x1b1: {  	s1 =	sand.u32 $0x280, s9;
	v45 =	vld [tilespmem:s7+$0x460]  }
0x1b2: {  	s28 =	sadd.s32 s1, s5;
	v46 =	vld [tilespmem:s7+$0x470];
	v5 =	vmul.f32 s12, v9  }
0x1b3: {  	v16 =	vld [tilespmem:s28+$0x10]  }
0x1b4: {  	[tilespmem:s25+$0x60B0] =	vst.add.f32.msk $0xffff, v5  }
0x1b5: {  	v5 =	vld [tilespmem:s11+$0x40]  }
0x1b6: {  	v17 =	vld [tilespmem:s28+$0x20]  }
0x1b7: {  	v18 =	vld [tilespmem:s28+$0x30]  }
0x1b8: {  	v19 =	vld [tilespmem:s28+$0x40]  }
0x1b9: {  	v63 =	vld [tilespmem:s28+$0x50]  }
0x1ba: {  	v21 =	vld [tilespmem:s28+$0x60];
	v5 =	vmul.f32 s12, v5  }
0x1bb: {  	v22 =	vld [tilespmem:s28+$0x70]  }
0x1bc: {  	[tilespmem:s25+$0x60C0] =	vst.add.f32.msk $0xffff, v5  }
0x1bd: {  	v5 =	vld [tilespmem:s11+$0x50]  }
0x1be: {  	v35 =	vld [tilespmem:s28+$0x400]  }
0x1bf: {  	v36 =	vld [tilespmem:s28+$0x410]  }
0x1c0: {  	v37 =	vld [tilespmem:s28+$0x420]  }
0x1c1: {  	v38 =	vld [tilespmem:s28+$0x430]  }
0x1c2: {  	v47 =	vld [tilespmem:s28+$0x440];
	v5 =	vmul.f32 s12, v5  }
0x1c3: {  	v9 =	vld [tilespmem:s8+$0x870]  }
0x1c4: {  	[tilespmem:s25+$0x60D0] =	vst.add.f32.msk $0xffff, v5  }
0x1c5: {  	v5 =	vld [tilespmem:s11+$0x60]  }
0x1c6: {  	s10 =	simm.s32 $0x300;
	v51 =	vld [tilespmem:s28+$0x450]  }
0x1c7: {  	s1 =	sand.u32 $0x300, s10;
	v53 =	vld [tilespmem:s28+$0x460]  }
0x1c8: {  	s31 =	sadd.s32 s1, s5;
	v55 =	vld [tilespmem:s28+$0x470];
	v9 =	vmul.f32 s23, v9  }
0x1c9: {  	v24 =	vld [tilespmem:s31+$0x10]  }
0x1ca: {  	[tilespmem:s13+$0x68F0] =	vst.add.f32.msk $0xffff, v9;
	v4 =	vmul.f32 s12, v5  }
0x1cb: {  	v9 =	vld [tilespmem:s8+$0xC00]  }
0x1cc: {  	[tilespmem:s25+$0x60E0] =	vst.add.f32.msk $0xffff, v4  }
0x1cd: {  	v4 =	vld [tilespmem:s11+$0x70]  }
0x1ce: {  	v58 =	vld [tilespmem:s31+$0x20]  }
0x1cf: {  	v26 =	vld [tilespmem:s31+$0x30]  }
0x1d0: {  	v27 =	vld [tilespmem:s31+$0x40];
	v6 =	vmul.f32 s23, v9  }
0x1d1: {  	v9 =	vld [tilespmem:s26+$0x430]  }
0x1d2: {  	[tilespmem:s13+$0x6C80] =	vst.add.f32.msk $0xffff, v6;
	v4 =	vmul.f32 s12, v4  }
0x1d3: {  	v6 =	vld [tilespmem:s8+$0xC10]  }
0x1d4: {  	[tilespmem:s25+$0x60F0] =	vst.add.f32.msk $0xffff, v4  }
0x1d5: {  	v4 =	vld [tilespmem:s11+$0x400]  }
0x1d6: {  	v28 =	vld [tilespmem:s31+$0x50];
	v8 =	vmul.f32 s30, v9  }
0x1d7: {  	v9 =	vld [tilespmem:s22+$0x440]  }
0x1d8: {  	[tilespmem:s20+$0x64B0] =	vst.add.f32.msk $0xffff, v8;
	v6 =	vmul.f32 s23, v6  }
0x1d9: {  	v5 =	vld [tilespmem:s16+$0x430]  }
0x1da: {  	[tilespmem:s13+$0x6C90] =	vst.add.f32.msk $0xffff, v6;
	v4 =	vmul.f32 s12, v4  }
0x1db: {  	v6 =	vld [tilespmem:s8+$0xC20]  }
0x1dc: {  	v9 =	vmul.f32 s18, v9;
	[tilespmem:s25+$0x6480] =	vst.add.f32.msk $0xffff, v4  }
0x1dd: {  	v4 =	vld [tilespmem:s11+$0x410]  }
0x1de: {  	[tilespmem:s15+$0x64C0] =	vst.add.f32.msk $0xffff, v9;
	v5 =	vmul.f32 s14, v5  }
0x1df: {  	v9 =	vld [tilespmem:s22+$0x450]  }
0x1e0: {  	v6 =	vmul.f32 s23, v6;
	[tilespmem:s19+$0x64B0] =	vst.add.f32.msk $0xffff, v5  }
0x1e1: {  	v5 =	vld [tilespmem:s16+$0x440]  }
0x1e2: {  	[tilespmem:s13+$0x6CA0] =	vst.add.f32.msk $0xffff, v6;
	v4 =	vmul.f32 s12, v4  }
0x1e3: {  	v6 =	vld [tilespmem:s8+$0xC30]  }
0x1e4: {  	v9 =	vmul.f32 s18, v9;
	[tilespmem:s25+$0x6490] =	vst.add.f32.msk $0xffff, v4  }
0x1e5: {  	v4 =	vld [tilespmem:s11+$0x420]  }
0x1e6: {  	[tilespmem:s15+$0x64D0] =	vst.add.f32.msk $0xffff, v9;
	v5 =	vmul.f32 s14, v5  }
0x1e7: {  	v9 =	vld [tilespmem:s22+$0x460]  }
0x1e8: {  	v6 =	vmul.f32 s23, v6;
	[tilespmem:s19+$0x64C0] =	vst.add.f32.msk $0xffff, v5  }
0x1e9: {  	v5 =	vld [tilespmem:s16+$0x450]  }
0x1ea: {  	[tilespmem:s13+$0x6CB0] =	vst.add.f32.msk $0xffff, v6;
	v4 =	vmul.f32 s12, v4  }
0x1eb: {  	v6 =	vld [tilespmem:s8+$0xC40]  }
0x1ec: {  	[tilespmem:s25+$0x64A0] =	vst.add.f32.msk $0xffff, v4  }
0x1ed: {  	v9 =	vmul.f32 s18, v9;
	v4 =	vld [tilespmem:s11+$0x430]  }
0x1ee: {  	v8 =	vld [tilespmem:s26+$0x440];
	v5 =	vmul.f32 s14, v5  }
0x1ef: {  	[tilespmem:s15+$0x64E0] =	vst.add.f32.msk $0xffff, v9  }
0x1f0: {  	[tilespmem:s19+$0x64D0] =	vst.add.f32.msk $0xffff, v5  }
0x1f1: {  	v6 =	vmul.f32 s23, v6;
	v5 =	vld [tilespmem:s16+$0x460]  }
0x1f2: {  	v9 =	vld [tilespmem:s22+$0x470];
	v4 =	vmul.f32 s12, v4  }
0x1f3: {  	[tilespmem:s13+$0x6CC0] =	vst.add.f32.msk $0xffff, v6  }
0x1f4: {  	[tilespmem:s25+$0x64B0] =	vst.add.f32.msk $0xffff, v4  }
0x1f5: {  	v6 =	vld [tilespmem:s11+$0x440]  }
0x1f6: {  	v29 =	vld [tilespmem:s31+$0x60];
	v5 =	vmul.f32 s14, v5  }
0x1f7: {  	v30 =	vld [tilespmem:s31+$0x70];
	v8 =	vmul.f32 s30, v8  }
0x1f8: {  	[tilespmem:s19+$0x64E0] =	vst.add.f32.msk $0xffff, v5;
	v5 =	vmul.f32 s18, v9  }
0x1f9: {  	[tilespmem:s20+$0x64C0] =	vst.add.f32.msk $0xffff, v8  }
0x1fa: {  	[tilespmem:s15+$0x64F0] =	vst.add.f32.msk $0xffff, v5;
	v5 =	vmul.f32 s12, v6  }
0x1fb: {  	v8 =	vld [tilespmem:s26+$0x450]  }
0x1fc: {  	[tilespmem:s25+$0x64C0] =	vst.add.f32.msk $0xffff, v5  }
0x1fd: {  	v6 =	vld [tilespmem:s11+$0x450]  }
0x1fe: {  	v39 =	vld [tilespmem:s31+$0x400]  }
0x1ff: {  	v40 =	vld [tilespmem:s31+$0x410]  }
0x200: {  	v41 =	vld [tilespmem:s31+$0x420];
	v8 =	vmul.f32 s30, v8  }
0x201: {  	v42 =	vld [tilespmem:s31+$0x430]  }
0x202: {  	[tilespmem:s20+$0x64D0] =	vst.add.f32.msk $0xffff, v8;
	v6 =	vmul.f32 s12, v6  }
0x203: {  	v8 =	vld [tilespmem:s26+$0x460]  }
0x204: {  	[tilespmem:s25+$0x64D0] =	vst.add.f32.msk $0xffff, v6  }
0x205: {  	v6 =	vld [tilespmem:s11+$0x460]  }
0x206: {  	v48 =	vld [tilespmem:s31+$0x440]  }
0x207: {  	v20 =	vld [tilespmem:s31+$0x460];
	v11 =	vmul.f32 v11, v11;
	v15 =	vmul.f32 v15, v15  }
0x208: {  	v54 =	vmul.f32 v31, v31;
	v31 =	vld [tilespmem:s28+$0x830];
	v8 =	vmul.f32 s30, v8  }
0x209: {  	v11 =	vadd.f32 v15, v11;
	v15 =	vmul.f32 v21, v21;
	v21 =	vld [tilespmem:s28+$0x840]  }
0x20a: {  	[tilespmem:s20+$0x64E0] =	vst.add.f32.msk $0xffff, v8;
	v57 =	vmul.f32 s12, v6  }
0x20b: {  	v8 =	vld [tilespmem:s26+$0x470]  }
0x20c: {  	v16 =	vmul.f32 v16, v16;
	v63 =	vmul.f32 v63, v63;
	[tilespmem:s25+$0x64E0] =	vst.add.f32.msk $0xffff, v57  }
0x20d: {  	v23 =	vld [tilespmem:s11+$0x470]  }
0x20e: {  	v16 =	vadd.f32 v63, v16;
	v63 =	vmul.f32 v30, v30;
	v30 =	vld [tilespmem:s7+$0x820]  }
0x20f: {  	s0 =	sadd.s32 $0x5, s6;
	v18 =	vmul.f32 v18, v18;
	v56 =	vmul.f32 v22, v22;
	v9 =	vld [tilespmem:s7+$0x10]  }
0x210: {  	v52 =	vmov s0;
	v4 =	vld [tilespmem:s7+$0x0]  }
0x211: {  	v18 =	vadd.f32 v56, v18;
	v56 =	vmul.f32 v32, v32;
	v32 =	vld [tilespmem:s28+$0x810];
	v8 =	vmul.f32 s30, v8  }
0x212: {  	vm0 =	veq.s32 v52, v1;
	v52 =	vmul.f32 v31, v31;
	v31 =	vld [tilespmem:s7+$0xC10];
	v23 =	vmul.f32 s12, v23  }
0x213: {  	[tilespmem:s20+$0x64F0] =	vst.add.f32.msk $0xffff, v8  }
0x214: {  	v13 =	vmul.f32 v13, v13;
	v60 =	vmul.f32 v9, v9;
	[tilespmem:s25+$0x64F0] =	vst.add.f32.msk $0xffff, v23  }
0x215: {  	v12 =	vmul.f32 v12, v12;
	v59 =	vmul.f32 v4, v4;
	v23 =	vld [tilespmem:s11+$0x800]  }
0x216: {  	v13 =	vadd.f32 v13, v60;
	v60 =	vmul.f32 v27, v27;
	v27 =	vld [tilespmem:s7+$0x830]  }
0x217: {  	v12 =	vadd.f32 v12, v59;
	v59 =	vmul.f32 v26, v26;
	v26 =	vld [tilespmem:s7+$0x800]  }
0x218: {  	v5 =	vld [tilespmem:s28+$0x0]  }
0x219: {  	v10 =	vmul.f32 v10, v10;
	v25 =	vadd.f32 v63, v59;
	v59 =	vmul.f32 v35, v35;
	v35 =	vld [tilespmem:s31+$0x830]  }
0x21a: {  	v63 =	vmul.f32 v39, v39;
	v39 =	vld [tilespmem:s7+$0x870];
	v23 =	vmul.f32 s12, v23  }
0x21b: {  	v14 =	vmul.f32 v14, v14;
	v12 =	vadd.f32 v54, v12;
	v54 =	vmul.f32 v44, v44;
	v44 =	vld [tilespmem:s28+$0x860]  }
0x21c: {  	v42 =	vmul.f32 v42, v42;
	[tilespmem:s25+$0x6880] =	vst.add.f32.msk $0xffff, v23  }
0x21d: {  	v43 =	vmul.f32 v43, v43;
	v10 =	vadd.f32 v14, v10;
	v14 =	vmul.f32 v19, v19;
	v23 =	vld [tilespmem:s11+$0x810]  }
0x21e: {  	v58 =	vmul.f32 v58, v58;
	v25 =	vadd.f32 v42, v25;
	v42 =	vld [tilespmem:s7+$0x860];
	v62 =	vmul.f32 v5, v5  }
0x21f: {  	v13 =	vadd.f32 v56, v13;
	v56 =	vmul.f32 v45, v45;
	v12 =	vadd.f32 v43, v12;
	v43 =	vld [tilespmem:s28+$0x850]  }
0x220: {  	v45 =	vmul.f32 v26, v26;
	v26 =	vld [tilespmem:s31+$0x870];
	v14 =	vadd.f32 v14, v62;
	v62 =	vmul.f32 v29, v29  }
0x221: {  	v17 =	vmul.f32 v17, v17;
	v29 =	vld [tilespmem:s28+$0x800]  }
0x222: {  	s24 =	sand.u32 $0xC, s29;
	v19 =	vadd.f32 v62, v58;
	v58 =	vmul.f32 v34, v34;
	v34 =	vld [tilespmem:s28+$0x820];
	v23 =	vmul.f32 s12, v23  }
0x223: {  	v50 =	vmov s24;
	v24 =	vmul.f32 v24, v24;
	v40 =	vmul.f32 v40, v40;
	v6 =	vld [tilespmem:s31+$0x0]  }
0x224: {  	vm1 =	veq.s32 v50, v1;
	v41 =	vmul.f32 v41, v41;
	v20 =	vmul.f32 v20, v20;
	[tilespmem:s25+$0x6890] =	vst.add.f32.msk $0xffff, v23  }
0x225: {  	s2 =	sadd.s32 $0x6, s6;
	v15 =	vadd.f32 v15, v17;
	v21 =	vmul.f32 v21, v21;
	v50 =	vmul.f32 v32, v32;
	v23 =	vld [tilespmem:s11+$0x820]  }
0x226: {  	v9 =	vmov s2;
	v14 =	vadd.f32 v59, v14;
	v62 =	vmul.f32 v38, v38;
	v38 =	vld [tilespmem:s31+$0x820]  }
0x227: {  	v11 =	vadd.f32 v58, v11;
	v19 =	vadd.f32 v41, v19;
	v58 =	vmul.f32 v47, v47;
	v41 =	vld [tilespmem:s28+$0x870]  }
0x228: {  	v18 =	vadd.f32 v62, v18;
	v62 =	vmul.f32 v48, v48;
	v48 =	vmul.f32 v27, v27;
	v27 =	vld [tilespmem:s7+$0xC00]  }
0x229: {  	vm2 =	veq.s32 v9, v1;
	v14 =	vadd.f32 v58, v14;
	v58 =	vld [tilespmem:s7+$0xC30];
	v57 =	vmul.f32 v6, v6  }
0x22a: {  	v13 =	vadd.f32 v54, v13;
	v19 =	vadd.f32 v20, v19;
	v20 =	vld [tilespmem:s31+$0x840];
	v23 =	vmul.f32 s12, v23  }
0x22b: {  	v17 =	vadd.f32 v60, v57;
	v57 =	vmul.f32 v33, v33;
	v60 =	vmul.f32 v36, v36;
	v36 =	vld [tilespmem:s31+$0x810]  }
0x22c: {  	v12 =	vadd.f32 v45, v12;
	v45 =	vmul.f32 v43, v43;
	v59 =	vmul.f32 v51, v51;
	[tilespmem:s25+$0x68A0] =	vst.add.f32.msk $0xffff, v23  }
0x22d: {  	v47 =	vmul.f32 v30, v30;
	v51 =	vmul.f32 v34, v34;
	v10 =	vadd.f32 v57, v10;
	v61 =	vld [tilespmem:s11+$0x830]  }
0x22e: {  	v27 =	vmul.f32 v27, v27;
	v58 =	vmul.f32 v58, v58;
	v33 =	vld [tilespmem:s31+$0x800];
	v17 =	vadd.f32 v63, v17  }
0x22f: {  	v16 =	vadd.f32 v60, v16;
	v57 =	vmul.f32 v46, v46;
	v10 =	vadd.f32 v56, v10;
	v56 =	vld [tilespmem:s7+$0xC20]  }
0x230: {  	v60 =	vmul.f32 v53, v53;
	v17 =	vadd.f32 v62, v17;
	v62 =	vmul.f32 v42, v42;
	v42 =	vld [tilespmem:s28+$0xC20]  }
0x231: {  	v11 =	vadd.f32 v57, v11;
	v16 =	vadd.f32 v59, v16;
	v54 =	vmul.f32 v36, v36;
	v36 =	vld [tilespmem:s28+$0xC60]  }
0x232: {  	v57 =	vmul.f32 v35, v35;
	v10 =	vadd.f32 v47, v10;
	v23 =	vld [tilespmem:s31+$0x450];
	v49 =	vmul.f32 s12, v61  }
0x233: {  	v53 =	vmul.f32 v33, v33;
	v11 =	vadd.f32 v48, v11;
	v61 =	vmul.f32 v28, v28;
	v28 =	vld [tilespmem:s7+$0x810]  }
0x234: {  	v16 =	vadd.f32 v50, v16;
	v47 =	vmul.f32 v44, v44;
	v10 =	vadd.f32 v62, v10;
	[tilespmem:s25+$0x68B0] =	vst.add.f32.msk $0xffff, v49  }
0x235: {  	v56 =	vmul.f32 v56, v56;
	v49 =	vld [tilespmem:s31+$0x470];
	v22 =	vadd.f32 v61, v24;
	v61 =	vmul.f32 v37, v37  }
0x236: {  	v48 =	vmul.f32 v41, v41;
	v50 =	vld [tilespmem:s7+$0xC50];
	v17 =	vadd.f32 v53, v17;
	v16 =	vadd.f32 v45, v16  }
0x237: {  	v10 =	vadd.f32 v56, v10;
	v37 =	vld [tilespmem:s7+$0x840];
	v15 =	vadd.f32 v61, v15;
	v61 =	vmul.f32 v55, v55  }
0x238: {  	v45 =	vld [tilespmem:s31+$0xC20];
	v23 =	vmul.f32 v23, v23;
	v22 =	vadd.f32 v40, v22;
	v55 =	vmul.f32 v38, v38  }
0x239: {  	v40 =	vld [tilespmem:s7+$0x850];
	v46 =	vmul.f32 v28, v28;
	v15 =	vadd.f32 v60, v15;
	v18 =	vadd.f32 v61, v18  }
0x23a: {  	v28 =	vld [tilespmem:s31+$0x850];
	v22 =	vadd.f32 v23, v22;
	v19 =	vadd.f32 v55, v19;
	v63 =	vmul.f32 v49, v49  }
0x23b: {  	v60 =	vld [tilespmem:s28+$0xC00];
	v49 =	vmul.f32 v29, v29;
	v13 =	vadd.f32 v46, v13;
	v15 =	vadd.f32 v51, v15  }
0x23c: {  	v29 =	vld [tilespmem:s31+$0x860];
	v59 =	vmul.f32 v37, v37;
	v18 =	vadd.f32 v52, v18;
	v22 =	vadd.f32 v54, v22  }
0x23d: {  	v55 =	vmul.f32 v31, v31;
	v46 =	vld [tilespmem:s28+$0xC30];
	v24 =	vadd.f32 v63, v25;
	v14 =	vadd.f32 v49, v14  }
0x23e: {  	v52 =	vld [tilespmem:s7+$0xC60];
	v61 =	vmul.f32 v40, v40;
	v12 =	vadd.f32 v59, v12;
	v40 =	vmul.f32 v39, v39  }
0x23f: {  	v54 =	vld [tilespmem:s11+$0x840];
	v9 =	vadd.f32 v47, v15;
	v15 =	vmul.f32 v20, v20;
	v18 =	vadd.f32 v48, v18  }
0x240: {  	v63 =	vld [tilespmem:s28+$0xC10];
	v51 =	vmul.f32 v28, v28;
	v24 =	vadd.f32 v57, v24;
	v13 =	vadd.f32 v61, v13  }
0x241: {  	v49 =	vld [tilespmem:s7+$0xC40];
	v20 =	vmul.f32 v50, v50;
	v11 =	vadd.f32 v40, v11;
	v14 =	vadd.f32 v21, v14  }
0x242: {  	v59 =	vld [tilespmem:s28+$0xC40];
	v12 =	vadd.f32 v27, v12;
	v60 =	vmul.f32 v60, v60;
	v15 =	vadd.f32 v15, v17  }
0x243: {  	v39 =	vld [tilespmem:s28+$0xC70];
	v53 =	vmul.f32 v29, v29;
	v22 =	vadd.f32 v51, v22;
	v38 =	vmul.f32 v46, v46  }
0x244: {  	v57 =	vld [tilespmem:s7+$0xC70];
	v13 =	vadd.f32 v55, v13;
	v11 =	vadd.f32 v58, v11;
	v29 =	vmul.f32 s12, v54  }
0x245: {  	v61 =	vld [tilespmem:s28+$0xC50];
	v14 =	vadd.f32 v60, v14;
	v62 =	vmul.f32 v63, v63;
	v63 =	vmul.f32 v42, v42  }
0x246: {  	v23 =	vld [tilespmem:s31+$0xC00];
	v17 =	vadd.f32 v53, v19;
	v41 =	vmul.f32 v49, v49;
	v42 =	vmul.f32 v52, v52  }
0x247: {  	v18 =	vadd.f32 v38, v18;
	v46 =	vmul.f32 v59, v59;
	v49 =	vmul.f32 v36, v36;
	[tilespmem:s25+$0x68C0] =	vst.add.f32.msk $0xffff, v29  }
0x248: {  	v50 =	vmul.f32 v39, v39;
	v13 =	vadd.f32 v20, v13;
	v16 =	vadd.f32 v62, v16;
	v44 =	vld [tilespmem:s11+$0x850]  }
0x249: {  	v48 =	vld [tilespmem:s31+$0xC30];
	v9 =	vadd.f32 v63, v9;
	v12 =	vadd.f32 v41, v12;
	v43 =	vmul.f32 v57, v57  }
0x24a: {  	v40 =	vld [tilespmem:s31+$0xC10];
	v10 =	vadd.f32 v42, v10;
	v47 =	vmul.f32 v61, v61;
	v14 =	vadd.f32 v46, v14  }
0x24b: {  	v21 =	vnsel vm1, $0x7FFFFFFF, v7;
	v55 =	vld [tilespmem:s31+$0xC70];
	v18 =	vadd.f32 v50, v18;
	v11 =	vadd.f32 v43, v11  }
0x24c: {  	v56 =	vmul.f32 v23, v23;
	v52 =	vld [tilespmem:s31+$0xC40];
	v16 =	vadd.f32 v47, v16;
	v9 =	vadd.f32 v49, v9  }
0x24d: {  	v12 =	vadd.f32 v13, v12;
	v10 =	vadd.f32 v11, v10;
	v11 =	vld [tilespmem:s31+$0xC60];
	v13 =	vmul.f32 s12, v44  }
0x24e: {  	v54 =	vmul.f32 v26, v26;
	v53 =	vld [tilespmem:s31+$0xC50];
	v14 =	vadd.f32 v16, v14;
	v9 =	vadd.f32 v18, v9  }
0x24f: {  	v51 =	vnsel vm0, $0x7FFFFFFF, v7;
	v59 =	vmul.f32 v48, v48;
	v10 =	vadd.f32 v10, v12;
	[tilespmem:s25+$0x68D0] =	vst.add.f32.msk $0xffff, v13  }
0x250: {  	v12 =	vadd.f32 v54, v24;
	v9 =	vadd.f32 v9, v14;
	v13 =	vmul.f32 v45, v45;
	v14 =	vld [tilespmem:s11+$0x860]  }
0x251: {  	v7 =	vnsel vm2, $0x7FFFFFFF, v7;
	v57 =	vmul.f32 v40, v40;
	v62 =	vmul.f32 v55, v55;
	(xrf2) =	vadd.scan.msk.f32 $0xffff, v10;
	v10 =	vld [tilespmem:s8+$0xC50]  }
0x252: {  	(xrf0) =	vmax.scan.msk.u32 $0xffff, v21;
	v12 =	vadd.f32 v59, v12;
	v13 =	vadd.f32 v13, v17;
	v11 =	vmul.f32 v11, v11  }
0x253: {  	v15 =	vadd.f32 v56, v15;
	v58 =	vadd.f32 v57, v22;
	v60 =	vmul.f32 v52, v52;
	(xrf2) =	vadd.scan.msk.f32 $0xffff, v9;
	v9 =	vld [tilespmem:s16+$0x470]  }
0x254: {  	(xrf0) =	vmax.scan.msk.u32 $0xffff, v51;
	v61 =	vmul.f32 v53, v53;
	v8 =	vadd.f32 v11, v13;
	v11 =	vadd.f32 v62, v12  }
0x255: {  	(xrf0) =	vmax.scan.msk.u32 $0xffff, v7;
	v7 =	vadd.f32 v60, v15  }
0x256: {  	v63 =	vld [tilespmem:s22+$0x800];
	v15 =	vadd.f32 v61, v58;
	v12 =	vmul.f32 s12, v14;
	v10 =	vmul.f32 s23, v10  }
0x257: {  	v13 =	vld [tilespmem:s26+$0x800]  }
0x258: {  	v7 =	vadd.f32 v15, v7;
	v8 =	vadd.f32 v11, v8;
	v9 =	vmul.f32 s14, v9;
	[tilespmem:s25+$0x68E0] =	vst.add.f32.msk $0xffff, v12;
	v11, _, _ =	vpop (xrf0)  }
0x259: {  	v12 =	vld [tilespmem:s11+$0x870];
	(v2sf) =	vpush v11, $0xF  }
0x25a: {  	[tilespmem:s13+$0x6CD0] =	vst.add.f32.msk $0xffff, v10;
	v7 =	vadd.f32 v8, v7;
	v10, _, _ =	vpop (xrf0)  }
0x25b: {  	v11 =	vmul.f32 s18, v63;
	[tilespmem:s19+$0x64F0] =	vst.add.f32.msk $0xffff, v9;
	(v2sf) =	vpush v10, $0xF;
	v10, _, _ =	vpop (xrf0)  }
0x25c: {  	v9, _, _ =	vpop (xrf2);
	(xrf2) =	vadd.scan.msk.f32 $0xffff, v7;
	v7 =	vld [tilespmem:s16+$0x800];
	(v2sf) =	vpush v10, $0xF  }
0x25d: {  	[tilespmem:s15+$0x6880] =	vst.add.f32.msk $0xffff, v11;
	(v2sf) =	vpush v9, $0xF;
	v9, _, _ =	vpop (xrf2)  }
0x25e: {  	v10 =	vld [tilespmem:s22+$0x810];
	(v2sf) =	vpush v9, $0xF;
	v9 =	vmul.f32 s12, v12  }
0x25f: {  	v8 =	vld [tilespmem:s8+$0xC60]  }
0x260: {  	v11 =	vmul.f32 s30, v13;
	[tilespmem:s25+$0x68F0] =	vst.add.f32.msk $0xffff, v9  }
0x261: {  	v9 =	vld [tilespmem:s11+$0xC00]  }
0x262: {  	[tilespmem:s20+$0x6880] =	vst.add.f32.msk $0xffff, v11;
	v7 =	vmul.f32 s14, v7  }
0x263: {  	v11 =	vld [tilespmem:s26+$0x810];
	v10 =	vmul.f32 s18, v10  }
0x264: {  	[tilespmem:s19+$0x6880] =	vst.add.f32.msk $0xffff, v7  }
0x265: {  	v7 =	vld [tilespmem:s16+$0x810]  }
0x266: {  	[tilespmem:s15+$0x6890] =	vst.add.f32.msk $0xffff, v10;
	v9 =	vmul.f32 s12, v9  }
0x267: {  	v12 =	vld [tilespmem:s22+$0x820];
	v10, _, _ =	vpop (xrf2)  }
0x268: {  	(v2sf) =	vpush v10, $0xF;
	v10 =	vmul.f32 s30, v11;
	[tilespmem:s25+$0x6C80] =	vst.add.f32.msk $0xffff, v9;
	s3 =	spop (v2sf)  }
0x269: {  	v9 =	vld [tilespmem:s11+$0xC10];
	[dreg:$0x1c] =	wrdreg s3  }
0x26a: {  	[tilespmem:s20+$0x6890] =	vst.add.f32.msk $0xffff, v10;
	s4 =	spop (v2sf)  }
0x26b: {  	v7 =	vmul.f32 s14, v7;
	[dreg:$0x1b] =	wrdreg s4;
	s5 =	spop (v2sf)  }
0x26c: {  	v10 =	vld [tilespmem:s26+$0x820];
	[dreg:$0x1a] =	wrdreg s5  }
0x26d: {  	s6 =	spop (v2sf);
	[tilespmem:s19+$0x6890] =	vst.add.f32.msk $0xffff, v7  }
0x26e: {  	v11 =	vmul.f32 s18, v12;
	s10 =	spop (v2sf);
	[dreg:$0x1e] =	wrdreg s6  }
0x26f: {  	v9 =	vmul.f32 s12, v9;
	v7 =	vld [tilespmem:s16+$0x820];
	[dreg:$0x1d] =	wrdreg s10  }
0x270: {  	s9 =	smax.f32 s6, $1.000000020e-24;
	[tilespmem:s15+$0x68A0] =	vst.add.f32.msk $0xffff, v11  }
0x271: {  	s24 =	sshra.s32 s9, $0x1;
	s9 =	smul.f32 $5.000000000e-01, s9;
	s3 =	smax.f32 s10, $1.000000020e-24;
	[tilespmem:s25+$0x6C90] =	vst.add.f32.msk $0xffff, v9  }
0x272: {  	s2 =	ssub.s32 $0x5F3759DF, s24;
	s4 =	sshra.s32 s3, $0x1;
	s6 =	smul.f32 $5.000000000e-01, s3;
	v11 =	vld [tilespmem:s22+$0x830]  }
0x273: {  	s5 =	ssub.s32 $0x5F3759DF, s4;
	s24 =	smul.f32 s2, s9;
	v10 =	vmul.f32 s30, v10;
	v9 =	vld [tilespmem:s11+$0xC20]  }
0x274: {  	s1 =	smul.f32 s5, s6  }
0x275: {  	s10 =	smul.f32 s2, s24;
	[tilespmem:s20+$0x68A0] =	vst.add.f32.msk $0xffff, v10;
	v7 =	vmul.f32 s14, v7  }
0x276: {  	s1 =	smul.f32 s5, s1;
	v10 =	vld [tilespmem:s26+$0x830]  }
0x277: {  	s10 =	ssub.f32 $1.500000000e+00, s10;
	v11 =	vmul.f32 s18, v11;
	[tilespmem:s19+$0x68A0] =	vst.add.f32.msk $0xffff, v7  }
0x278: {  	s1 =	ssub.f32 $1.500000000e+00, s1;
	v9 =	vmul.f32 s12, v9;
	v7 =	vld [tilespmem:s16+$0x830]  }
0x279: {  	s2 =	smul.f32 s2, s10;
	s10 =	spop (v2sf);
	[tilespmem:s15+$0x68B0] =	vst.add.f32.msk $0xffff, v11  }
0x27a: {  	s3 =	smul.f32 s5, s1;
	s1 =	smax.f32 s10, $1.000000020e-24;
	[tilespmem:s25+$0x6CA0] =	vst.add.f32.msk $0xffff, v9  }
0x27b: {  	v8 =	vmul.f32 s23, v8;
	s24 =	smul.f32 $5.000000000e-01, s1;
	v11 =	vld [tilespmem:s22+$0x840]  }
0x27c: {  	s4 =	sshra.s32 s1, $0x1;
	s5 =	smul.f32 s2, s9;
	v9 =	vmul.f32 s30, v10;
	v10 =	vld [tilespmem:s11+$0xC30]  }
0x27d: {  	[tilespmem:s13+$0x6CE0] =	vst.add.f32.msk $0xffff, v8;
	s1 =	ssub.s32 $0x5F3759DF, s4;
	s0 =	smul.f32 s3, s6  }
0x27e: {  	s4 =	smul.f32 s1, s24;
	[tilespmem:s20+$0x68B0] =	vst.add.f32.msk $0xffff, v9;
	v7 =	vmul.f32 s14, v7  }
0x27f: {  	s5 =	smul.f32 s5, s2;
	v8 =	vld [tilespmem:s26+$0x840]  }
0x280: {  	s0 =	smul.f32 s0, s3;
	v9 =	vmul.f32 s18, v11;
	[tilespmem:s19+$0x68B0] =	vst.add.f32.msk $0xffff, v7  }
0x281: {  	s4 =	smul.f32 s1, s4;
	s5 =	ssub.f32 $1.500000000e+00, s5;
	v10 =	vmul.f32 s12, v10;
	v7 =	vld [tilespmem:s16+$0x840]  }
0x282: {  	s0 =	ssub.f32 $1.500000000e+00, s0;
	[tilespmem:s15+$0x68C0] =	vst.add.f32.msk $0xffff, v9  }
0x283: {  	s4 =	ssub.f32 $1.500000000e+00, s4;
	s2 =	smul.f32 s5, s2;
	[tilespmem:s25+$0x6CB0] =	vst.add.f32.msk $0xffff, v10  }
0x284: {  	s0 =	smul.f32 s0, s3;
	v8 =	vmul.f32 s30, v8;
	v9 =	vld [tilespmem:s11+$0xC40]  }
0x285: {  	s1 =	smul.f32 s1, s4;
	v10 =	vld [tilespmem:s22+$0x850]  }
0x286: {  	s5 =	smul.f32 s2, s9;
	[tilespmem:s20+$0x68C0] =	vst.add.f32.msk $0xffff, v8  }
0x287: {  	s4 =	smul.f32 s1, s24;
	v8 =	vld [tilespmem:s26+$0x850];
	v7 =	vmul.f32 s14, v7  }
0x288: {  	v11 =	vld [tilespmem:s8+$0xC70];
	s8 =	smul.f32 s0, s6  }
0x289: {  	s3 =	smul.f32 s4, s1;
	[tilespmem:s19+$0x68C0] =	vst.add.f32.msk $0xffff, v7;
	v7 =	vmul.f32 s12, v9  }
0x28a: {  	s4 =	smul.f32 s5, s2;
	v9 =	vld [tilespmem:s16+$0x850]  }
0x28b: {  	s5 =	smul.f32 s8, s0;
	v10 =	vmul.f32 s18, v10;
	s3 =	ssub.f32 $1.500000000e+00, s3;
	[tilespmem:s25+$0x6CC0] =	vst.add.f32.msk $0xffff, v7  }
0x28c: {  	s4 =	ssub.f32 $1.500000000e+00, s4;
	v7 =	vmul.f32 s30, v8;
	v8 =	vld [tilespmem:s11+$0xC50]  }
0x28d: {  	s8 =	ssub.f32 $1.500000000e+00, s5;
	s1 =	smul.f32 s3, s1;
	[tilespmem:s15+$0x68D0] =	vst.add.f32.msk $0xffff, v10  }
0x28e: {  	s2 =	smul.f32 s4, s2;
	v10 =	vld [tilespmem:s22+$0x860]  }
0x28f: {  	s0 =	smul.f32 s8, s0;
	[tilespmem:s20+$0x68D0] =	vst.add.f32.msk $0xffff, v7;
	v7 =	vmul.f32 s23, v11  }
0x290: {  	s5 =	smul.f32 s1, s24;
	v9 =	vmul.f32 s14, v9;
	v11 =	vld [tilespmem:s26+$0x860]  }
0x291: {  	s9 =	smul.f32 s2, s9;
	s8 =	rddreg [dreg:$0x16];
	[tilespmem:s13+$0x6CF0] =	vst.add.f32.msk $0xffff, v7;
	v7 =	vmul.f32 s12, v8  }
0x292: {  	s6 =	smul.f32 s0, s6;
	[tilespmem:s19+$0x68D0] =	vst.add.f32.msk $0xffff, v9  }
0x293: {  	s3 =	smul.f32 s5, s1;
	[tilespmem:s25+$0x6CD0] =	vst.add.f32.msk $0xffff, v7  }
0x294: {  	s4 =	smul.f32 s23, s8;
	v7 =	vmul.f32 s18, v10;
	v8 =	vld [tilespmem:s11+$0xC60]  }
0x295: {  	s5 =	smul.f32 s9, s2;
	v9 =	vld [tilespmem:s16+$0x860];
	v10 =	vmul.f32 s30, v11  }
0x296: {  	s4 =	smul.f32 s4, s23;
	[tilespmem:s15+$0x68E0] =	vst.add.f32.msk $0xffff, v7  }
0x297: {  	vm0 =	veq.s32 v1, $0x0;
	s3 =	ssub.f32 $1.500000000e+00, s3;
	[tilespmem:s20+$0x68E0] =	vst.add.f32.msk $0xffff, v10  }
0x298: {  	s6 =	smul.f32 s6, s0;
	s5 =	ssub.f32 $1.500000000e+00, s5;
	v7 =	vsel vm0, s4, v2;
	v10 =	vld [tilespmem:s22+$0x870]  }
0x299: {  	s3 =	smul.f32 s3, s1;
	[tilespmem:s13+$0x7080] =	vst.add.f32.msk $0xffff, v7;
	v8 =	vmul.f32 s12, v8  }
0x29a: {  	s23 =	ssub.f32 $1.500000000e+00, s6;
	s6 =	smul.f32 s5, s2;
	v11 =	vld [tilespmem:s26+$0x870]  }
0x29b: {  	s8 =	smul.f32 s3, s24;
	s2 =	rddreg [dreg:$0x1c];
	[tilespmem:s25+$0x6CE0] =	vst.add.f32.msk $0xffff, v8  }
0x29c: {  	s4 =	smul.f32 s23, s0;
	v9 =	vmul.f32 s14, v9;
	s5 =	sshrl.u32 s2, $0x3;
	s23 =	rddreg [dreg:$0x1e]  }
0x29d: {  	s1 =	sshll.u32 s2, $0x7;
	s2 =	smul.f32 s8, s3;
	v7 =	vld [tilespmem:s11+$0xC70];
	p1 =	sge.f32 s23, $1.000000020e-24  }
0x29e: {  	s0 =	smul.u32 $0x5000, s5;
	s1 =	sand.u32 $0x380, s1;
	v8 =	vmul.f32 s18, v10;
	s9 =	rddreg [dreg:$0x1b];
	[tilespmem:s19+$0x68E0] =	vst.add.f32.msk $0xffff, v9  }
0x29f: {  	v10 =	vmul.f32 s30, v11;
	s11 =	sshrl.u32 s9, $0x3;
	s24 =	rddreg [dreg:$0x1d];
	v9 =	vld [tilespmem:s16+$0x870];
	s6 =	simm.s32 @!p1 $0x5368D4A5  }
0x2a0: {  	s0 =	sshra.s32 s0, $0x2;
	[tilespmem:s15+$0x68F0] =	vst.add.f32.msk $0xffff, v8;
	s5 =	smul.u32 $0x5000, s11;
	p2 =	sge.f32 s24, $1.000000020e-24;
	v4 =	vmul.f32 s6, v4  }
0x2a1: {  	s2 =	ssub.f32 $1.500000000e+00, s2;
	s1 =	sor.u32 s1, s0;
	s13 =	sshll.u32 s9, $0x7;
	[tilespmem:s20+$0x68F0] =	vst.add.f32.msk $0xffff, v10  }
0x2a2: {  	s0 =	sand.u32 $0x380, s13;
	s5 =	sshra.s32 s5, $0x2;
	s4 =	simm.s32 @!p2 $0x5368D4A5;
	[tilespmem:s1+$0x6080] =	vst.add.f32.msk $0xffff, v4  }
0x2a3: {  	s0 =	sor.u32 s0, s5;
	v4 =	vmul.f32 s4, v5;
	s5 =	rddreg [dreg:$0x1a]  }
0x2a4: {  	s11 =	smul.f32 s2, s3;
	p1 =	sge.f32 s10, $1.000000020e-24;
	v5 =	vld [tilespmem:s7+$0x10];
	s8 =	sshrl.u32 s5, $0x3  }
0x2a5: {  	[tilespmem:s0+$0x6080] =	vst.add.f32.msk $0xffff, v4;
	s2 =	smul.u32 $0x5000, s8  }
0x2a6: {  	s11 =	simm.s32 @!p1 $0x5368D4A5;
	v8 =	vmul.f32 s14, v9;
	s3 =	sshll.u32 s5, $0x7;
	v4 =	vld [tilespmem:s28+$0x10]  }
0x2a7: {  	v6 =	vmul.f32 s11, v6;
	v9 =	vld [tilespmem:s26+$0xC00];
	s3 =	sand.u32 $0x380, s3;
	s2 =	sshra.s32 s2, $0x2  }
0x2a8: {  	[tilespmem:s19+$0x68F0] =	vst.add.f32.msk $0xffff, v8;
	s8 =	sor.u32 s3, s2  }
0x2a9: {  	v5 =	vmul.f32 s6, v5;
	[tilespmem:s8+$0x6080] =	vst.add.f32.msk $0xffff, v6  }
0x2aa: {  	v6 =	vld [tilespmem:s31+$0x10]  }
0x2ab: {  	[tilespmem:s1+$0x6090] =	vst.add.f32.msk $0xffff, v5;
	v4 =	vmul.f32 s4, v4  }
0x2ac: {  	v5 =	vld [tilespmem:s7+$0x20]  }
0x2ad: {  	[tilespmem:s0+$0x6090] =	vst.add.f32.msk $0xffff, v4  }
0x2ae: {  	v4 =	vld [tilespmem:s28+$0x20]  }
0x2af: {  	v8 =	vld [tilespmem:s22+$0xC00];
	v6 =	vmul.f32 s11, v6  }
0x2b0: {  	v10 =	vld [tilespmem:s16+$0xC00]  }
0x2b1: {  	v5 =	vmul.f32 s6, v5;
	[tilespmem:s8+$0x6090] =	vst.add.f32.msk $0xffff, v6  }
0x2b2: {  	v6 =	vld [tilespmem:s31+$0x20]  }
0x2b3: {  	[tilespmem:s1+$0x60A0] =	vst.add.f32.msk $0xffff, v5;
	v4 =	vmul.f32 s4, v4  }
0x2b4: {  	v5 =	vld [tilespmem:s7+$0x30]  }
0x2b5: {  	v9 =	vmul.f32 s30, v9;
	[tilespmem:s0+$0x60A0] =	vst.add.f32.msk $0xffff, v4  }
0x2b6: {  	v4 =	vld [tilespmem:s28+$0x30]  }
0x2b7: {  	[tilespmem:s20+$0x6C80] =	vst.add.f32.msk $0xffff, v9;
	v6 =	vmul.f32 s11, v6  }
0x2b8: {  	v9 =	vld [tilespmem:s26+$0xC10]  }
0x2b9: {  	v5 =	vmul.f32 s6, v5;
	[tilespmem:s8+$0x60A0] =	vst.add.f32.msk $0xffff, v6  }
0x2ba: {  	v6 =	vld [tilespmem:s31+$0x30]  }
0x2bb: {  	[tilespmem:s1+$0x60B0] =	vst.add.f32.msk $0xffff, v5;
	v4 =	vmul.f32 s4, v4  }
0x2bc: {  	v5 =	vld [tilespmem:s7+$0x40]  }
0x2bd: {  	v8 =	vmul.f32 s18, v8;
	[tilespmem:s0+$0x60B0] =	vst.add.f32.msk $0xffff, v4  }
0x2be: {  	v4 =	vmul.f32 s14, v10;
	v10 =	vld [tilespmem:s28+$0x40]  }
0x2bf: {  	[tilespmem:s15+$0x6C80] =	vst.add.f32.msk $0xffff, v8;
	v6 =	vmul.f32 s11, v6  }
0x2c0: {  	[tilespmem:s19+$0x6C80] =	vst.add.f32.msk $0xffff, v4  }
0x2c1: {  	v4 =	vmul.f32 s6, v5;
	[tilespmem:s8+$0x60B0] =	vst.add.f32.msk $0xffff, v6  }
0x2c2: {  	v5 =	vld [tilespmem:s31+$0x40]  }
0x2c3: {  	[tilespmem:s1+$0x60C0] =	vst.add.f32.msk $0xffff, v4;
	v4 =	vmul.f32 s4, v10  }
0x2c4: {  	v6 =	vld [tilespmem:s7+$0x50]  }
0x2c5: {  	[tilespmem:s0+$0x60C0] =	vst.add.f32.msk $0xffff, v4  }
0x2c6: {  	v9 =	vmul.f32 s30, v9;
	v4 =	vld [tilespmem:s28+$0x50]  }
0x2c7: {  	v8 =	vld [tilespmem:s22+$0xC10];
	v5 =	vmul.f32 s11, v5  }
0x2c8: {  	[tilespmem:s20+$0x6C90] =	vst.add.f32.msk $0xffff, v9  }
0x2c9: {  	v6 =	vmul.f32 s6, v6;
	[tilespmem:s8+$0x60C0] =	vst.add.f32.msk $0xffff, v5  }
0x2ca: {  	v5 =	vld [tilespmem:s31+$0x50]  }
0x2cb: {  	[tilespmem:s1+$0x60D0] =	vst.add.f32.msk $0xffff, v6;
	v4 =	vmul.f32 s4, v4  }
0x2cc: {  	v6 =	vld [tilespmem:s7+$0x60]  }
0x2cd: {  	[tilespmem:s0+$0x60D0] =	vst.add.f32.msk $0xffff, v4  }
0x2ce: {  	v4 =	vld [tilespmem:s28+$0x60]  }
0x2cf: {  	v9 =	vld [tilespmem:s26+$0xC20];
	v5 =	vmul.f32 s11, v5  }
0x2d0: {  	v10 =	vld [tilespmem:s16+$0xC10]  }
0x2d1: {  	v6 =	vmul.f32 s6, v6;
	[tilespmem:s8+$0x60D0] =	vst.add.f32.msk $0xffff, v5  }
0x2d2: {  	v5 =	vld [tilespmem:s31+$0x60]  }
0x2d3: {  	[tilespmem:s1+$0x60E0] =	vst.add.f32.msk $0xffff, v6;
	v4 =	vmul.f32 s4, v4  }
0x2d4: {  	v6 =	vld [tilespmem:s7+$0x70]  }
0x2d5: {  	v8 =	vmul.f32 s18, v8;
	[tilespmem:s0+$0x60E0] =	vst.add.f32.msk $0xffff, v4  }
0x2d6: {  	v4 =	vmul.f32 s14, v10;
	v10 =	vld [tilespmem:s28+$0x70]  }
0x2d7: {  	[tilespmem:s15+$0x6C90] =	vst.add.f32.msk $0xffff, v8;
	v5 =	vmul.f32 s11, v5  }
0x2d8: {  	[tilespmem:s19+$0x6C90] =	vst.add.f32.msk $0xffff, v4  }
0x2d9: {  	v4 =	vmul.f32 s6, v6;
	[tilespmem:s8+$0x60E0] =	vst.add.f32.msk $0xffff, v5  }
0x2da: {  	v5 =	vld [tilespmem:s31+$0x70]  }
0x2db: {  	[tilespmem:s1+$0x60F0] =	vst.add.f32.msk $0xffff, v4;
	v4 =	vmul.f32 s4, v10  }
0x2dc: {  	v6 =	vld [tilespmem:s7+$0x400]  }
0x2dd: {  	[tilespmem:s0+$0x60F0] =	vst.add.f32.msk $0xffff, v4  }
0x2de: {  	v9 =	vmul.f32 s30, v9;
	v4 =	vld [tilespmem:s28+$0x400]  }
0x2df: {  	v8 =	vld [tilespmem:s22+$0xC20];
	v5 =	vmul.f32 s11, v5  }
0x2e0: {  	[tilespmem:s20+$0x6CA0] =	vst.add.f32.msk $0xffff, v9  }
0x2e1: {  	v6 =	vmul.f32 s6, v6;
	[tilespmem:s8+$0x60F0] =	vst.add.f32.msk $0xffff, v5  }
0x2e2: {  	v5 =	vld [tilespmem:s31+$0x400]  }
0x2e3: {  	[tilespmem:s1+$0x6480] =	vst.add.f32.msk $0xffff, v6;
	v4 =	vmul.f32 s4, v4  }
0x2e4: {  	v6 =	vld [tilespmem:s7+$0x410]  }
0x2e5: {  	[tilespmem:s0+$0x6480] =	vst.add.f32.msk $0xffff, v4  }
0x2e6: {  	v4 =	vld [tilespmem:s28+$0x410]  }
0x2e7: {  	v9 =	vld [tilespmem:s26+$0xC30];
	v5 =	vmul.f32 s11, v5  }
0x2e8: {  	v10 =	vld [tilespmem:s16+$0xC20]  }
0x2e9: {  	v6 =	vmul.f32 s6, v6;
	[tilespmem:s8+$0x6480] =	vst.add.f32.msk $0xffff, v5  }
0x2ea: {  	v5 =	vld [tilespmem:s31+$0x410]  }
0x2eb: {  	[tilespmem:s1+$0x6490] =	vst.add.f32.msk $0xffff, v6;
	v4 =	vmul.f32 s4, v4  }
0x2ec: {  	v6 =	vld [tilespmem:s7+$0x420]  }
0x2ed: {  	v8 =	vmul.f32 s18, v8;
	[tilespmem:s0+$0x6490] =	vst.add.f32.msk $0xffff, v4  }
0x2ee: {  	v4 =	vmul.f32 s14, v10;
	v10 =	vld [tilespmem:s28+$0x420]  }
0x2ef: {  	[tilespmem:s15+$0x6CA0] =	vst.add.f32.msk $0xffff, v8;
	v5 =	vmul.f32 s11, v5  }
0x2f0: {  	[tilespmem:s19+$0x6CA0] =	vst.add.f32.msk $0xffff, v4  }
0x2f1: {  	v4 =	vmul.f32 s6, v6;
	[tilespmem:s8+$0x6490] =	vst.add.f32.msk $0xffff, v5  }
0x2f2: {  	v5 =	vld [tilespmem:s31+$0x420]  }
0x2f3: {  	[tilespmem:s1+$0x64A0] =	vst.add.f32.msk $0xffff, v4;
	v4 =	vmul.f32 s4, v10  }
0x2f4: {  	v6 =	vld [tilespmem:s7+$0x430]  }
0x2f5: {  	[tilespmem:s0+$0x64A0] =	vst.add.f32.msk $0xffff, v4  }
0x2f6: {  	v9 =	vmul.f32 s30, v9;
	v4 =	vld [tilespmem:s28+$0x430]  }
0x2f7: {  	v8 =	vld [tilespmem:s22+$0xC30];
	v5 =	vmul.f32 s11, v5  }
0x2f8: {  	[tilespmem:s20+$0x6CB0] =	vst.add.f32.msk $0xffff, v9  }
0x2f9: {  	v6 =	vmul.f32 s6, v6;
	[tilespmem:s8+$0x64A0] =	vst.add.f32.msk $0xffff, v5  }
0x2fa: {  	v5 =	vld [tilespmem:s31+$0x430]  }
0x2fb: {  	[tilespmem:s1+$0x64B0] =	vst.add.f32.msk $0xffff, v6;
	v4 =	vmul.f32 s4, v4  }
0x2fc: {  	v6 =	vld [tilespmem:s7+$0x440]  }
0x2fd: {  	[tilespmem:s0+$0x64B0] =	vst.add.f32.msk $0xffff, v4  }
0x2fe: {  	v4 =	vld [tilespmem:s28+$0x440]  }
0x2ff: {  	v9 =	vld [tilespmem:s26+$0xC40];
	v5 =	vmul.f32 s11, v5  }
0x300: {  	v10 =	vld [tilespmem:s16+$0xC30]  }
0x301: {  	v6 =	vmul.f32 s6, v6;
	[tilespmem:s8+$0x64B0] =	vst.add.f32.msk $0xffff, v5  }
0x302: {  	v5 =	vld [tilespmem:s31+$0x440]  }
0x303: {  	[tilespmem:s1+$0x64C0] =	vst.add.f32.msk $0xffff, v6;
	v4 =	vmul.f32 s4, v4  }
0x304: {  	v6 =	vld [tilespmem:s7+$0x450]  }
0x305: {  	v8 =	vmul.f32 s18, v8;
	[tilespmem:s0+$0x64C0] =	vst.add.f32.msk $0xffff, v4  }
0x306: {  	v4 =	vmul.f32 s14, v10;
	v10 =	vld [tilespmem:s28+$0x450]  }
0x307: {  	[tilespmem:s15+$0x6CB0] =	vst.add.f32.msk $0xffff, v8;
	v5 =	vmul.f32 s11, v5  }
0x308: {  	[tilespmem:s19+$0x6CB0] =	vst.add.f32.msk $0xffff, v4  }
0x309: {  	v4 =	vmul.f32 s6, v6;
	[tilespmem:s8+$0x64C0] =	vst.add.f32.msk $0xffff, v5  }
0x30a: {  	v5 =	vld [tilespmem:s31+$0x450]  }
0x30b: {  	[tilespmem:s1+$0x64D0] =	vst.add.f32.msk $0xffff, v4;
	v4 =	vmul.f32 s4, v10  }
0x30c: {  	v6 =	vld [tilespmem:s7+$0x460]  }
0x30d: {  	[tilespmem:s0+$0x64D0] =	vst.add.f32.msk $0xffff, v4  }
0x30e: {  	v9 =	vmul.f32 s30, v9;
	v4 =	vld [tilespmem:s28+$0x460]  }
0x30f: {  	v8 =	vld [tilespmem:s22+$0xC40];
	v5 =	vmul.f32 s11, v5  }
0x310: {  	[tilespmem:s20+$0x6CC0] =	vst.add.f32.msk $0xffff, v9  }
0x311: {  	v6 =	vmul.f32 s6, v6;
	[tilespmem:s8+$0x64D0] =	vst.add.f32.msk $0xffff, v5  }
0x312: {  	v5 =	vld [tilespmem:s31+$0x460]  }
0x313: {  	[tilespmem:s1+$0x64E0] =	vst.add.f32.msk $0xffff, v6;
	v4 =	vmul.f32 s4, v4  }
0x314: {  	v6 =	vld [tilespmem:s7+$0x470]  }
0x315: {  	[tilespmem:s0+$0x64E0] =	vst.add.f32.msk $0xffff, v4  }
0x316: {  	v4 =	vld [tilespmem:s28+$0x470]  }
0x317: {  	v9 =	vld [tilespmem:s26+$0xC50];
	v5 =	vmul.f32 s11, v5  }
0x318: {  	v10 =	vld [tilespmem:s16+$0xC40]  }
0x319: {  	v6 =	vmul.f32 s6, v6;
	[tilespmem:s8+$0x64E0] =	vst.add.f32.msk $0xffff, v5  }
0x31a: {  	v5 =	vld [tilespmem:s31+$0x470]  }
0x31b: {  	[tilespmem:s1+$0x64F0] =	vst.add.f32.msk $0xffff, v6;
	v4 =	vmul.f32 s4, v4  }
0x31c: {  	v6 =	vld [tilespmem:s7+$0x800]  }
0x31d: {  	v8 =	vmul.f32 s18, v8;
	[tilespmem:s0+$0x64F0] =	vst.add.f32.msk $0xffff, v4  }
0x31e: {  	v4 =	vmul.f32 s14, v10;
	v10 =	vld [tilespmem:s28+$0x800]  }
0x31f: {  	[tilespmem:s15+$0x6CC0] =	vst.add.f32.msk $0xffff, v8;
	v5 =	vmul.f32 s11, v5  }
0x320: {  	[tilespmem:s19+$0x6CC0] =	vst.add.f32.msk $0xffff, v4  }
0x321: {  	v4 =	vmul.f32 s6, v6;
	[tilespmem:s8+$0x64F0] =	vst.add.f32.msk $0xffff, v5  }
0x322: {  	v5 =	vld [tilespmem:s31+$0x800]  }
0x323: {  	[tilespmem:s1+$0x6880] =	vst.add.f32.msk $0xffff, v4;
	v4 =	vmul.f32 s4, v10  }
0x324: {  	v6 =	vld [tilespmem:s7+$0x810]  }
0x325: {  	[tilespmem:s0+$0x6880] =	vst.add.f32.msk $0xffff, v4  }
0x326: {  	v4 =	vld [tilespmem:s28+$0x810]  }
0x327: {  	v8 =	vld [tilespmem:s22+$0xC50];
	v5 =	vmul.f32 s11, v5  }
0x328: {  	v10 =	vld [tilespmem:s16+$0xC50]  }
0x329: {  	v6 =	vmul.f32 s6, v6;
	[tilespmem:s8+$0x6880] =	vst.add.f32.msk $0xffff, v5  }
0x32a: {  	v5 =	vld [tilespmem:s31+$0x810]  }
0x32b: {  	[tilespmem:s1+$0x6890] =	vst.add.f32.msk $0xffff, v6;
	v4 =	vmul.f32 s4, v4  }
0x32c: {  	v6 =	vld [tilespmem:s7+$0x820]  }
0x32d: {  	[tilespmem:s0+$0x6890] =	vst.add.f32.msk $0xffff, v4;
	v4 =	vmul.f32 s12, v7  }
0x32e: {  	v7 =	vmul.f32 s18, v8;
	v8 =	vld [tilespmem:s28+$0x820]  }
0x32f: {  	[tilespmem:s25+$0x6CF0] =	vst.add.f32.msk $0xffff, v4;
	v5 =	vmul.f32 s11, v5  }
0x330: {  	[tilespmem:s15+$0x6CD0] =	vst.add.f32.msk $0xffff, v7  }
0x331: {  	v4 =	vmul.f32 s6, v6;
	[tilespmem:s8+$0x6890] =	vst.add.f32.msk $0xffff, v5  }
0x332: {  	v5 =	vld [tilespmem:s31+$0x820]  }
0x333: {  	[tilespmem:s1+$0x68A0] =	vst.add.f32.msk $0xffff, v4;
	v4 =	vmul.f32 s4, v8  }
0x334: {  	v6 =	vld [tilespmem:s7+$0x830]  }
0x335: {  	v7 =	vmul.f32 s30, v9;
	s9 =	rddreg [dreg:$0x19];
	[tilespmem:s0+$0x68A0] =	vst.add.f32.msk $0xffff, v4  }
0x336: {  	v8 =	vld [tilespmem:s28+$0x830];
	[dreg:$0x9] =	wrdreg s20  }
0x337: {  	s2 =	smul.f32 s12, s9;
	v4 =	vmul.f32 s14, v10;
	[tilespmem:s20+$0x6CD0] =	vst.add.f32.msk $0xffff, v7  }
0x338: {  	v11 =	vld [tilespmem:s22+$0xC60];
	v5 =	vmul.f32 s11, v5  }
0x339: {  	s2 =	smul.f32 s2, s12;
	s12 =	rddreg [dreg:$0x15];
	[tilespmem:s19+$0x6CD0] =	vst.add.f32.msk $0xffff, v4  }
0x33a: {  	s10 =	smul.f32 s11, s10;
	s13 =	rddreg [dreg:$0x17];
	v4 =	vmul.f32 s6, v6;
	[tilespmem:s8+$0x68A0] =	vst.add.f32.msk $0xffff, v5  }
0x33b: {  	s3 =	smul.f32 s18, s12;
	v5 =	vld [tilespmem:s31+$0x830]  }
0x33c: {  	s12 =	smul.f32 s6, s23;
	s20 =	rddreg [dreg:$0x18];
	[tilespmem:s1+$0x68B0] =	vst.add.f32.msk $0xffff, v4;
	v4 =	vmul.f32 s4, v8  }
0x33d: {  	s5 =	smul.f32 s30, s13;
	v6 =	vld [tilespmem:s7+$0x840]  }
0x33e: {  	s3 =	smul.f32 s3, s18;
	[tilespmem:s0+$0x68B0] =	vst.add.f32.msk $0xffff, v4  }
0x33f: {  	s9 =	smul.f32 s14, s20;
	v7 =	vld [tilespmem:s28+$0x840]  }
0x340: {  	v13 =	vld [tilespmem:s26+$0xC60];
	s5 =	smul.f32 s5, s30  }
0x341: {  	s20 =	smul.f32 s4, s24;
	v4 =	vmul.f32 s11, v5  }
0x342: {  	s13 =	smul.f32 s9, s14  }
0x343: {  	s9 =	smul.f32 s12, s6;
	v8 =	vmul.f32 s6, v6;
	[tilespmem:s8+$0x68B0] =	vst.add.f32.msk $0xffff, v4  }
0x344: {  	s23 =	smul.f32 s20, s4;
	v14 =	vld [tilespmem:s31+$0x840];
	v15 =	vmul.f32 s4, v7  }
0x345: {  	s24 =	smov.u32 s26;
	s26 =	smul.f32 s10, s11;
	v11 =	vmul.f32 s18, v11;
	v13 =	vmul.f32 s30, v13;
	v5 =	vsel vm0, s5, v2;
	[tilespmem:s1+$0x68C0] =	vst.add.f32.msk $0xffff, v8  }
0x346: {  	v10 =	vsel vm0, s9, v2;
	v9 =	vsel vm0, s23, v2;
	v6 =	vsel vm0, s13, v2;
	[tilespmem:s0+$0x68C0] =	vst.add.f32.msk $0xffff, v15  }
0x347: {  	s20 =	smov.u32 s7;
	v4 =	vsel vm0, s3, v2;
	v7 =	vsel vm0, s2, v2;
	v8 =	vsel vm0, s26, v2;
	s26 =	smov.u32 s18;
	v12 =	vld [tilespmem:s7+$0x850];
	[dreg:$0xa] =	wrdreg s30  }
.LBB2_8:
0x348: {  	s17 =	sadd.s32 $0x800, s17  }
0x349: {  	s3 =	rddreg [dreg:$0x4];
	v15 =	vld [tilespmem:s28+$0x850];
	s21 =	sadd.s32 $0x200, s21;
	s5 =	sand.u32 $0x3000, s17  }
0x34a: {  	v18 =	vld [tilespmem:s16+$0xC60];
	s18 =	sand.u32 $0x380, s21;
	s3 =	sadd.s32 s5, s3  }
0x34b: {  	[tilespmem:s15+$0x6CE0] =	vst.add.f32.msk $0xffff, v11;
	s7 =	sadd.s32 s18, s3  }
0x34c: {  	v16 =	vmul.f32 s6, v12;
	v12 =	vld [tilespmem:s7+$0xC40]  }
0x34d: {  	v20 =	vld [tilespmem:s7+$0xC00]  }
0x34e: {  	v21 =	vld [tilespmem:s7+$0xC10]  }
0x34f: {  	v22 =	vld [tilespmem:s7+$0x840]  }
0x350: {  	v23 =	vld [tilespmem:s7+$0x800]  }
0x351: {  	v24 =	vld [tilespmem:s7+$0x810]  }
0x352: {  	v25 =	vld [tilespmem:s7+$0x440]  }
0x353: {  	v26 =	vld [tilespmem:s7+$0x450]  }
0x354: {  	v27 =	vld [tilespmem:s7+$0x400]  }
0x355: {  	v28 =	vld [tilespmem:s7+$0x410]  }
0x356: {  	v19 =	vld [tilespmem:s7+$0x0]  }
0x357: {  	v29 =	vld [tilespmem:s7+$0x10]  }
0x358: {  	v30 =	vld [tilespmem:s7+$0x20]  }
0x359: {  	v31 =	vld [tilespmem:s7+$0x30]  }
0x35a: {  	v14 =	vmul.f32 s11, v14;
	v32 =	vld [tilespmem:s7+$0x40]  }
0x35b: {  	v33 =	vld [tilespmem:s7+$0x50]  }
0x35c: {  	[tilespmem:s8+$0x68C0] =	vst.add.f32.msk $0xffff, v14  }
0x35d: {  	v11 =	vld [tilespmem:s31+$0x850]  }
0x35e: {  	v35 =	vld [tilespmem:s7+$0x70]  }
0x35f: {  	v36 =	vld [tilespmem:s7+$0x420]  }
0x360: {  	v38 =	vld [tilespmem:s7+$0x430]  }
0x361: {  	v39 =	vld [tilespmem:s7+$0x460];
	v17 =	vmul.f32 s4, v15;
	v15 =	vmul.f32 s14, v18  }
0x362: {  	v12 =	vmul.f32 v12, v12;
	v18 =	vmul.f32 s11, v11;
	v11 =	vld [tilespmem:s7+$0x850]  }
0x363: {  	v40 =	vld [tilespmem:s7+$0x470];
	v20 =	vmul.f32 v20, v20;
	v21 =	vmul.f32 v21, v21  }
0x364: {  	v41 =	vld [tilespmem:s7+$0x820];
	v22 =	vmul.f32 v22, v22;
	v23 =	vmul.f32 v23, v23  }
0x365: {  	v44 =	vld [tilespmem:s7+$0x830];
	v24 =	vmul.f32 v24, v24;
	v25 =	vmul.f32 v25, v25  }
0x366: {  	v47 =	vld [tilespmem:s7+$0x860];
	v26 =	vmul.f32 v26, v26;
	v27 =	vmul.f32 v27, v27  }
0x367: {  	v28 =	vmul.f32 v28, v28;
	v34 =	vmul.f32 v11, v11;
	v11 =	vld [tilespmem:s7+$0x60]  }
0x368: {  	v49 =	vld [tilespmem:s7+$0x870];
	v37 =	vmul.f32 v19, v19;
	v29 =	vmul.f32 v29, v29  }
0x369: {  	v51 =	vld [tilespmem:s7+$0xC20];
	v30 =	vmul.f32 v30, v30;
	v31 =	vmul.f32 v31, v31  }
0x36a: {  	s9 =	sadd.s32 $0xFFFFFE80, s21;
	v53 =	vld [tilespmem:s7+$0xC30];
	v32 =	vmul.f32 v32, v32;
	v33 =	vmul.f32 v33, v33  }
0x36b: {  	s12 =	sadd.s32 $0xFFFFFF80, s21;
	s23 =	sand.u32 $0x200, s9;
	v55 =	vld [tilespmem:s7+$0xC60];
	v35 =	vmul.f32 v35, v35;
	v43 =	vmul.f32 v36, v36  }
0x36c: {  	s30 =	sand.u32 $0x300, s12;
	s12 =	sadd.s32 s23, s3;
	v57 =	vld [tilespmem:s7+$0xC70];
	v46 =	vmul.f32 v38, v38;
	v11 =	vmul.f32 v11, v11  }
0x36d: {  	v60 =	vld [tilespmem:s12+$0x10];
	v48 =	vmul.f32 v39, v39;
	v32 =	vadd.f32 v32, v37;
	v29 =	vadd.f32 v33, v29  }
0x36e: {  	v63 =	vld [tilespmem:s12+$0x20];
	v50 =	vmul.f32 v40, v40;
	v45 =	vadd.f32 v35, v31;
	v11 =	vadd.f32 v11, v30  }
0x36f: {  	s10 =	sadd.s32 $0xFFFFFF00, s21;
	v14 =	vld [tilespmem:s7+$0xC50];
	v52 =	vmul.f32 v41, v41;
	v27 =	vadd.f32 v27, v32;
	v28 =	vadd.f32 v28, v29  }
0x370: {  	[dreg:$0xc] =	wrdreg s25;
	s25 =	sand.u32 $0x280, s10;
	v54 =	vmul.f32 v44, v44;
	v38 =	vld [tilespmem:s12+$0x40];
	v30 =	vadd.f32 v46, v45;
	v11 =	vadd.f32 v43, v11  }
0x371: {  	s9 =	sadd.s32 s25, s3;
	v56 =	vmul.f32 v47, v47;
	v41 =	vld [tilespmem:s12+$0x50];
	v25 =	vadd.f32 v25, v27;
	v26 =	vadd.f32 v26, v28  }
0x372: {  	v59 =	vmul.f32 v49, v49;
	v49 =	vld [tilespmem:s9+$0x10];
	v30 =	vadd.f32 v50, v30;
	v29 =	vadd.f32 v48, v11  }
0x373: {  	s3 =	sadd.s32 s30, s3;
	v62 =	vmul.f32 v51, v51;
	v51 =	vld [tilespmem:s9+$0x20];
	v23 =	vadd.f32 v23, v25;
	v24 =	vadd.f32 v24, v26  }
0x374: {  	v42 =	vmul.f32 v60, v60;
	v60 =	vld [tilespmem:s3+$0x10];
	v58 =	vadd.f32 v54, v30;
	v27 =	vadd.f32 v52, v29  }
0x375: {  	v35 =	vld [tilespmem:s12+$0x30];
	v37 =	vmul.f32 v55, v55;
	v22 =	vadd.f32 v22, v23;
	v61 =	vadd.f32 v34, v24  }
0x376: {  	v55 =	vld [tilespmem:s9+$0x40];
	v28 =	vmul.f32 v53, v53;
	v34 =	vadd.f32 v59, v58;
	v25 =	vadd.f32 v56, v27  }
0x377: {  	v14 =	vmul.f32 v14, v14;
	v53 =	vld [tilespmem:s9+$0x30];
	v20 =	vadd.f32 v20, v22;
	v21 =	vadd.f32 v21, v61  }
0x378: {  	v26 =	vmul.f32 v57, v57;
	v57 =	vld [tilespmem:s9+$0x50];
	v39 =	vadd.f32 v28, v34;
	v24 =	vadd.f32 v62, v25  }
0x379: {  	v23 =	vmul.f32 v49, v49;
	v49 =	vld [tilespmem:s12+$0x410];
	v20 =	vadd.f32 v12, v20;
	v14 =	vadd.f32 v14, v21  }
0x37a: {  	v61 =	vld [tilespmem:s3+$0x20];
	v44 =	vadd.f32 v26, v39;
	v22 =	vadd.f32 v37, v24  }
0x37b: {  	v12 =	vld [tilespmem:s9+$0x0]  }
0x37c: {  	v46 =	vld [tilespmem:s12+$0x70];
	v14 =	vadd.f32 v14, v20;
	v47 =	vadd.f32 v44, v22  }
0x37d: {  	v45 =	vmul.f32 v63, v63;
	v63 =	vld [tilespmem:s3+$0x30]  }
0x37e: {  	v43 =	vld [tilespmem:s12+$0x60];
	v14 =	vadd.f32 v47, v14  }
0x37f: {  	v50 =	vmul.f32 v41, v41;
	v41 =	vld [tilespmem:s3+$0x40]  }
0x380: {  	v33 =	vmul.f32 v61, v61;
	v61 =	vld [tilespmem:s3+$0x400];
	(xrf2) =	vadd.scan.msk.f32 $0xffff, v14  }
0x381: {  	v11 =	vld [tilespmem:s12+$0x0]  }
0x382: {  	v21 =	vadd.f32 v50, v42;
	v50 =	vld [tilespmem:s12+$0x420]  }
0x383: {  	v30 =	vmul.f32 v57, v57;
	v57 =	vld [tilespmem:s9+$0x420]  }
0x384: {  	v58 =	vld [tilespmem:s9+$0x60]  }
0x385: {  	v59 =	vld [tilespmem:s9+$0x70]  }
0x386: {  	v52 =	vmul.f32 v43, v43;
	v43 =	vld [tilespmem:s3+$0x50]  }
0x387: {  	v31 =	vmul.f32 v41, v41;
	v41 =	vld [tilespmem:s12+$0xC20]  }
0x388: {  	v48 =	vmul.f32 v38, v38;
	v28 =	vmul.f32 v51, v51;
	v51 =	vld [tilespmem:s12+$0x430]  }
0x389: {  	v27 =	vmul.f32 v53, v53;
	v53 =	vld [tilespmem:s9+$0x400];
	v40 =	vmul.f32 v11, v11  }
0x38a: {  	v54 =	vmul.f32 v46, v46;
	v26 =	vmul.f32 v55, v55;
	v55 =	vld [tilespmem:s9+$0x410];
	v46, _, _ =	vpop (xrf2)  }
0x38b: {  	v56 =	vmul.f32 v12, v12;
	v20 =	vadd.f32 v48, v40;
	v48 =	vld [tilespmem:s12+$0x400];
	(v2sf) =	vpush v46, $0xF  }
0x38c: {  	v62 =	vmul.f32 v58, v58;
	v40 =	vmul.f32 v59, v59;
	v59 =	vld [tilespmem:s9+$0x430]  }
0x38d: {  	v25 =	vadd.f32 v26, v56;
	v56 =	vmul.f32 v49, v49;
	v49 =	vld [tilespmem:s12+$0x460]  }
0x38e: {  	v26 =	vadd.f32 v62, v28;
	v62 =	vld [tilespmem:s3+$0x410]  }
0x38f: {  	v32 =	vmul.f32 v53, v53;
	v53 =	vld [tilespmem:s9+$0x440]  }
0x390: {  	s2 =	smov.u32 s29;
	s29 =	sadd.s32 $0x4, s29;
	v29 =	vmul.f32 v35, v35;
	v22 =	vadd.f32 v52, v45;
	v45 =	vld [tilespmem:s3+$0x60]  }
0x391: {  	[dreg:$0xd] =	wrdreg s14;
	s14 =	sand.u32 $0x10, s29;
	v44 =	vmul.f32 v60, v60;
	v60 =	vmul.f32 v51, v51;
	v51 =	vld [tilespmem:s12+$0x470]  }
0x392: {  	v34 =	vmul.f32 v43, v43;
	v21 =	vadd.f32 v56, v21;
	v56 =	vld.idx.msk [tilespmem:v3+s14+$0x0 ss:$0x1], $0xffff  }
0x393: {  	v23 =	vadd.f32 v30, v23;
	v24 =	vadd.f32 v54, v29;
	v47 =	vld [tilespmem:s3+$0x70]  }
0x394: {  	v29 =	vmul.f32 v63, v63;
	v63 =	vmul.f32 v55, v55;
	v30 =	vadd.f32 v34, v44;
	v44 =	vld [tilespmem:s3+$0x430]  }
0x395: {  	v35 =	vmul.f32 v48, v48;
	v48 =	vmul.f32 v61, v61;
	v61 =	vld [tilespmem:s9+$0x460]  }
0x396: {  	v23 =	vadd.f32 v63, v23;
	v63 =	vld [tilespmem:s9+$0x470]  }
0x397: {  	v24 =	vadd.f32 v60, v24;
	v60 =	vmul.f32 v49, v49;
	v49 =	vld [tilespmem:s3+$0x460]  }
0x398: {  	v58 =	vmul.f32 v50, v50;
	v14 =	vld [tilespmem:s3+$0x0]  }
0x399: {  	v43 =	vmul.f32 v57, v57;
	v52 =	vmul.f32 v45, v45;
	v45 =	vld [tilespmem:s12+$0x440]  }
0x39a: {  	s18 =	smov.u32 s28;
	v50 =	vmul.f32 v62, v62;
	v62 =	vmul.f32 v51, v51;
	v51 =	vld [tilespmem:s3+$0x470];
	s28 =	spop (v2sf)  }
0x39b: {  	[dreg:$0x5] =	wrdreg s17;
	v54 =	vmul.f32 v47, v47;
	v47 =	vld [tilespmem:s12+$0x450];
	s10 =	smax.f32 s28, $1.000000020e-24  }
0x39c: {  	s17 =	sand.u32 $0xC, s29;
	v26 =	vadd.f32 v43, v26;
	v22 =	vadd.f32 v58, v22;
	v34 =	vmul.f32 v63, v63;
	v63 =	vld [tilespmem:s9+$0x810];
	s13 =	sshra.s32 s10, $0x1;
	s5 =	smul.f32 $5.000000000e-01, s10  }
0x39d: {  	s25 =	rddreg [dreg:$0x8];
	v58 =	vmov s17;
	v43 =	vmul.f32 v49, v49;
	v49 =	vld [tilespmem:s3+$0x800];
	v42 =	vmul.f32 v14, v14;
	s13 =	ssub.s32 $0x5F3759DF, s13  }
0x39e: {  	[dreg:$0x6] =	wrdreg s21;
	s17 =	sadd.s32 $0x4, s25;
	v29 =	vadd.f32 v54, v29;
	v54 =	vmul.f32 v44, v44;
	v44 =	vmul.f32 v53, v53;
	v53 =	vld [tilespmem:s12+$0x810];
	s21 =	smul.f32 s13, s5  }
0x39f: {  	s23 =	sand.u32 $0xFFFFFFF0, s17;
	v30 =	vadd.f32 v50, v30;
	v55 =	vmul.f32 v45, v45;
	v45 =	vld [tilespmem:s3+$0x440]  }
0x3a0: {  	s2 =	ssub.s32 s2, s23;
	v50 =	vmul.f32 v61, v61;
	v61 =	vmul.f32 v51, v51;
	v51 =	vld [tilespmem:s3+$0x810];
	v28 =	vadd.f32 v31, v42;
	s10 =	smul.f32 s13, s21  }
0x3a1: {  	v20 =	vadd.f32 v35, v20;
	s23 =	sadd.s32 $0x5, s2;
	s30 =	sadd.s32 $0x6, s2;
	s2 =	sadd.s32 $0x7, s2;
	v42 =	vld [tilespmem:s3+$0x420];
	v29 =	vadd.f32 v54, v29  }
0x3a2: {  	v57 =	vmul.f32 v47, v47;
	v47 =	vld [tilespmem:s3+$0x450];
	v28 =	vadd.f32 v48, v28;
	v48 =	vmov s2;
	s10 =	ssub.f32 $1.500000000e+00, s10  }
0x3a3: {  	v39 =	vxor.u32 $0x80000000, v56;
	v20 =	vadd.f32 v55, v20;
	v55 =	vld [tilespmem:s12+$0x820];
	vm2 =	veq.s32 v48, v1  }
0x3a4: {  	v29 =	vadd.f32 v61, v29;
	v61 =	vld [tilespmem:s12+$0x850];
	v38 =	vnsel vm2, $0x7FFFFFFF, v39;
	s14 =	smul.f32 s13, s10  }
0x3a5: {  	v21 =	vadd.f32 v57, v21;
	v57 =	vld [tilespmem:s12+$0x830];
	(xrf0) =	vmax.scan.msk.u32 $0xffff, v38  }
0x3a6: {  	v27 =	vadd.f32 v40, v27;
	v46 =	vmul.f32 v59, v59;
	v59 =	vld [tilespmem:s9+$0x450];
	s10 =	smul.f32 s14, s5  }
0x3a7: {  	v31 =	vadd.f32 v52, v33;
	v54 =	vmul.f32 v45, v45;
	v45 =	vld [tilespmem:s9+$0x820]  }
0x3a8: {  	v52 =	vmul.f32 v42, v42;
	v42 =	vld [tilespmem:s12+$0x800];
	v27 =	vadd.f32 v46, v27;
	v46 =	vmov s23;
	s10 =	smul.f32 s10, s14  }
0x3a9: {  	vm1 =	veq.s32 v58, v1;
	v38 =	vmul.f32 v53, v53;
	v53 =	vld [tilespmem:s3+$0x820]  }
0x3aa: {  	v58 =	vnsel vm1, $0x7FFFFFFF, v39;
	v56 =	vmul.f32 v47, v47;
	v47 =	vld [tilespmem:s9+$0x830];
	s10 =	ssub.f32 $1.500000000e+00, s10  }
0x3ab: {  	(xrf0) =	vmax.scan.msk.u32 $0xffff, v58;
	v58 =	vld [tilespmem:s12+$0x840];
	v31 =	vadd.f32 v52, v31;
	vm2 =	veq.s32 v46, v1;
	v46, _, _ =	vpop (xrf0)  }
0x3ac: {  	v52 =	vmov s30;
	v30 =	vadd.f32 v56, v30;
	v56 =	vld [tilespmem:s3+$0x830];
	(v2sf) =	vpush v46, $0xF;
	s2 =	smul.f32 s10, s14  }
0x3ad: {  	vm3 =	veq.s32 v52, v1;
	v52 =	vmul.f32 v63, v63;
	v63 =	vld [tilespmem:s12+$0x860]  }
0x3ae: {  	v24 =	vadd.f32 v62, v24;
	v40 =	vmul.f32 v59, v59;
	v59 =	vld [tilespmem:s9+$0x800];
	s10 =	smul.f32 s2, s5  }
0x3af: {  	v33 =	vmul.f32 v55, v55;
	v48 =	vmul.f32 v57, v57;
	v31 =	vadd.f32 v43, v31;
	v43 =	vld [tilespmem:s12+$0x870]  }
0x3b0: {  	v25 =	vadd.f32 v32, v25;
	v55 =	vmul.f32 v45, v45;
	v45 =	vld [tilespmem:s9+$0x840];
	v62 =	vmul.f32 v42, v42;
	s10 =	smul.f32 s10, s2  }
0x3b1: {  	v24 =	vadd.f32 v48, v24;
	v48 =	vld [tilespmem:s9+$0x850];
	v23 =	vadd.f32 v40, v23  }
0x3b2: {  	v20 =	vadd.f32 v62, v20;
	v62 =	vmul.f32 v49, v49;
	v49 =	vmul.f32 v61, v61;
	v61 =	vld [tilespmem:s12+$0xC00];
	s10 =	ssub.f32 $1.500000000e+00, s10  }
0x3b3: {  	v22 =	vadd.f32 v60, v22;
	v42 =	vmul.f32 v51, v51;
	v23 =	vadd.f32 v52, v23;
	v52 =	vld [tilespmem:s9+$0x870]  }
0x3b4: {  	v26 =	vadd.f32 v50, v26;
	v51 =	vmul.f32 v63, v63;
	v63 =	vld [tilespmem:s12+$0xC10];
	v50 =	vmul.f32 v59, v59;
	s2 =	smul.f32 s10, s2  }
0x3b5: {  	v21 =	vadd.f32 v38, v21;
	v59 =	vmul.f32 v47, v47;
	v47 =	vmul.f32 v58, v58;
	v58 =	vld [tilespmem:s3+$0x860]  }
0x3b6: {  	v25 =	vadd.f32 v44, v25;
	v44 =	vmul.f32 v53, v53;
	v53 =	vmul.f32 v43, v43;
	v43 =	vld [tilespmem:s12+$0xC30];
	s5 =	smul.f32 s2, s5  }
0x3b7: {  	v60 =	vnsel vm2, $0x7FFFFFFF, v39;
	v21 =	vadd.f32 v49, v21;
	v49 =	vmul.f32 v41, v41;
	v41 =	vld [tilespmem:s12+$0xC60]  }
0x3b8: {  	v28 =	vadd.f32 v54, v28;
	(xrf0) =	vmax.scan.msk.u32 $0xffff, v60;
	v25 =	vadd.f32 v50, v25;
	v50 =	vld [tilespmem:s9+$0x860];
	s5 =	smul.f32 s5, s2  }
0x3b9: {  	v27 =	vadd.f32 v34, v27;
	v24 =	vadd.f32 v53, v24;
	v53 =	vld [tilespmem:s9+$0xC30]  }
0x3ba: {  	v22 =	vadd.f32 v33, v22;
	v28 =	vadd.f32 v62, v28;
	v62 =	vmul.f32 v52, v52;
	v52 =	vld [tilespmem:s9+$0xC20];
	s5 =	ssub.f32 $1.500000000e+00, s5  }
0x3bb: {  	[dreg:$0x8] =	wrdreg s17;
	v46 =	vmul.f32 v56, v56;
	v56 =	vld [tilespmem:s3+$0x850];
	s17 =	spop (v2sf)  }
0x3bc: {  	v54, _, _ =	vpop (xrf0);
	v22 =	vadd.f32 v51, v22;
	v27 =	vadd.f32 v59, v27;
	v51 =	vmul.f32 v43, v43;
	v43 =	vld [tilespmem:s12+$0xC70];
	p2 =	sge.f32 s28, $1.000000020e-24;
	s21 =	sshrl.u32 s17, $0x3;
	s2 =	smul.f32 s5, s2  }
0x3bd: {  	v32 =	vnsel vm3, $0x7FFFFFFF, v39;
	(v2sf) =	vpush v54, $0xF;
	v54 =	vld [tilespmem:s3+$0x840];
	s5 =	smul.u32 $0x5000, s21  }
0x3be: {  	(xrf0) =	vmax.scan.msk.u32 $0xffff, v32;
	v57, _, _ =	vpop (xrf0);
	v27 =	vadd.f32 v62, v27;
	v62 =	vld [tilespmem:s12+$0xC40];
	s10 =	sshll.u32 s17, $0x7;
	s2 =	simm.s32 @!p2 $0x5368D4A5  }
0x3bf: {  	(v2sf) =	vpush v57, $0xF;
	v57 =	vmul.f32 v48, v48;
	v48 =	vld [tilespmem:s9+$0xC00];
	s10 =	sand.u32 $0x380, s10;
	s5 =	sshra.s32 s5, $0x2;
	v19 =	vmul.f32 s2, v19  }
0x3c0: {  	v59 =	vmul.f32 v50, v50;
	v50 =	vld [tilespmem:s9+$0xC10];
	s5 =	sor.u32 s10, s5  }
0x3c1: {  	v26 =	vadd.f32 v55, v26;
	v30 =	vadd.f32 v42, v30;
	[tilespmem:s5+$0x6080] =	vst.add.f32.msk $0xffff, v19  }
0x3c2: {  	v31 =	vadd.f32 v44, v31;
	v20 =	vadd.f32 v47, v20;
	v47 =	vld [tilespmem:s7+$0x10]  }
0x3c3: {  	v55 =	vmul.f32 v45, v45;
	v29 =	vadd.f32 v46, v29;
	v46 =	vmul.f32 v61, v61;
	v61 =	vld [tilespmem:s3+$0xC30]  }
0x3c4: {  	v60, _, _ =	vpop (xrf0);
	v22 =	vadd.f32 v49, v22;
	v24 =	vadd.f32 v51, v24;
	v51 =	vld [tilespmem:s9+$0xC70]  }
0x3c5: {  	v25 =	vadd.f32 v55, v25;
	v34 =	vmul.f32 v63, v63;
	(v2sf) =	vpush v60, $0xF;
	v60 =	vld [tilespmem:s3+$0x870]  }
0x3c6: {  	v44 =	vmul.f32 v58, v58;
	v20 =	vadd.f32 v46, v20;
	v46 =	vld [tilespmem:s9+$0xC40];
	v40 =	vmul.f32 v54, v54  }
0x3c7: {  	v23 =	vadd.f32 v57, v23;
	v26 =	vadd.f32 v59, v26;
	v54 =	vld [tilespmem:s3+$0xC00];
	v32 =	vmul.f32 s2, v47  }
0x3c8: {  	v57 =	vmul.f32 v52, v52;
	v59 =	vmul.f32 v53, v53;
	v28 =	vadd.f32 v40, v28;
	v40 =	vld [tilespmem:s12+$0xC50]  }
0x3c9: {  	v21 =	vadd.f32 v34, v21;
	v31 =	vadd.f32 v44, v31;
	v42 =	vmul.f32 v56, v56;
	[tilespmem:s5+$0x6090] =	vst.add.f32.msk $0xffff, v32  }
0x3ca: {  	v49 =	vmul.f32 v43, v43;
	v26 =	vadd.f32 v57, v26;
	v27 =	vadd.f32 v59, v27;
	v58 =	vld [tilespmem:s7+$0x20]  }
0x3cb: {  	v56 =	vld [tilespmem:s3+$0xC10];
	v44 =	vmul.f32 v62, v62;
	v30 =	vadd.f32 v42, v30;
	v55 =	vmul.f32 v48, v48  }
0x3cc: {  	v33 =	vmul.f32 v50, v50;
	v50 =	vld [tilespmem:s9+$0xC60];
	v24 =	vadd.f32 v49, v24;
	v59 =	vmul.f32 v51, v51  }
0x3cd: {  	v48 =	vld [tilespmem:s9+$0xC50];
	v45 =	vmul.f32 v60, v60;
	v20 =	vadd.f32 v44, v20;
	v25 =	vadd.f32 v55, v25  }
0x3ce: {  	v60 =	vld [tilespmem:s3+$0xC20];
	v23 =	vadd.f32 v33, v23;
	v37 =	vmul.f32 v40, v40;
	v47 =	vmul.f32 v41, v41  }
0x3cf: {  	v52 =	vld [tilespmem:s3+$0xC40];
	v29 =	vadd.f32 v45, v29;
	v34 =	vmul.f32 v54, v54;
	v42 =	vmul.f32 s2, v58  }
0x3d0: {  	v55 =	vld [tilespmem:s3+$0xC50];
	v63 =	vmul.f32 v56, v56;
	v21 =	vadd.f32 v37, v21;
	v22 =	vadd.f32 v47, v22  }
0x3d1: {  	v54 =	vmul.f32 v46, v46;
	v57 =	vmul.f32 v50, v50;
	v28 =	vadd.f32 v34, v28;
	[tilespmem:s5+$0x60A0] =	vst.add.f32.msk $0xffff, v42  }
0x3d2: {  	v56 =	vmul.f32 v48, v48;
	v20 =	vadd.f32 v21, v20;
	v22 =	vadd.f32 v24, v22;
	v45 =	vld [tilespmem:s7+$0x30]  }
0x3d3: {  	v36 =	vmul.f32 v60, v60;
	v25 =	vadd.f32 v54, v25;
	v60 =	vld [tilespmem:s3+$0xC60];
	v26 =	vadd.f32 v57, v26  }
0x3d4: {  	v21 =	vmul.f32 v52, v52;
	v32 =	vmul.f32 v61, v61;
	v61 =	vld [tilespmem:s3+$0xC70];
	v20 =	vadd.f32 v22, v20  }
0x3d5: {  	v58 =	vadd.f32 v56, v23;
	v23 =	vadd.f32 v59, v27  }
0x3d6: {  	[tilespmem:s0+$0x68D0] =	vst.add.f32.msk $0xffff, v17;
	v30 =	vadd.f32 v63, v30;
	v21 =	vadd.f32 v21, v28  }
0x3d7: {  	v63 =	vld [tilespmem:s22+$0xC70];
	(xrf2) =	vadd.scan.msk.f32 $0xffff, v20;
	v22 =	vadd.f32 v58, v25;
	v28 =	vadd.f32 v23, v26;
	v53 =	vmul.f32 s2, v45  }
0x3d8: {  	[tilespmem:s1+$0x68D0] =	vst.add.f32.msk $0xffff, v16;
	v62 =	vmul.f32 v55, v55;
	v31 =	vadd.f32 v36, v31;
	v35 =	vmul.f32 v60, v60  }
0x3d9: {  	v29 =	vadd.f32 v32, v29;
	v36 =	vmul.f32 v61, v61;
	v16 =	vadd.f32 v28, v22;
	[tilespmem:s5+$0x60B0] =	vst.add.f32.msk $0xffff, v53  }
0x3da: {  	v33 =	vadd.f32 v62, v30;
	v34 =	vld [tilespmem:s7+$0x40]  }
0x3db: {  	v17 =	vadd.f32 v35, v31;
	[tilespmem:s8+$0x68D0] =	vst.add.f32.msk $0xffff, v18;
	v18 =	vadd.f32 v36, v29;
	(xrf2) =	vadd.scan.msk.f32 $0xffff, v16  }
0x3dc: {  	[dreg:$0x7] =	wrdreg s29;
	v39 =	vld [tilespmem:s18+$0x860];
	s22 =	smov.u32 s20  }
0x3dd: {  	s20 =	rddreg [dreg:$0x9];
	v38 =	vld [tilespmem:s22+$0x860];
	s23 =	spop (v2sf);
	v21 =	vadd.f32 v33, v21;
	v17 =	vadd.f32 v18, v17  }
0x3de: {  	p1 =	slt.u32 s29, $0x14;
	s29 =	smov.u32 s19;
	[tilespmem:s20+$0x6CE0] =	vst.add.f32.msk $0xffff, v13;
	s10 =	spop (v2sf)  }
0x3df: {  	s25 =	sshrl.u32 s23, $0x3;
	s14 =	smov.u32 s15;
	s17 =	spop (v2sf);
	v40 =	vld [tilespmem:s31+$0x860];
	v13 =	vadd.f32 v17, v21;
	v34 =	vmul.f32 s2, v34  }
0x3e0: {  	s15 =	smov.u32 s16;
	s21 =	smul.u32 $0x5000, s25;
	s25 =	sshrl.u32 s17, $0x3;
	[tilespmem:s29+$0x6CE0] =	vst.add.f32.msk $0xffff, v15  }
0x3e1: {  	s16 =	sshll.u32 s17, $0x7;
	s17 =	smul.u32 $0x5000, s25;
	s25 =	smov.u32 s6;
	v42, _, _ =	vpop (xrf2);
	(xrf2) =	vadd.scan.msk.f32 $0xffff, v13;
	v13 =	vmul.f32 s4, v39;
	[tilespmem:s5+$0x60C0] =	vst.add.f32.msk $0xffff, v34  }
0x3e2: {  	v15 =	vmul.f32 s25, v38;
	v37 =	vld [tilespmem:s7+$0x50]  }
0x3e3: {  	v43 =	vld [tilespmem:s24+$0xC70];
	(v2sf) =	vpush v42, $0xF  }
0x3e4: {  	s30 =	sshrl.u32 s10, $0x3;
	[tilespmem:s1+$0x68E0] =	vst.add.f32.msk $0xffff, v15  }
0x3e5: {  	s13 =	sshll.u32 s23, $0x7;
	s23 =	smul.u32 $0x5000, s30;
	v18 =	vmul.f32 s11, v40;
	[tilespmem:s0+$0x68E0] =	vst.add.f32.msk $0xffff, v13;
	v13, _, _ =	vpop (xrf2)  }
0x3e6: {  	s13 =	sand.u32 $0x380, s13;
	s21 =	sshra.s32 s21, $0x2;
	(v2sf) =	vpush v13, $0xF;
	v13 =	vld [tilespmem:s22+$0x870]  }
0x3e7: {  	s30 =	sshra.s32 s23, $0x2;
	s23 =	sor.u32 s13, s21;
	s21 =	smov.u32 s31;
	[tilespmem:s8+$0x68E0] =	vst.add.f32.msk $0xffff, v18;
	v41 =	vmul.f32 s2, v37  }
0x3e8: {  	v18 =	vld [tilespmem:s21+$0x870]  }
0x3e9: {  	[tilespmem:s5+$0x60D0] =	vst.add.f32.msk $0xffff, v41  }
0x3ea: {  	v20 =	vmul.f32 s26, v63;
	v17 =	vld [tilespmem:s7+$0x60]  }
0x3eb: {  	v13 =	vmul.f32 s25, v13  }
0x3ec: {  	[tilespmem:s14+$0x6CF0] =	vst.add.f32.msk $0xffff, v20  }
0x3ed: {  	[tilespmem:s1+$0x68F0] =	vst.add.f32.msk $0xffff, v13;
	v13 =	vmul.f32 s11, v18  }
0x3ee: {  	v47 =	vld [tilespmem:s15+$0xC70];
	v46, _, _ =	vpop (xrf2)  }
0x3ef: {  	s10 =	sshll.u32 s10, $0x7;
	(v2sf) =	vpush v46, $0xF;
	[tilespmem:s8+$0x68F0] =	vst.add.f32.msk $0xffff, v13;
	v44 =	vmul.f32 s2, v17  }
0x3f0: {  	s24 =	smov.u32 s18;
	s19 =	smul.f32 s2, s28;
	s10 =	sand.u32 $0x380, s10;
	v13 =	vld [tilespmem:s22+$0xC00]  }
0x3f1: {  	s16 =	sand.u32 $0x380, s16;
	s6 =	smov.u32 s3;
	s17 =	sshra.s32 s17, $0x2;
	[tilespmem:s5+$0x60E0] =	vst.add.f32.msk $0xffff, v44  }
0x3f2: {  	s13 =	sor.u32 s10, s30;
	s10 =	smov.u32 s9;
	s3 =	spop (v2sf);
	v16 =	vld [tilespmem:s7+$0x70]  }
0x3f3: {  	s17 =	sor.u32 s16, s17;
	s16 =	smul.f32 s19, s2;
	s9 =	smax.f32 s3, $1.000000020e-24  }
0x3f4: {  	s18 =	smov.u32 s4;
	v45 =	vld [tilespmem:s24+$0x870];
	s15 =	sshra.s32 s9, $0x1;
	s4 =	smul.f32 $5.000000000e-01, s9  }
0x3f5: {  	v19 =	vsel vm0, s16, v2;
	s16 =	ssub.s32 $0x5F3759DF, s15;
	v13 =	vmul.f32 s25, v13  }
0x3f6: {  	[dreg:$0xe] =	wrdreg s6;
	s6 =	smul.f32 s16, s4  }
0x3f7: {  	s26 =	rddreg [dreg:$0xa];
	[tilespmem:s1+$0x6C80] =	vst.add.f32.msk $0xffff, v13;
	v16 =	vmul.f32 s2, v16  }
0x3f8: {  	s6 =	smul.f32 s16, s6;
	s9 =	spop (v2sf);
	v13 =	vld [tilespmem:s22+$0xC10]  }
0x3f9: {  	[dreg:$0xb] =	wrdreg s17;
	v15 =	vmul.f32 s26, v43;
	s26 =	smov.u32 s21;
	v17 =	vmul.f32 s18, v45;
	s17 =	smax.f32 s9, $1.000000020e-24;
	[tilespmem:s5+$0x60F0] =	vst.add.f32.msk $0xffff, v16  }
0x3fa: {  	s19 =	ssub.f32 $1.500000000e+00, s6;
	s21 =	sshra.s32 s17, $0x1;
	s6 =	smul.f32 $5.000000000e-01, s17;
	v16 =	vld [tilespmem:s7+$0x400]  }
0x3fb: {  	s30 =	smov.u32 s12;
	s12 =	rddreg [dreg:$0xd];
	[tilespmem:s0+$0x68F0] =	vst.add.f32.msk $0xffff, v17;
	s17 =	ssub.s32 $0x5F3759DF, s21  }
0x3fc: {  	v48 =	vmul.f32 s12, v47;
	v49 =	vld [tilespmem:s24+$0xC00];
	s12 =	smul.f32 s17, s6  }
0x3fd: {  	s31 =	smov.u32 s29;
	v50 =	vld [tilespmem:s26+$0xC00];
	s16 =	smul.f32 s16, s19  }
0x3fe: {  	[tilespmem:s31+$0x6CF0] =	vst.add.f32.msk $0xffff, v48;
	s15 =	smul.f32 s17, s12;
	s12 =	spop (v2sf);
	v13 =	vmul.f32 s25, v13  }
0x3ff: {  	s29 =	smov.u32 s11;
	[tilespmem:s20+$0x6CF0] =	vst.add.f32.msk $0xffff, v15;
	s19 =	smul.f32 s16, s4;
	s21 =	smax.f32 s12, $1.000000020e-24;
	v15 =	vmul.f32 s2, v16  }
0x400: {  	s28 =	ssub.f32 $1.500000000e+00, s15;
	s15 =	sshra.s32 s21, $0x1;
	s11 =	smul.f32 $5.000000000e-01, s21;
	[tilespmem:s1+$0x6C90] =	vst.add.f32.msk $0xffff, v13  }
0x401: {  	v51 =	vmul.f32 s18, v49;
	s19 =	smul.f32 s19, s16;
	s15 =	ssub.s32 $0x5F3759DF, s15;
	[tilespmem:s5+$0x6480] =	vst.add.f32.msk $0xffff, v15  }
0x402: {  	s21 =	smul.f32 s15, s11;
	v52 =	vld [tilespmem:s7+$0x410]  }
0x403: {  	[tilespmem:s0+$0x6C80] =	vst.add.f32.msk $0xffff, v51;
	v15 =	vmul.f32 s29, v50  }
0x404: {  	s19 =	ssub.f32 $1.500000000e+00, s19;
	v13 =	vld [tilespmem:s22+$0xC20];
	s21 =	smul.f32 s15, s21  }
0x405: {  	s17 =	smul.f32 s17, s28;
	[tilespmem:s8+$0x6C80] =	vst.add.f32.msk $0xffff, v15  }
0x406: {  	s16 =	smul.f32 s19, s16;
	s19 =	ssub.f32 $1.500000000e+00, s21;
	v15 =	vld [tilespmem:s24+$0xC10]  }
0x407: {  	s28 =	smul.f32 s17, s6;
	v53 =	vld [tilespmem:s26+$0xC10];
	v17 =	vmul.f32 s2, v52  }
0x408: {  	[tilespmem:s14+$0x7080] =	vst.add.f32.msk $0xffff, v4;
	s15 =	smul.f32 s15, s19  }
0x409: {  	s21 =	smul.f32 s28, s17;
	[tilespmem:s5+$0x6490] =	vst.add.f32.msk $0xffff, v17  }
0x40a: {  	v4 =	vmov v10;
	s28 =	smov.u32 s10;
	v10 =	vmul.f32 s25, v13;
	s10 =	smul.f32 s15, s11;
	v17 =	vld [tilespmem:s7+$0x420]  }
0x40b: {  	s14 =	smov.u32 s1;
	s19 =	smul.f32 s16, s4;
	s21 =	ssub.f32 $1.500000000e+00, s21;
	v15 =	vmul.f32 s18, v15  }
0x40c: {  	s1 =	smov.u32 s23;
	[tilespmem:s14+$0x6CA0] =	vst.add.f32.msk $0xffff, v10;
	s23 =	smul.f32 s10, s15;
	v16 =	vmul.f32 s29, v53  }
0x40d: {  	s17 =	smul.f32 s21, s17;
	[tilespmem:s0+$0x6C90] =	vst.add.f32.msk $0xffff, v15  }
0x40e: {  	s19 =	smul.f32 s19, s16;
	s21 =	ssub.f32 $1.500000000e+00, s23;
	[tilespmem:s8+$0x6C90] =	vst.add.f32.msk $0xffff, v16  }
0x40f: {  	s10 =	smul.f32 s17, s6;
	v13 =	vld [tilespmem:s24+$0xC20];
	v15 =	vmul.f32 s2, v17  }
0x410: {  	s15 =	smul.f32 s21, s15;
	v16 =	vld [tilespmem:s26+$0xC20]  }
0x411: {  	s23 =	smul.f32 s10, s17;
	[tilespmem:s5+$0x64A0] =	vst.add.f32.msk $0xffff, v15  }
0x412: {  	s21 =	smul.f32 s15, s11;
	v15 =	vld [tilespmem:s22+$0xC30]  }
0x413: {  	s23 =	ssub.f32 $1.500000000e+00, s23;
	v10 =	vld [tilespmem:s7+$0x430]  }
0x414: {  	s19 =	ssub.f32 $1.500000000e+00, s19;
	s10 =	smul.f32 s21, s15;
	v13 =	vmul.f32 s18, v13  }
0x415: {  	s17 =	smul.f32 s23, s17;
	[tilespmem:s20+$0x7080] =	vst.add.f32.msk $0xffff, v5;
	s20 =	smov.u32 s0;
	v16 =	vmul.f32 s29, v16  }
0x416: {  	s0 =	smov.u32 s13;
	s13 =	smul.f32 s19, s16;
	s16 =	ssub.f32 $1.500000000e+00, s10;
	[tilespmem:s20+$0x6CA0] =	vst.add.f32.msk $0xffff, v13  }
0x417: {  	s6 =	smul.f32 s17, s6;
	[tilespmem:s8+$0x6CA0] =	vst.add.f32.msk $0xffff, v16  }
0x418: {  	v5 =	vmov v9;
	s15 =	smul.f32 s16, s15;
	v13 =	vmul.f32 s25, v15;
	v15 =	vld [tilespmem:s26+$0xC30];
	v9 =	vmul.f32 s2, v10  }
0x419: {  	s4 =	smul.f32 s13, s4;
	s10 =	rddreg [dreg:$0xb];
	v10 =	vld [tilespmem:s24+$0xC30]  }
0x41a: {  	s19 =	smov.u32 s8;
	s8 =	smov.u32 s10;
	s10 =	smul.f32 s15, s11;
	[tilespmem:s5+$0x64B0] =	vst.add.f32.msk $0xffff, v9  }
0x41b: {  	s4 =	smul.f32 s4, s13;
	v9 =	vld [tilespmem:s7+$0x440]  }
0x41c: {  	s10 =	smul.f32 s10, s15;
	[tilespmem:s31+$0x7080] =	vst.add.f32.msk $0xffff, v6  }
0x41d: {  	s4 =	ssub.f32 $1.500000000e+00, s4;
	[tilespmem:s14+$0x6CB0] =	vst.add.f32.msk $0xffff, v13;
	v15 =	vmul.f32 s29, v15  }
0x41e: {  	s11 =	smul.f32 s6, s17;
	s10 =	ssub.f32 $1.500000000e+00, s10;
	v13 =	vld [tilespmem:s22+$0xC40];
	v10 =	vmul.f32 s18, v10  }
0x41f: {  	p4 =	sge.f32 s12, $1.000000020e-24;
	s6 =	smul.f32 s4, s13;
	[tilespmem:s19+$0x6CB0] =	vst.add.f32.msk $0xffff, v15  }
0x420: {  	s13 =	ssub.f32 $1.500000000e+00, s11;
	v6 =	vmov v8;
	s11 =	smul.f32 s10, s15;
	[tilespmem:s20+$0x6CB0] =	vst.add.f32.msk $0xffff, v10;
	v8 =	vmul.f32 s2, v9  }
0x421: {  	v9 =	vld [tilespmem:s24+$0xC40]  }
0x422: {  	s11 =	simm.s32 @!p4 $0x5368D4A5;
	[tilespmem:s5+$0x64C0] =	vst.add.f32.msk $0xffff, v8  }
0x423: {  	v14 =	vmul.f32 s11, v14;
	v8 =	vmul.f32 s25, v13;
	v13 =	vld [tilespmem:s26+$0xC40]  }
0x424: {  	p2 =	sge.f32 s3, $1.000000020e-24;
	v10 =	vld [tilespmem:s7+$0x450]  }
0x425: {  	s23 =	smov.u32 s18;
	s18 =	smov.u32 s25;
	s25 =	rddreg [dreg:$0xc];
	[tilespmem:s8+$0x6080] =	vst.add.f32.msk $0xffff, v14  }
0x426: {  	s6 =	simm.s32 @!p2 $0x5368D4A5;
	[tilespmem:s25+$0x7080] =	vst.add.f32.msk $0xffff, v7  }
0x427: {  	p3 =	sge.f32 s9, $1.000000020e-24;
	s4 =	smul.f32 s13, s17;
	[tilespmem:s14+$0x6CC0] =	vst.add.f32.msk $0xffff, v8;
	v8 =	vmul.f32 s6, v11  }
0x428: {  	v11 =	vld [tilespmem:s22+$0xC50]  }
0x429: {  	s4 =	simm.s32 @!p3 $0x5368D4A5;
	v15 =	vmul.f32 s23, v9;
	[tilespmem:s1+$0x6080] =	vst.add.f32.msk $0xffff, v8;
	v9 =	vmul.f32 s2, v10  }
0x42a: {  	s25 =	smov.u32 s5;
	v8 =	vmul.f32 s4, v12;
	v12 =	vld [tilespmem:s30+$0x10]  }
0x42b: {  	[tilespmem:s25+$0x64D0] =	vst.add.f32.msk $0xffff, v9  }
0x42c: {  	s31 =	rddreg [dreg:$0xe];
	v54 =	vld [tilespmem:s7+$0x460]  }
0x42d: {  	v55 =	vld [tilespmem:s31+$0x10]  }
0x42e: {  	[tilespmem:s0+$0x6080] =	vst.add.f32.msk $0xffff, v8  }
0x42f: {  	v14 =	vld [tilespmem:s28+$0x10];
	v12 =	vmul.f32 s6, v12  }
0x430: {  	[tilespmem:s20+$0x6CC0] =	vst.add.f32.msk $0xffff, v15  }
0x431: {  	[tilespmem:s1+$0x6090] =	vst.add.f32.msk $0xffff, v12;
	v12 =	vmul.f32 s2, v54  }
0x432: {  	v56 =	vld [tilespmem:s30+$0x20]  }
0x433: {  	v17 =	vmul.f32 s11, v55;
	[tilespmem:s25+$0x64E0] =	vst.add.f32.msk $0xffff, v12  }
0x434: {  	v12 =	vmul.f32 s4, v14;
	v14 =	vld [tilespmem:s7+$0x470]  }
0x435: {  	[tilespmem:s8+$0x6090] =	vst.add.f32.msk $0xffff, v17  }
0x436: {  	s15 =	smov.u32 s14;
	s14 =	smov.u32 s29;
	v57 =	vld [tilespmem:s31+$0x20]  }
0x437: {  	v13 =	vmul.f32 s14, v13;
	[tilespmem:s0+$0x6090] =	vst.add.f32.msk $0xffff, v12  }
0x438: {  	v12 =	vmul.f32 s6, v56;
	v15 =	vld [tilespmem:s28+$0x20]  }
0x439: {  	[tilespmem:s19+$0x6CC0] =	vst.add.f32.msk $0xffff, v13;
	v14 =	vmul.f32 s2, v14  }
0x43a: {  	[tilespmem:s1+$0x60A0] =	vst.add.f32.msk $0xffff, v12  }
0x43b: {  	v16 =	vmul.f32 s11, v57;
	[tilespmem:s25+$0x64F0] =	vst.add.f32.msk $0xffff, v14  }
0x43c: {  	v12 =	vld [tilespmem:s7+$0x800]  }
0x43d: {  	[tilespmem:s8+$0x60A0] =	vst.add.f32.msk $0xffff, v16;
	v15 =	vmul.f32 s4, v15  }
0x43e: {  	v14 =	vld [tilespmem:s30+$0x30]  }
0x43f: {  	[tilespmem:s0+$0x60A0] =	vst.add.f32.msk $0xffff, v15  }
0x440: {  	v15 =	vld [tilespmem:s31+$0x30]  }
0x441: {  	v13 =	vld [tilespmem:s28+$0x30];
	v12 =	vmul.f32 s2, v12  }
0x442: {  	v58 =	vld [tilespmem:s24+$0xC50]  }
0x443: {  	v14 =	vmul.f32 s6, v14;
	[tilespmem:s25+$0x6880] =	vst.add.f32.msk $0xffff, v12  }
0x444: {  	v12 =	vld [tilespmem:s7+$0x810]  }
0x445: {  	[tilespmem:s1+$0x60B0] =	vst.add.f32.msk $0xffff, v14;
	v15 =	vmul.f32 s11, v15  }
0x446: {  	v14 =	vld [tilespmem:s30+$0x40];
	v13 =	vmul.f32 s4, v13  }
0x447: {  	[tilespmem:s8+$0x60B0] =	vst.add.f32.msk $0xffff, v15  }
0x448: {  	[tilespmem:s0+$0x60B0] =	vst.add.f32.msk $0xffff, v13  }
0x449: {  	v13 =	vld [tilespmem:s28+$0x40];
	v12 =	vmul.f32 s2, v12  }
0x44a: {  	v59 =	vld [tilespmem:s31+$0x40]  }
0x44b: {  	[tilespmem:s25+$0x6890] =	vst.add.f32.msk $0xffff, v12  }
0x44c: {  	v14 =	vmul.f32 s6, v14;
	v15 =	vld [tilespmem:s7+$0x820]  }
0x44d: {  	v17 =	vld [tilespmem:s26+$0xC50]  }
0x44e: {  	[tilespmem:s1+$0x60C0] =	vst.add.f32.msk $0xffff, v14;
	v13 =	vmul.f32 s4, v13  }
0x44f: {  	v14 =	vld [tilespmem:s30+$0x50]  }
0x450: {  	v16 =	vmul.f32 s11, v59;
	[tilespmem:s0+$0x60C0] =	vst.add.f32.msk $0xffff, v13  }
0x451: {  	v13 =	vmul.f32 s2, v15;
	v15 =	vld [tilespmem:s28+$0x50]  }
0x452: {  	[tilespmem:s8+$0x60C0] =	vst.add.f32.msk $0xffff, v16  }
0x453: {  	v16 =	vld [tilespmem:s31+$0x50]  }
0x454: {  	v14 =	vmul.f32 s6, v14;
	[tilespmem:s25+$0x68A0] =	vst.add.f32.msk $0xffff, v13  }
0x455: {  	v60 =	vld [tilespmem:s7+$0x830]  }
0x456: {  	[tilespmem:s1+$0x60D0] =	vst.add.f32.msk $0xffff, v14;
	v14 =	vmul.f32 s4, v15  }
0x457: {  	v15 =	vld [tilespmem:s30+$0x60]  }
0x458: {  	v16 =	vmul.f32 s11, v16;
	[tilespmem:s0+$0x60D0] =	vst.add.f32.msk $0xffff, v14  }
0x459: {  	v61 =	vld [tilespmem:s28+$0x60]  }
0x45a: {  	[tilespmem:s8+$0x60D0] =	vst.add.f32.msk $0xffff, v16;
	v14 =	vmul.f32 s2, v60  }
0x45b: {  	v16 =	vld [tilespmem:s31+$0x60]  }
0x45c: {  	[tilespmem:s25+$0x68B0] =	vst.add.f32.msk $0xffff, v14;
	v15 =	vmul.f32 s6, v15  }
0x45d: {  	v14 =	vld [tilespmem:s7+$0x840]  }
0x45e: {  	[tilespmem:s1+$0x60E0] =	vst.add.f32.msk $0xffff, v15;
	v15 =	vmul.f32 s4, v61  }
0x45f: {  	v62 =	vld [tilespmem:s30+$0x70]  }
0x460: {  	v16 =	vmul.f32 s11, v16;
	[tilespmem:s0+$0x60E0] =	vst.add.f32.msk $0xffff, v15  }
0x461: {  	v15 =	vld [tilespmem:s28+$0x70]  }
0x462: {  	[tilespmem:s8+$0x60E0] =	vst.add.f32.msk $0xffff, v16;
	v14 =	vmul.f32 s2, v14  }
0x463: {  	v16 =	vld [tilespmem:s31+$0x70]  }
0x464: {  	v13 =	vmul.f32 s14, v17;
	[tilespmem:s25+$0x68C0] =	vst.add.f32.msk $0xffff, v14;
	v17 =	vmul.f32 s6, v62  }
0x465: {  	v14 =	vld [tilespmem:s7+$0x850]  }
0x466: {  	[tilespmem:s1+$0x60F0] =	vst.add.f32.msk $0xffff, v17;
	v15 =	vmul.f32 s4, v15  }
0x467: {  	v17 =	vld [tilespmem:s30+$0x400]  }
0x468: {  	v16 =	vmul.f32 s11, v16;
	[tilespmem:s0+$0x60F0] =	vst.add.f32.msk $0xffff, v15  }
0x469: {  	v15 =	vld [tilespmem:s28+$0x400]  }
0x46a: {  	[tilespmem:s8+$0x60F0] =	vst.add.f32.msk $0xffff, v16;
	v14 =	vmul.f32 s2, v14  }
0x46b: {  	v16 =	vld [tilespmem:s31+$0x400]  }
0x46c: {  	[tilespmem:s25+$0x68D0] =	vst.add.f32.msk $0xffff, v14;
	v17 =	vmul.f32 s6, v17  }
0x46d: {  	v14 =	vld [tilespmem:s7+$0x860]  }
0x46e: {  	[tilespmem:s1+$0x6480] =	vst.add.f32.msk $0xffff, v17;
	v15 =	vmul.f32 s4, v15  }
0x46f: {  	v17 =	vld [tilespmem:s30+$0x410]  }
0x470: {  	v16 =	vmul.f32 s11, v16;
	[tilespmem:s0+$0x6480] =	vst.add.f32.msk $0xffff, v15  }
0x471: {  	v15 =	vld [tilespmem:s28+$0x410]  }
0x472: {  	[tilespmem:s8+$0x6480] =	vst.add.f32.msk $0xffff, v16;
	v14 =	vmul.f32 s2, v14  }
0x473: {  	v16 =	vld [tilespmem:s31+$0x410]  }
0x474: {  	[tilespmem:s25+$0x68E0] =	vst.add.f32.msk $0xffff, v14;
	v17 =	vmul.f32 s6, v17  }
0x475: {  	v14 =	vld [tilespmem:s7+$0x870]  }
0x476: {  	[tilespmem:s1+$0x6490] =	vst.add.f32.msk $0xffff, v17;
	v15 =	vmul.f32 s4, v15  }
0x477: {  	v17 =	vld [tilespmem:s30+$0x420]  }
0x478: {  	v16 =	vmul.f32 s11, v16;
	[tilespmem:s0+$0x6490] =	vst.add.f32.msk $0xffff, v15  }
0x479: {  	v15 =	vld [tilespmem:s28+$0x420]  }
0x47a: {  	[tilespmem:s8+$0x6490] =	vst.add.f32.msk $0xffff, v16;
	v14 =	vmul.f32 s2, v14  }
0x47b: {  	v16 =	vld [tilespmem:s31+$0x420]  }
0x47c: {  	[tilespmem:s25+$0x68F0] =	vst.add.f32.msk $0xffff, v14;
	v17 =	vmul.f32 s6, v17  }
0x47d: {  	v14 =	vld [tilespmem:s7+$0xC00]  }
0x47e: {  	[tilespmem:s1+$0x64A0] =	vst.add.f32.msk $0xffff, v17;
	v15 =	vmul.f32 s4, v15  }
0x47f: {  	v17 =	vld [tilespmem:s30+$0x430]  }
0x480: {  	v16 =	vmul.f32 s11, v16;
	[tilespmem:s0+$0x64A0] =	vst.add.f32.msk $0xffff, v15  }
0x481: {  	v15 =	vld [tilespmem:s28+$0x430]  }
0x482: {  	[tilespmem:s8+$0x64A0] =	vst.add.f32.msk $0xffff, v16;
	v14 =	vmul.f32 s2, v14  }
0x483: {  	v16 =	vld [tilespmem:s31+$0x430]  }
0x484: {  	[tilespmem:s25+$0x6C80] =	vst.add.f32.msk $0xffff, v14;
	v17 =	vmul.f32 s6, v17  }
0x485: {  	v14 =	vld [tilespmem:s7+$0xC10]  }
0x486: {  	[tilespmem:s1+$0x64B0] =	vst.add.f32.msk $0xffff, v17;
	v15 =	vmul.f32 s4, v15  }
0x487: {  	v17 =	vld [tilespmem:s30+$0x440]  }
0x488: {  	v16 =	vmul.f32 s11, v16;
	[tilespmem:s0+$0x64B0] =	vst.add.f32.msk $0xffff, v15  }
0x489: {  	v15 =	vld [tilespmem:s28+$0x440]  }
0x48a: {  	[tilespmem:s8+$0x64B0] =	vst.add.f32.msk $0xffff, v16;
	v14 =	vmul.f32 s2, v14  }
0x48b: {  	v16 =	vld [tilespmem:s31+$0x440]  }
0x48c: {  	[tilespmem:s25+$0x6C90] =	vst.add.f32.msk $0xffff, v14;
	v17 =	vmul.f32 s6, v17  }
0x48d: {  	v14 =	vld [tilespmem:s7+$0xC20]  }
0x48e: {  	[tilespmem:s1+$0x64C0] =	vst.add.f32.msk $0xffff, v17;
	v15 =	vmul.f32 s4, v15  }
0x48f: {  	v17 =	vld [tilespmem:s30+$0x450]  }
0x490: {  	v16 =	vmul.f32 s11, v16;
	[tilespmem:s0+$0x64C0] =	vst.add.f32.msk $0xffff, v15  }
0x491: {  	v15 =	vld [tilespmem:s28+$0x450]  }
0x492: {  	[tilespmem:s8+$0x64C0] =	vst.add.f32.msk $0xffff, v16;
	v14 =	vmul.f32 s2, v14  }
0x493: {  	v16 =	vld [tilespmem:s31+$0x450]  }
0x494: {  	[tilespmem:s25+$0x6CA0] =	vst.add.f32.msk $0xffff, v14;
	v17 =	vmul.f32 s6, v17  }
0x495: {  	v14 =	vld [tilespmem:s7+$0xC30]  }
0x496: {  	[tilespmem:s1+$0x64D0] =	vst.add.f32.msk $0xffff, v17;
	v15 =	vmul.f32 s4, v15  }
0x497: {  	v17 =	vld [tilespmem:s30+$0x460]  }
0x498: {  	v16 =	vmul.f32 s11, v16;
	[tilespmem:s0+$0x64D0] =	vst.add.f32.msk $0xffff, v15  }
0x499: {  	v15 =	vld [tilespmem:s28+$0x460]  }
0x49a: {  	[tilespmem:s8+$0x64D0] =	vst.add.f32.msk $0xffff, v16;
	v14 =	vmul.f32 s2, v14  }
0x49b: {  	v16 =	vld [tilespmem:s31+$0x460]  }
0x49c: {  	[tilespmem:s25+$0x6CB0] =	vst.add.f32.msk $0xffff, v14;
	v17 =	vmul.f32 s6, v17  }
0x49d: {  	v14 =	vld [tilespmem:s7+$0xC40]  }
0x49e: {  	[tilespmem:s1+$0x64E0] =	vst.add.f32.msk $0xffff, v17;
	v15 =	vmul.f32 s4, v15  }
0x49f: {  	v17 =	vld [tilespmem:s30+$0x470]  }
0x4a0: {  	v16 =	vmul.f32 s11, v16;
	[tilespmem:s0+$0x64E0] =	vst.add.f32.msk $0xffff, v15  }
0x4a1: {  	v15 =	vld [tilespmem:s28+$0x470]  }
0x4a2: {  	[tilespmem:s8+$0x64E0] =	vst.add.f32.msk $0xffff, v16;
	v14 =	vmul.f32 s2, v14  }
0x4a3: {  	v16 =	vld [tilespmem:s31+$0x470]  }
0x4a4: {  	[tilespmem:s25+$0x6CC0] =	vst.add.f32.msk $0xffff, v14;
	v17 =	vmul.f32 s6, v17  }
0x4a5: {  	v14 =	vld [tilespmem:s7+$0xC50]  }
0x4a6: {  	[tilespmem:s1+$0x64F0] =	vst.add.f32.msk $0xffff, v17;
	v15 =	vmul.f32 s4, v15  }
0x4a7: {  	v17 =	vld [tilespmem:s30+$0x800]  }
0x4a8: {  	v16 =	vmul.f32 s11, v16;
	[tilespmem:s0+$0x64F0] =	vst.add.f32.msk $0xffff, v15  }
0x4a9: {  	v15 =	vld [tilespmem:s28+$0x800]  }
0x4aa: {  	[tilespmem:s8+$0x64F0] =	vst.add.f32.msk $0xffff, v16;
	v14 =	vmul.f32 s2, v14  }
0x4ab: {  	v16 =	vld [tilespmem:s31+$0x800]  }
0x4ac: {  	[tilespmem:s25+$0x6CD0] =	vst.add.f32.msk $0xffff, v14;
	v17 =	vmul.f32 s6, v17  }
0x4ad: {  	v14 =	vld [tilespmem:s7+$0xC60]  }
0x4ae: {  	[tilespmem:s1+$0x6880] =	vst.add.f32.msk $0xffff, v17;
	v15 =	vmul.f32 s4, v15  }
0x4af: {  	v17 =	vld [tilespmem:s30+$0x810]  }
0x4b0: {  	v16 =	vmul.f32 s11, v16;
	[tilespmem:s0+$0x6880] =	vst.add.f32.msk $0xffff, v15  }
0x4b1: {  	v15 =	vld [tilespmem:s28+$0x810]  }
0x4b2: {  	[tilespmem:s8+$0x6880] =	vst.add.f32.msk $0xffff, v16;
	v14 =	vmul.f32 s2, v14  }
0x4b3: {  	v16 =	vld [tilespmem:s31+$0x810]  }
0x4b4: {  	[tilespmem:s25+$0x6CE0] =	vst.add.f32.msk $0xffff, v14;
	v17 =	vmul.f32 s6, v17  }
0x4b5: {  	v14 =	vld [tilespmem:s7+$0xC70]  }
0x4b6: {  	[tilespmem:s1+$0x6890] =	vst.add.f32.msk $0xffff, v17;
	v15 =	vmul.f32 s4, v15  }
0x4b7: {  	v17 =	vld [tilespmem:s30+$0x820]  }
0x4b8: {  	v16 =	vmul.f32 s11, v16;
	[tilespmem:s0+$0x6890] =	vst.add.f32.msk $0xffff, v15  }
0x4b9: {  	v11 =	vmul.f32 s18, v11;
	v15 =	vld [tilespmem:s28+$0x820]  }
0x4ba: {  	[tilespmem:s8+$0x6890] =	vst.add.f32.msk $0xffff, v16;
	v14 =	vmul.f32 s2, v14  }
0x4bb: {  	[tilespmem:s15+$0x6CD0] =	vst.add.f32.msk $0xffff, v11  }
0x4bc: {  	[tilespmem:s25+$0x6CF0] =	vst.add.f32.msk $0xffff, v14;
	v11 =	vmul.f32 s6, v17  }
0x4bd: {  	v14 =	vld [tilespmem:s31+$0x820]  }
0x4be: {  	[tilespmem:s1+$0x68A0] =	vst.add.f32.msk $0xffff, v11;
	v11 =	vmul.f32 s4, v15  }
0x4bf: {  	v15 =	vld [tilespmem:s30+$0x830]  }
0x4c0: {  	[tilespmem:s0+$0x68A0] =	vst.add.f32.msk $0xffff, v11  }
0x4c1: {  	v12 =	vmul.f32 s23, v58;
	v11 =	vld [tilespmem:s28+$0x830]  }
0x4c2: {  	[tilespmem:s19+$0x6CD0] =	vst.add.f32.msk $0xffff, v13;
	v14 =	vmul.f32 s11, v14  }
0x4c3: {  	[tilespmem:s20+$0x6CD0] =	vst.add.f32.msk $0xffff, v12  }
0x4c4: {  	[tilespmem:s8+$0x68A0] =	vst.add.f32.msk $0xffff, v14;
	v12 =	vmul.f32 s6, v15  }
0x4c5: {  	v13 =	vld [tilespmem:s31+$0x830]  }
0x4c6: {  	[tilespmem:s1+$0x68B0] =	vst.add.f32.msk $0xffff, v12;
	v11 =	vmul.f32 s4, v11  }
0x4c7: {  	s3 =	smul.f32 s6, s3;
	v12 =	vld [tilespmem:s30+$0x840]  }
0x4c8: {  	[tilespmem:s0+$0x68B0] =	vst.add.f32.msk $0xffff, v11  }
0x4c9: {  	s3 =	smul.f32 s3, s6;
	v11 =	vld [tilespmem:s28+$0x840]  }
0x4ca: {  	s10 =	smul.f32 s4, s9;
	v15 =	vld [tilespmem:s22+$0xC60];
	v13 =	vmul.f32 s11, v13  }
0x4cb: {  	s12 =	smul.f32 s11, s12;
	v63 =	vld [tilespmem:s24+$0xC60]  }
.Ltmp3:
0x4cc: {  	[dreg:$0xa] =	wrdreg s23;
	[tilespmem:s8+$0x68B0] =	vst.add.f32.msk $0xffff, v13;
	v12 =	vmul.f32 s6, v12;
	(pc) =	sbr.rel @p1 .LBB2_8-.Ltmp3, $4  }
0x4cd: {  	s21 =	rddreg [dreg:$0x6];
	s13 =	smul.f32 s12, s11;
	v14 =	vld [tilespmem:s31+$0x840]  }
0x4ce: {  	[dreg:$0x9] =	wrdreg s20;
	s5 =	smul.f32 s10, s4;
	[tilespmem:s1+$0x68C0] =	vst.add.f32.msk $0xffff, v12;
	v13 =	vmul.f32 s4, v11  }
0x4cf: {  	s16 =	smov.u32 s26;
	s17 =	rddreg [dreg:$0x5];
	v10 =	vsel vm0, s3, v2;
	v8 =	vsel vm0, s13, v2;
	v12 =	vld [tilespmem:s30+$0x850]  }
0x4d0: {  	v7 =	vmovc v19;
	s29 =	rddreg [dreg:$0x7];
	v9 =	vsel vm0, s5, v2;
	s26 =	smov.u32 s18;
	s20 =	smov.u32 s30;
	v11 =	vmul.f32 s18, v15;
	[tilespmem:s0+$0x68C0] =	vst.add.f32.msk $0xffff, v13;
	v13 =	vmul.f32 s23, v63  }
0x4d1: {  	_ = 	snop  }
0x4d2: {  	v3 =	vmul.f32 s11, v14  }
0x4d3: {  	v48 =	vld [tilespmem:s28+$0x850]  }
0x4d4: {  	[tilespmem:s8+$0x68C0] =	vst.add.f32.msk $0xffff, v3  }
0x4d5: {  	v3 =	vld [tilespmem:s31+$0x850]  }
0x4d6: {  	v12 =	vmul.f32 s6, v12;
	_ =	sdelay $0x1  }
0x4d7: {  	v14 =	vmul.f32 s4, v48;
	[tilespmem:s1+$0x68D0] =	vst.add.f32.msk $0xffff, v12  }
0x4d8: {  	v12 =	vld [tilespmem:s20+$0x860]  }
0x4d9: {  	[tilespmem:s0+$0x68D0] =	vst.add.f32.msk $0xffff, v14;
	v3 =	vmul.f32 s11, v3  }
0x4da: {  	v14 =	vld [tilespmem:s28+$0x860]  }
0x4db: {  	[tilespmem:s8+$0x68D0] =	vst.add.f32.msk $0xffff, v3  }
0x4dc: {  	v3 =	vld [tilespmem:s31+$0x860]  }
0x4dd: {  	v12 =	vmul.f32 s6, v12;
	_ =	sdelay $0x1  }
0x4de: {  	v14 =	vmul.f32 s4, v14;
	[tilespmem:s1+$0x68E0] =	vst.add.f32.msk $0xffff, v12  }
0x4df: {  	v12 =	vld [tilespmem:s20+$0x870]  }
0x4e0: {  	[tilespmem:s0+$0x68E0] =	vst.add.f32.msk $0xffff, v14;
	v3 =	vmul.f32 s11, v3  }
0x4e1: {  	v14 =	vld [tilespmem:s28+$0x870]  }
0x4e2: {  	[tilespmem:s8+$0x68E0] =	vst.add.f32.msk $0xffff, v3  }
0x4e3: {  	v3 =	vld [tilespmem:s31+$0x870]  }
0x4e4: {  	v12 =	vmul.f32 s6, v12;
	_ =	sdelay $0x1  }
0x4e5: {  	v14 =	vmul.f32 s4, v14;
	[tilespmem:s1+$0x68F0] =	vst.add.f32.msk $0xffff, v12  }
0x4e6: {  	v12 =	vld [tilespmem:s20+$0xC00]  }
0x4e7: {  	[tilespmem:s0+$0x68F0] =	vst.add.f32.msk $0xffff, v14;
	v3 =	vmul.f32 s11, v3  }
0x4e8: {  	v14 =	vld [tilespmem:s28+$0xC00]  }
0x4e9: {  	[tilespmem:s8+$0x68F0] =	vst.add.f32.msk $0xffff, v3  }
0x4ea: {  	v3 =	vld [tilespmem:s31+$0xC00]  }
0x4eb: {  	v12 =	vmul.f32 s6, v12;
	_ =	sdelay $0x1  }
0x4ec: {  	[tilespmem:s1+$0x6C80] =	vst.add.f32.msk $0xffff, v12;
	v49 =	vmul.f32 s4, v14  }
0x4ed: {  	v50 =	vld [tilespmem:s20+$0xC10]  }
0x4ee: {  	[tilespmem:s0+$0x6C80] =	vst.add.f32.msk $0xffff, v49;
	v3 =	vmul.f32 s11, v3  }
0x4ef: {  	v12 =	vld [tilespmem:s28+$0xC10]  }
0x4f0: {  	[tilespmem:s8+$0x6C80] =	vst.add.f32.msk $0xffff, v3  }
0x4f1: {  	v3 =	vld [tilespmem:s31+$0xC10]  }
0x4f2: {  	v14 =	vmul.f32 s6, v50;
	_ =	sdelay $0x1  }
0x4f3: {  	[tilespmem:s1+$0x6C90] =	vst.add.f32.msk $0xffff, v14;
	v12 =	vmul.f32 s4, v12  }
0x4f4: {  	v14 =	vld [tilespmem:s20+$0xC20]  }
0x4f5: {  	[tilespmem:s0+$0x6C90] =	vst.add.f32.msk $0xffff, v12;
	v3 =	vmul.f32 s11, v3  }
0x4f6: {  	v12 =	vld [tilespmem:s28+$0xC20]  }
0x4f7: {  	[tilespmem:s8+$0x6C90] =	vst.add.f32.msk $0xffff, v3  }
0x4f8: {  	v3 =	vld [tilespmem:s31+$0xC20]  }
0x4f9: {  	v14 =	vmul.f32 s6, v14  }
0x4fa: {  	v15 =	vld [tilespmem:s16+$0xC60]  }
0x4fb: {  	[tilespmem:s1+$0x6CA0] =	vst.add.f32.msk $0xffff, v14;
	v12 =	vmul.f32 s4, v12  }
0x4fc: {  	v14 =	vld [tilespmem:s20+$0xC30]  }
0x4fd: {  	[tilespmem:s0+$0x6CA0] =	vst.add.f32.msk $0xffff, v12;
	v3 =	vmul.f32 s11, v3  }
0x4fe: {  	v12 =	vld [tilespmem:s28+$0xC30]  }
0x4ff: {  	[tilespmem:s8+$0x6CA0] =	vst.add.f32.msk $0xffff, v3  }
0x500: {  	v3 =	vld [tilespmem:s31+$0xC30]  }
0x501: {  	[tilespmem:s15+$0x6CE0] =	vst.add.f32.msk $0xffff, v11;
	v14 =	vmul.f32 s6, v14  }
0x502: {  	v53 =	vld [tilespmem:s22+$0xC70]  }
0x503: {  	[tilespmem:s1+$0x6CB0] =	vst.add.f32.msk $0xffff, v14;
	v51 =	vmul.f32 s4, v12  }
0x504: {  	v52 =	vld [tilespmem:s20+$0xC40]  }
0x505: {  	[tilespmem:s0+$0x6CB0] =	vst.add.f32.msk $0xffff, v51;
	v3 =	vmul.f32 s11, v3  }
0x506: {  	v11 =	vld [tilespmem:s28+$0xC40]  }
0x507: {  	v54 =	vmul.f32 s14, v15;
	[tilespmem:s8+$0x6CB0] =	vst.add.f32.msk $0xffff, v3  }
0x508: {  	v3 =	vld [tilespmem:s31+$0xC40]  }
0x509: {  	v12 =	vmul.f32 s6, v52;
	s2 =	rddreg [dreg:$0x9];
	[tilespmem:s19+$0x6CE0] =	vst.add.f32.msk $0xffff, v54  }
0x50a: {  	[tilespmem:s2+$0x6CE0] =	vst.add.f32.msk $0xffff, v13  }
0x50b: {  	[tilespmem:s1+$0x6CC0] =	vst.add.f32.msk $0xffff, v12;
	v11 =	vmul.f32 s4, v11  }
0x50c: {  	v12 =	vld [tilespmem:s20+$0xC50]  }
0x50d: {  	[tilespmem:s0+$0x6CC0] =	vst.add.f32.msk $0xffff, v11;
	v3 =	vmul.f32 s11, v3  }
0x50e: {  	v11 =	vld [tilespmem:s28+$0xC50]  }
0x50f: {  	[tilespmem:s8+$0x6CC0] =	vst.add.f32.msk $0xffff, v3  }
0x510: {  	v3 =	vld [tilespmem:s31+$0xC50]  }
0x511: {  	v56 =	vld [tilespmem:s16+$0xC70];
	v12 =	vmul.f32 s6, v12  }
0x512: {  	v55 =	vld [tilespmem:s24+$0xC70]  }
0x513: {  	v11 =	vmul.f32 s4, v11;
	[tilespmem:s1+$0x6CD0] =	vst.add.f32.msk $0xffff, v12  }
0x514: {  	v57 =	vld [tilespmem:s20+$0xC60]  }
0x515: {  	[tilespmem:s0+$0x6CD0] =	vst.add.f32.msk $0xffff, v11;
	v3 =	vmul.f32 s11, v3  }
0x516: {  	v58 =	vld [tilespmem:s28+$0xC60]  }
0x517: {  	[tilespmem:s8+$0x6CD0] =	vst.add.f32.msk $0xffff, v3  }
0x518: {  	v59 =	vld [tilespmem:s31+$0xC60]  }
0x519: {  	s3 =	rddreg [dreg:$0xa];
	[tilespmem:s15+$0x7080] =	vst.add.f32.msk $0xffff, v4  }
0x51a: {  	[tilespmem:s2+$0x7080] =	vst.add.f32.msk $0xffff, v5  }
0x51b: {  	v3 =	vmul.f32 s26, v53;
	[tilespmem:s19+$0x7080] =	vst.add.f32.msk $0xffff, v6  }
0x51c: {  	v11 =	vmul.f32 s6, v57;
	[tilespmem:s25+$0x7080] =	vst.add.f32.msk $0xffff, v7  }
0x51d: {  	[tilespmem:s15+$0x6CF0] =	vst.add.f32.msk $0xffff, v3;
	v3 =	vmul.f32 s14, v56  }
0x51e: {  	[tilespmem:s1+$0x6CE0] =	vst.add.f32.msk $0xffff, v11  }
0x51f: {  	[tilespmem:s19+$0x6CF0] =	vst.add.f32.msk $0xffff, v3;
	v3 =	vmul.f32 s4, v58  }
0x520: {  	v61 =	vld [tilespmem:s20+$0xC70]  }
0x521: {  	v60 =	vmul.f32 s11, v59;
	[tilespmem:s0+$0x6CE0] =	vst.add.f32.msk $0xffff, v3  }
0x522: {  	v3 =	vld [tilespmem:s28+$0xC70]  }
0x523: {  	[tilespmem:s8+$0x6CE0] =	vst.add.f32.msk $0xffff, v60  }
0x524: {  	v13 =	vmul.f32 s3, v55;
	v11 =	vld [tilespmem:s31+$0xC70]  }
0x525: {  	[tilespmem:s1+$0x7080] =	vst.add.f32.msk $0xffff, v10  }
0x526: {  	[tilespmem:s2+$0x6CF0] =	vst.add.f32.msk $0xffff, v13  }
0x527: {  	[tilespmem:s0+$0x7080] =	vst.add.f32.msk $0xffff, v9;
	v62 =	vmul.f32 s6, v61  }
0x528: {  	[tilespmem:s8+$0x7080] =	vst.add.f32.msk $0xffff, v8;
	v3 =	vmul.f32 s4, v3  }
0x529: {  	[tilespmem:s1+$0x6CF0] =	vst.add.f32.msk $0xffff, v62;
	v63 =	vmul.f32 s11, v11  }
0x52a: {  	[tilespmem:s0+$0x6CF0] =	vst.add.f32.msk $0xffff, v3  }
0x52b: {  	[tilespmem:s8+$0x6CF0] =	vst.add.f32.msk $0xffff, v63  }
.Ltmp4:
0x52c: {  	(pc) =	sbr.rel @p0 .LBB2_7-.Ltmp4, $2  }
0x52d: {  	_ =	sdelay $0x2  }
0x52e: {  	s1 =	simm.s32 $0x1;
	p1 =	por $0x0, $0x0  }
0x52f: {  	s8 =	simm.s32 $0x0  }
0x530: {  	s0 =	rddreg [dreg:$0x12];
	s1 =	simm.s32 $0x6080;
	s2 =	simm.s32 $0x2  }
0x531: {  	[hbm4b:s0+s8] =	stream.linear.scatter [tilespmem:s1], [sflag:$0x2], $0x2800, $0x38;
	[tilespmem:$0x8880] =	vst v63  }
0x532: {  	_ =	swait.ge [sflag:s2], $0x2800  }
0x533: {  	s9 =	rddreg [dreg:$0x14]  }
0x534: {  	s31 =	rddreg [dreg:$0x13];
	s9 =	sadd.s32 $0x1, s9  }
0x535: {  	p0 =	sne.s32 s9, s31  }
.Ltmp5:
0x536: {  	_ = 	snop;
	(pc) =	sbr.rel @p0 .LBB2_1-.Ltmp5, $4  }
.Ltmp6:
0x537: {  	_ = 	snop;
	(pc) =	sbr.rel @!p0 .LBB2_11-.Ltmp6, $4  }
0x538: {  	_ = 	snop  }
0x539: {  	[sflag:s2] =	ssyncset.done $0x0  }
0x53a: {  	[sflag:s2] =	ssyncadd.s32 $0xFFFFD800  }
0x53b: {  	_ = 	snop  }
.LBB2_2:
.Ltmp7:
0x53c: {  	(pc) =	sbr.rel .LBB2_5-.Ltmp7, $2  }
0x53d: {  	_ =	sdelay $0x2  }
0x53e: {  	s1 =	simm.s32 $0x0  }
.LBB2_11:
0x53f: {  	_ =	sfence.sel $0x180000  }
0x540: {  	[bflag:$0x0] =	sbarrier.arrive $0xFFFF  }
0x541: {  	_ =	strace $0x90000047  }
0x542: {  	s0 =	stileid.u32;
	[bflag:$0x2] =	sbarrier.arrive $0xFFFF  }
0x543: {  	p0 =	sne.s32 s0, $0x0;
	s0 =	rddreg [dreg:$0x3]  }
0x544: {  	s0 =	sadd.s32 @!p0 $0x100000, s0  }
0x545: {  	[sflag:s0] =	ssyncadd.tile.s32 @!p0 $0x1;
	_ =	shalt  }
.Lfunc_end2:
_tile_overlayer_lowered:
.L_overlay_start_2:
0x546: {  	(tag) =	ssettag $0x2  }
0x547: {  	s0 =	rddreg [dreg:$0x0];
	s2 =	stileid.u32  }
0x548: {  	s1 =	rddreg [dreg:$0x1];
	p0 =	sne.s32 s2, $0x0  }
0x549: {  	s3 =	rddreg [dreg:$0x2];
	[bflag:$0x3] =	sbarrier.arrive $0xFFFF;
	s2 =	simm.s32 @!p0 $0x1C02  }
0x54a: {  	[timem:s3], [sflag:s2] =	dma.local @!p0 [hbm:s0], s1  }
0x54b: {  	s0 =	simm.s32 @!p0 $0x2  }
0x54c: {  	_ =	swait.ge @!p0 [sflag:s0], s1  }
0x54d: {  	s1 =	ssub.s32 @!p0 $0x0, s1;
	[sflag:s0] =	ssyncset.done @!p0 $0x0  }
0x54e: {  	[sflag:s0] =	ssyncadd.s32 @!p0 s1  }
0x54f: {  	[bflag:$0x3] =	sbarrier.arrive $0xFFFF  }
0x550: {  	_ =	shalt  }

</sc_bundles>
